<compile_context>
chip_gen: v7x
topology: tpu7x:2x2x1
jax: 0.10.2.dev20260603
libtpu: 0.0.44.dev20260713+nightly
codegen_flags: <defaults>
</compile_context>

<pallas_src>
import functools

import jax
import jax.numpy as jnp
from jax import lax
from jax.experimental import pallas as pl
from jax.experimental.pallas import tpu as pltpu
from jax.experimental.pallas import tpu_sc as plsc

N = 10000
NPAD = 10240
C = 128
E = 320000
EP = 327680
NC, NS = 2, 16
NW = NC * NS
K = 128
STEPS = EP // NW // K
RPT = NPAD // NS
ZB = 64
BN_EPS = 1e-5

_mesh = plsc.VectorSubcoreMesh(
    core_axis_name="c", subcore_axis_name="s", num_cores=NC, num_subcores=NS)


HR = NPAD // K


@functools.partial(
    pl.kernel,
    out_type=jax.ShapeDtypeStruct((NW, HR, K), jnp.float32),
    mesh=_mesh,
    compiler_params=pltpu.CompilerParams(needs_layout_passes=False),
    scratch_types=[
        pltpu.VMEM((HR, K), jnp.float32),
        pltpu.VMEM((STEPS, K), jnp.int32),
    ],
)
def _deg_kernel(dst_hbm, zeros_hbm, out_hbm, hist_v, idx_v):
    c = lax.axis_index("c")
    s = lax.axis_index("s")
    wid = s * NC + c
    pltpu.sync_copy(zeros_hbm, hist_v)
    pltpu.sync_copy(dst_hbm.at[wid], idx_v)
    ones16 = jnp.full((16,), 1.0, jnp.float32)

    def body(j, carry):
        row = idx_v.at[j]
        for k in range(K // 16):
            idx16 = row[pl.ds(k * 16, 16)]
            plsc.addupdate_scatter(
                hist_v,
                [lax.shift_right_logical(idx16, 7),
                 lax.bitwise_and(idx16, 127)],
                ones16)
        return carry

    lax.fori_loop(0, STEPS, body, 0)
    pltpu.sync_copy(hist_v, out_hbm.at[wid])


def _dred_body(hist_ref, deg_ref):
    deg_ref[...] = jnp.sum(hist_ref[...], axis=0)


_dred = pl.pallas_call(
    _dred_body,
    grid=(1,),
    in_specs=[pl.BlockSpec((NW, HR, K), lambda i: (0, 0, 0))],
    out_specs=pl.BlockSpec((HR, K), lambda i: (0, 0)),
    out_shape=jax.ShapeDtypeStruct((HR, K), jnp.float32),
)


@functools.partial(
    pl.kernel,
    out_type=jax.ShapeDtypeStruct((NC, NS, RPT, C), jnp.float32),
    mesh=_mesh,
    scratch_types=[
        pltpu.VMEM_SHARED((NPAD, C), jnp.float32),
        pltpu.VMEM((STEPS // 2, K), jnp.int32),
        pltpu.VMEM((STEPS // 2, K), jnp.int32),
        pltpu.VMEM((K, C), jnp.float32),
        pltpu.VMEM((K, C), jnp.float32),
        pltpu.SemaphoreType.DMA,
        pltpu.SemaphoreType.DMA,
        pltpu.SemaphoreType.DMA,
        pltpu.SemaphoreType.DMA,
    ],
)
def _msg_kernel(u_hbm, src_hbm, dst_hbm, zeros_hbm, out_hbm, acc_sp, si_v,
                di_v, r_a, r_b, sem_a, sem_b, sem_a2, sem_b2):
    c = lax.axis_index("c")
    s = lax.axis_index("s")
    wid = s * NC + c
    pltpu.sync_copy(zeros_hbm, r_a.at[pl.ds(0, ZB)])
    for z in range(RPT // ZB):
        pltpu.sync_copy(r_a.at[pl.ds(0, ZB)],
                        acc_sp.at[pl.ds(s * RPT + z * ZB, ZB)])
    plsc.subcore_barrier()

    KH = K // 2

    def gather(j, buf, s0, s1):
        pltpu.async_copy(acc_sp.at[si_v.at[j, pl.ds(0, KH)]],
                         buf.at[pl.ds(0, KH)], s0)
        pltpu.async_copy(acc_sp.at[si_v.at[j, pl.ds(KH, KH)]],
                         buf.at[pl.ds(KH, KH)], s1)

    def gwait(j, buf, s0, s1):
        pltpu.make_async_copy(acc_sp.at[si_v.at[j, pl.ds(0, KH)]],
                              buf.at[pl.ds(0, KH)], s0).wait()
        pltpu.make_async_copy(acc_sp.at[si_v.at[j, pl.ds(KH, KH)]],
                              buf.at[pl.ds(KH, KH)], s1).wait()

    HS = STEPS // 2
    for half in range(2):
        pltpu.sync_copy(src_hbm.at[wid, pl.ds(half * HS, HS)], si_v)
        pltpu.sync_copy(dst_hbm.at[wid, pl.ds(half * HS, HS)], di_v)
        gather(0, r_a, sem_a, sem_a2)

        def pair(jj, carry):
            j0 = jj * 2
            gather(j0 + 1, r_b, sem_b, sem_b2)
            gwait(j0, r_a, sem_a, sem_a2)
            pltpu.sync_copy(r_a, acc_sp.at[di_v.at[j0]], add=True)

            @pl.when(jj + 1 < HS // 2)
            def _():
                gather(j0 + 2, r_a, sem_a, sem_a2)

            gwait(j0 + 1, r_b, sem_b, sem_b2)
            pltpu.sync_copy(r_b, acc_sp.at[di_v.at[j0 + 1]], add=True)
            return carry

        lax.fori_loop(0, HS // 2, pair, 0)
    plsc.subcore_barrier()
    for z in range(RPT // ZB):
        pltpu.sync_copy(acc_sp.at[pl.ds(s * RPT + z * ZB, ZB)],
                        r_a.at[pl.ds(0, ZB)])
        pltpu.sync_copy(r_a.at[pl.ds(0, ZB)],
                        out_hbm.at[c, s, pl.ds(z * ZB, ZB)])


_RB = 1000


def _mm_body(x_ref, w_ref, deg_ref, u_ref, dinv_ref):
    dinv = lax.rsqrt(deg_ref[...] + 1.0)
    xw = jnp.dot(x_ref[...], w_ref[...], preferred_element_type=jnp.float32)
    u_ref[...] = xw * dinv
    dinv_ref[...] = dinv


_mm = pl.pallas_call(
    _mm_body,
    grid=(N // _RB,),
    in_specs=[
        pl.BlockSpec((_RB, C), lambda i: (i, 0)),
        pl.BlockSpec((C, C), lambda i: (0, 0)),
        pl.BlockSpec((_RB, 1), lambda i: (i, 0)),
    ],
    out_specs=[
        pl.BlockSpec((_RB, C), lambda i: (i, 0)),
        pl.BlockSpec((_RB, 1), lambda i: (i, 0)),
    ],
    out_shape=[
        jax.ShapeDtypeStruct((N, C), jnp.float32),
        jax.ShapeDtypeStruct((N, 1), jnp.float32),
    ],
)


def _stat_body(s0_ref, s1_ref, u_ref, dinv_ref, b_ref, h_ref, sum_ref,
               sq_ref):
    i = pl.program_id(0)
    h = ((s0_ref[...] + s1_ref[...] + u_ref[...]) * dinv_ref[...] +
         b_ref[...])
    h_ref[...] = h

    @pl.when(i == 0)
    def _():
        sum_ref[...] = jnp.zeros_like(sum_ref)
        sq_ref[...] = jnp.zeros_like(sq_ref)

    sum_ref[...] += jnp.sum(h, axis=0, keepdims=True)
    sq_ref[...] += jnp.sum(h * h, axis=0, keepdims=True)


_stats = pl.pallas_call(
    _stat_body,
    grid=(N // _RB,),
    in_specs=[
        pl.BlockSpec((_RB, C), lambda i: (i, 0)),
        pl.BlockSpec((_RB, C), lambda i: (i, 0)),
        pl.BlockSpec((_RB, C), lambda i: (i, 0)),
        pl.BlockSpec((_RB, 1), lambda i: (i, 0)),
        pl.BlockSpec((1, C), lambda i: (0, 0)),
    ],
    out_specs=[
        pl.BlockSpec((_RB, C), lambda i: (i, 0)),
        pl.BlockSpec((1, C), lambda i: (0, 0)),
        pl.BlockSpec((1, C), lambda i: (0, 0)),
    ],
    out_shape=[
        jax.ShapeDtypeStruct((N, C), jnp.float32),
        jax.ShapeDtypeStruct((1, C), jnp.float32),
        jax.ShapeDtypeStruct((1, C), jnp.float32),
    ],
)


def _norm_body(h_ref, sum_ref, sq_ref, g_ref, bt_ref, o_ref):
    mean = sum_ref[...] * (1.0 / N)
    var = sq_ref[...] * (1.0 / N) - mean * mean
    inv = lax.rsqrt(var + BN_EPS)
    o_ref[...] = jnp.maximum((h_ref[...] - mean) * (inv * g_ref[...]) +
                             bt_ref[...], 0.0)


_norm = pl.pallas_call(
    _norm_body,
    grid=(N // _RB,),
    in_specs=[
        pl.BlockSpec((_RB, C), lambda i: (i, 0)),
        pl.BlockSpec((1, C), lambda i: (0, 0)),
        pl.BlockSpec((1, C), lambda i: (0, 0)),
        pl.BlockSpec((1, C), lambda i: (0, 0)),
        pl.BlockSpec((1, C), lambda i: (0, 0)),
    ],
    out_specs=pl.BlockSpec((_RB, C), lambda i: (i, 0)),
    out_shape=jax.ShapeDtypeStruct((N, C), jnp.float32),
)


def kernel(x, edge_index, W, b, gamma, beta):
    ei = edge_index.astype(jnp.int32)
    pad_src = jnp.zeros((EP - E,), jnp.int32)
    pad_dst = jnp.full((EP - E,), N, jnp.int32)
    src_e = jnp.concatenate([ei[0], pad_src]).reshape(NW, STEPS, K)
    dst_e = jnp.concatenate([ei[1], pad_dst]).reshape(NW, STEPS, K)
    zeros_h = jnp.zeros((HR, K), jnp.float32)
    zeros_c = jnp.zeros((ZB, C), jnp.float32)

    hist = _deg_kernel(dst_e, zeros_h)
    deg = _dred(hist).reshape(NPAD)[:N, None]
    u, dinv = _mm(x, W, deg)
    sp = _msg_kernel(u, src_e, dst_e, zeros_c).reshape(NC, NPAD, C)[:, :N]
    h, hsum, hsq = _stats(sp[0], sp[1], u, dinv, b.reshape(1, C))
    return _norm(h, hsum, hsq, gamma.reshape(1, C), beta.reshape(1, C))

# --- scband reference (transcript-rebuilt; emitter-appended) ---
"""Pipeline reference for scband-gcnlayer-70489003262548 (READ-ONLY COPY).

The authoritative reference and input builder live on the scoring server;
editing this copy changes nothing except your own understanding.
"""

import jax, jax.numpy as jnp
import numpy as np

N_NODES = 10000
IN_CH = 128
OUT_CH = 128
BN_EPS = 1e-5


def setup_inputs(seed: int = 0) -> dict:
    key = jax.random.key(seed)
    k1, k2, k3, k4 = jax.random.split(key, 4)
    x = jax.random.normal(k1, (N_NODES, IN_CH), dtype=jnp.float32)
    edge_index = jax.random.randint(k2, (2, 320000), 0, N_NODES, dtype=jnp.int64)
    # GCNConv linear weight (glorot) and bias (zeros), as in torch_geometric defaults
    limit = np.sqrt(6.0 / (IN_CH + OUT_CH))
    W = jax.random.uniform(k3, (IN_CH, OUT_CH), dtype=jnp.float32, minval=-limit, maxval=limit)
    b = jnp.zeros((OUT_CH,), dtype=jnp.float32)
    # BatchNorm1d affine params
    gamma = jnp.ones((OUT_CH,), dtype=jnp.float32)
    beta = jnp.zeros((OUT_CH,), dtype=jnp.float32)
    return {"x": x, "edge_index": edge_index, "W": W, "b": b, "gamma": gamma, "beta": beta}


def _gcn_conv(x, edge_index, W, b):
    # Faithful GCNConv (PyG defaults): x' = D^{-1/2} (A + I) D^{-1/2} (x W) + b
    N = x.shape[0]
    xw = x @ W
    src = edge_index[0]
    dst = edge_index[1]
    loop = jnp.arange(N, dtype=edge_index.dtype)
    src2 = jnp.concatenate([src, loop])
    dst2 = jnp.concatenate([dst, loop])
    deg = jnp.zeros((N,), dtype=xw.dtype).at[dst2].add(1.0)
    dinv = jnp.where(deg > 0, deg ** -0.5, 0.0)
    norm = dinv[src2] * dinv[dst2]
    msg = xw[src2] * norm[:, None]
    out = jnp.zeros_like(xw).at[dst2].add(msg)
    return out + b


def reference(x, edge_index, W, b, gamma, beta):
    h = _gcn_conv(x, edge_index, W, b)
    # BatchNorm1d (training-mode batch statistics, biased variance)
    mean = jnp.mean(h, axis=0)
    var = jnp.mean((h - mean) ** 2, axis=0)
    h = (h - mean) / jnp.sqrt(var + BN_EPS) * gamma + beta
    # ReLU activation
    h = jax.nn.relu(h)
    # Dropout is identity in deterministic/eval reference
    return h

if __name__ == "__main__":
    import jax
    _d = setup_inputs()
    print(jax.jit(kernel)(*tuple(_d.values())))

</pallas_src>

<mosaic_0001>
#map = affine_map<(d0, d1) -> (0, 0, 0)>
#map1 = affine_map<(d0, d1) -> (0, 0)>
module attributes {stable_mosaic.version = 14 : i64} {
  func.func @_deg_kernel(%arg0: i32, %arg1: i32, %arg2: memref<32x80x128xi32, #tpu.memory_space<hbm>>, %arg3: memref<80x128xf32, #tpu.memory_space<hbm>>, %arg4: memref<32x80x128xf32, #tpu.memory_space<hbm>>, %arg5: memref<80x128xf32, #tpu.memory_space<vmem>>, %arg6: memref<80x128xi32, #tpu.memory_space<vmem>>) attributes {dimension_semantics = [#tpu.dimension_semantics<core_parallel>, #tpu.dimension_semantics<subcore_parallel>], iteration_bounds = array<i64: 2, 16>, scalar_prefetch = 0 : i64, scratch_operands = 2 : i64, tpu.core_type = #tpu.core_type<sc_vector_subcore>, window_params = [{transform_indices = #map}, {transform_indices = #map1}, {transform_indices = #map}]} {
    %mul3A = arith.constant 2 : i32
    %mul3A_0 = arith.muli %arg1, %mul3A : i32
    %add3A = arith.addi %mul3A_0, %arg0 : i32
    "tpu.region"() ({
      %run_scoped3A = tpu.sem_alloc : memref<!tpu.dma_semaphore, #tpu.memory_space<semaphore_mem>>
      tpu.enqueue_dma source(%arg3 : memref<80x128xf32, #tpu.memory_space<hbm>>) target(%arg5 : memref<80x128xf32, #tpu.memory_space<vmem>>) target_semaphore(%run_scoped3A : memref<!tpu.dma_semaphore, #tpu.memory_space<semaphore_mem>>)
      tpu.wait_dma2 semaphore(%run_scoped3A : memref<!tpu.dma_semaphore, #tpu.memory_space<semaphore_mem>>) src(%arg3 : memref<80x128xf32, #tpu.memory_space<hbm>>) dst(%arg5 : memref<80x128xf32, #tpu.memory_space<vmem>>)
      tpu.yield
    }) : () -> ()
    "tpu.region"() ({
      %run_scoped3A = tpu.sem_alloc : memref<!tpu.dma_semaphore, #tpu.memory_space<semaphore_mem>>
      %dma_start3A = arith.constant 0 : i32
      %dma_start3A_7 = arith.constant 0 : i32
      %dma_start3A_8 = tpu.memref_slice %arg2[%add3A, %dma_start3A, %dma_start3A_7] : memref<32x80x128xi32, #tpu.memory_space<hbm>> -> memref<1x80x128xi32, #tpu.memory_space<hbm>>
      %dma_start3A_9 = tpu.memref_squeeze %dma_start3A_8 : memref<1x80x128xi32, #tpu.memory_space<hbm>> -> memref<80x128xi32, #tpu.memory_space<hbm>>
      %dma_start3A_10 = arith.constant 0 : i32
      %dma_start3A_11 = arith.constant 0 : i32
      %dma_start3A_12 = tpu.memref_slice %arg2[%add3A, %dma_start3A_10, %dma_start3A_11] : memref<32x80x128xi32, #tpu.memory_space<hbm>> -> memref<1x80x128xi32, #tpu.memory_space<hbm>>
      %dma_start3A_13 = tpu.memref_squeeze %dma_start3A_12 : memref<1x80x128xi32, #tpu.memory_space<hbm>> -> memref<80x128xi32, #tpu.memory_space<hbm>>
      tpu.enqueue_dma source(%dma_start3A_13 : memref<80x128xi32, #tpu.memory_space<hbm>>) target(%arg6 : memref<80x128xi32, #tpu.memory_space<vmem>>) target_semaphore(%run_scoped3A : memref<!tpu.dma_semaphore, #tpu.memory_space<semaphore_mem>>)
      %dma_wait3A = arith.constant 0 : i32
      %dma_wait3A_14 = arith.constant 0 : i32
      %dma_wait3A_15 = tpu.memref_slice %arg2[%add3A, %dma_wait3A, %dma_wait3A_14] : memref<32x80x128xi32, #tpu.memory_space<hbm>> -> memref<1x80x128xi32, #tpu.memory_space<hbm>>
      %dma_wait3A_16 = tpu.memref_squeeze %dma_wait3A_15 : memref<1x80x128xi32, #tpu.memory_space<hbm>> -> memref<80x128xi32, #tpu.memory_space<hbm>>
      %dma_wait3A_17 = arith.constant 0 : i32
      %dma_wait3A_18 = arith.constant 0 : i32
      %dma_wait3A_19 = tpu.memref_slice %arg2[%add3A, %dma_wait3A_17, %dma_wait3A_18] : memref<32x80x128xi32, #tpu.memory_space<hbm>> -> memref<1x80x128xi32, #tpu.memory_space<hbm>>
      %dma_wait3A_20 = tpu.memref_squeeze %dma_wait3A_19 : memref<1x80x128xi32, #tpu.memory_space<hbm>> -> memref<80x128xi32, #tpu.memory_space<hbm>>
      tpu.wait_dma2 semaphore(%run_scoped3A : memref<!tpu.dma_semaphore, #tpu.memory_space<semaphore_mem>>) src(%dma_wait3A_20 : memref<80x128xi32, #tpu.memory_space<hbm>>) dst(%arg6 : memref<80x128xi32, #tpu.memory_space<vmem>>)
      tpu.yield
    }) : () -> ()
    %broadcast_in_dim3A = arith.constant 1.000000e+00 : f32
    %broadcast_in_dim3A_1 = vector.broadcast %broadcast_in_dim3A : f32 to vector<16xf32>
    %scan3A = arith.constant 0 : i32
    %scan3A_2 = arith.constant 0 : i32
    %scan3A_3 = arith.constant 80 : i32
    %scan3A_4 = arith.addi %scan3A_2, %scan3A_3 : i32
    %scan3A_5 = arith.constant 1 : i32
    scf.for %scan3A_7 = %scan3A_2 to %scan3A_4 step %scan3A_5  : i32 {
      %get3A = arith.constant 0 : i32
      %get3A_8 = tpu.memref_slice %arg6[%scan3A_7, %get3A] : memref<80x128xi32, #tpu.memory_space<vmem>> -> memref<1x128xi32, #tpu.memory_space<vmem>>
      %get3A_9 = tpu.memref_squeeze %get3A_8 : memref<1x128xi32, #tpu.memory_space<vmem>> -> memref<128xi32, #tpu.memory_space<vmem>>
      %get3A_10 = arith.constant 0 : index
      %get3A_11 = tpu.vector_load %get3A_9[%get3A_10] {strides = array<i32>} : memref<128xi32, #tpu.memory_space<vmem>>, vector<16xi32>,
      %shift_right_logical3A = arith.constant 7 : i32
      %shift_right_logical3A_12 = vector.broadcast %shift_right_logical3A : i32 to vector<16xi32>
      %shift_right_logical3A_13 = arith.shrui %get3A_11, %shift_right_logical3A_12 : vector<16xi32>
      %and3A = arith.constant 127 : i32
      %and3A_14 = vector.broadcast %and3A : i32 to vector<16xi32>
      %and3A_15 = arith.andi %get3A_11, %and3A_14 : vector<16xi32>
      tpu.vector_store_idx %arg5[%shift_right_logical3A_13, %and3A_15], %broadcast_in_dim3A_1 {add = true} : memref<80x128xf32, #tpu.memory_space<vmem>>[vector<16xi32>, vector<16xi32>], vector<16xf32>,
      %get3A_16 = arith.constant 0 : i32
      %get3A_17 = tpu.memref_slice %arg6[%scan3A_7, %get3A_16] : memref<80x128xi32, #tpu.memory_space<vmem>> -> memref<1x128xi32, #tpu.memory_space<vmem>>
      %get3A_18 = tpu.memref_squeeze %get3A_17 : memref<1x128xi32, #tpu.memory_space<vmem>> -> memref<128xi32, #tpu.memory_space<vmem>>
      %get3A_19 = arith.constant 16 : index
      %get3A_20 = tpu.vector_load %get3A_18[%get3A_19] {strides = array<i32>} : memref<128xi32, #tpu.memory_space<vmem>>, vector<16xi32>,
      %shift_right_logical3A_21 = arith.constant 7 : i32
      %shift_right_logical3A_22 = vector.broadcast %shift_right_logical3A_21 : i32 to vector<16xi32>
      %shift_right_logical3A_23 = arith.shrui %get3A_20, %shift_right_logical3A_22 : vector<16xi32>
      %and3A_24 = arith.constant 127 : i32
      %and3A_25 = vector.broadcast %and3A_24 : i32 to vector<16xi32>
      %and3A_26 = arith.andi %get3A_20, %and3A_25 : vector<16xi32>
      tpu.vector_store_idx %arg5[%shift_right_logical3A_23, %and3A_26], %broadcast_in_dim3A_1 {add = true} : memref<80x128xf32, #tpu.memory_space<vmem>>[vector<16xi32>, vector<16xi32>], vector<16xf32>,
      %get3A_27 = arith.constant 0 : i32
      %get3A_28 = tpu.memref_slice %arg6[%scan3A_7, %get3A_27] : memref<80x128xi32, #tpu.memory_space<vmem>> -> memref<1x128xi32, #tpu.memory_space<vmem>>
      %get3A_29 = tpu.memref_squeeze %get3A_28 : memref<1x128xi32, #tpu.memory_space<vmem>> -> memref<128xi32, #tpu.memory_space<vmem>>
      %get3A_30 = arith.constant 32 : index
      %get3A_31 = tpu.vector_load %get3A_29[%get3A_30] {strides = array<i32>} : memref<128xi32, #tpu.memory_space<vmem>>, vector<16xi32>,
      %shift_right_logical3A_32 = arith.constant 7 : i32
      %shift_right_logical3A_33 = vector.broadcast %shift_right_logical3A_32 : i32 to vector<16xi32>
      %shift_right_logical3A_34 = arith.shrui %get3A_31, %shift_right_logical3A_33 : vector<16xi32>
      %and3A_35 = arith.constant 127 : i32
      %and3A_36 = vector.broadcast %and3A_35 : i32 to vector<16xi32>
      %and3A_37 = arith.andi %get3A_31, %and3A_36 : vector<16xi32>
      tpu.vector_store_idx %arg5[%shift_right_logical3A_34, %and3A_37], %broadcast_in_dim3A_1 {add = true} : memref<80x128xf32, #tpu.memory_space<vmem>>[vector<16xi32>, vector<16xi32>], vector<16xf32>,
      %get3A_38 = arith.constant 0 : i32
      %get3A_39 = tpu.memref_slice %arg6[%scan3A_7, %get3A_38] : memref<80x128xi32, #tpu.memory_space<vmem>> -> memref<1x128xi32, #tpu.memory_space<vmem>>
      %get3A_40 = tpu.memref_squeeze %get3A_39 : memref<1x128xi32, #tpu.memory_space<vmem>> -> memref<128xi32, #tpu.memory_space<vmem>>
      %get3A_41 = arith.constant 48 : index
      %get3A_42 = tpu.vector_load %get3A_40[%get3A_41] {strides = array<i32>} : memref<128xi32, #tpu.memory_space<vmem>>, vector<16xi32>,
      %shift_right_logical3A_43 = arith.constant 7 : i32
      %shift_right_logical3A_44 = vector.broadcast %shift_right_logical3A_43 : i32 to vector<16xi32>
      %shift_right_logical3A_45 = arith.shrui %get3A_42, %shift_right_logical3A_44 : vector<16xi32>
      %and3A_46 = arith.constant 127 : i32
      %and3A_47 = vector.broadcast %and3A_46 : i32 to vector<16xi32>
      %and3A_48 = arith.andi %get3A_42, %and3A_47 : vector<16xi32>
      tpu.vector_store_idx %arg5[%shift_right_logical3A_45, %and3A_48], %broadcast_in_dim3A_1 {add = true} : memref<80x128xf32, #tpu.memory_space<vmem>>[vector<16xi32>, vector<16xi32>], vector<16xf32>,
      %get3A_49 = arith.constant 0 : i32
      %get3A_50 = tpu.memref_slice %arg6[%scan3A_7, %get3A_49] : memref<80x128xi32, #tpu.memory_space<vmem>> -> memref<1x128xi32, #tpu.memory_space<vmem>>
      %get3A_51 = tpu.memref_squeeze %get3A_50 : memref<1x128xi32, #tpu.memory_space<vmem>> -> memref<128xi32, #tpu.memory_space<vmem>>
      %get3A_52 = arith.constant 64 : index
      %get3A_53 = tpu.vector_load %get3A_51[%get3A_52] {strides = array<i32>} : memref<128xi32, #tpu.memory_space<vmem>>, vector<16xi32>,
      %shift_right_logical3A_54 = arith.constant 7 : i32
      %shift_right_logical3A_55 = vector.broadcast %shift_right_logical3A_54 : i32 to vector<16xi32>
      %shift_right_logical3A_56 = arith.shrui %get3A_53, %shift_right_logical3A_55 : vector<16xi32>
      %and3A_57 = arith.constant 127 : i32
      %and3A_58 = vector.broadcast %and3A_57 : i32 to vector<16xi32>
      %and3A_59 = arith.andi %get3A_53, %and3A_58 : vector<16xi32>
      tpu.vector_store_idx %arg5[%shift_right_logical3A_56, %and3A_59], %broadcast_in_dim3A_1 {add = true} : memref<80x128xf32, #tpu.memory_space<vmem>>[vector<16xi32>, vector<16xi32>], vector<16xf32>,
      %get3A_60 = arith.constant 0 : i32
      %get3A_61 = tpu.memref_slice %arg6[%scan3A_7, %get3A_60] : memref<80x128xi32, #tpu.memory_space<vmem>> -> memref<1x128xi32, #tpu.memory_space<vmem>>
      %get3A_62 = tpu.memref_squeeze %get3A_61 : memref<1x128xi32, #tpu.memory_space<vmem>> -> memref<128xi32, #tpu.memory_space<vmem>>
      %get3A_63 = arith.constant 80 : index
      %get3A_64 = tpu.vector_load %get3A_62[%get3A_63] {strides = array<i32>} : memref<128xi32, #tpu.memory_space<vmem>>, vector<16xi32>,
      %shift_right_logical3A_65 = arith.constant 7 : i32
      %shift_right_logical3A_66 = vector.broadcast %shift_right_logical3A_65 : i32 to vector<16xi32>
      %shift_right_logical3A_67 = arith.shrui %get3A_64, %shift_right_logical3A_66 : vector<16xi32>
      %and3A_68 = arith.constant 127 : i32
      %and3A_69 = vector.broadcast %and3A_68 : i32 to vector<16xi32>
      %and3A_70 = arith.andi %get3A_64, %and3A_69 : vector<16xi32>
      tpu.vector_store_idx %arg5[%shift_right_logical3A_67, %and3A_70], %broadcast_in_dim3A_1 {add = true} : memref<80x128xf32, #tpu.memory_space<vmem>>[vector<16xi32>, vector<16xi32>], vector<16xf32>,
      %get3A_71 = arith.constant 0 : i32
      %get3A_72 = tpu.memref_slice %arg6[%scan3A_7, %get3A_71] : memref<80x128xi32, #tpu.memory_space<vmem>> -> memref<1x128xi32, #tpu.memory_space<vmem>>
      %get3A_73 = tpu.memref_squeeze %get3A_72 : memref<1x128xi32, #tpu.memory_space<vmem>> -> memref<128xi32, #tpu.memory_space<vmem>>
      %get3A_74 = arith.constant 96 : index
      %get3A_75 = tpu.vector_load %get3A_73[%get3A_74] {strides = array<i32>} : memref<128xi32, #tpu.memory_space<vmem>>, vector<16xi32>,
      %shift_right_logical3A_76 = arith.constant 7 : i32
      %shift_right_logical3A_77 = vector.broadcast %shift_right_logical3A_76 : i32 to vector<16xi32>
      %shift_right_logical3A_78 = arith.shrui %get3A_75, %shift_right_logical3A_77 : vector<16xi32>
      %and3A_79 = arith.constant 127 : i32
      %and3A_80 = vector.broadcast %and3A_79 : i32 to vector<16xi32>
      %and3A_81 = arith.andi %get3A_75, %and3A_80 : vector<16xi32>
      tpu.vector_store_idx %arg5[%shift_right_logical3A_78, %and3A_81], %broadcast_in_dim3A_1 {add = true} : memref<80x128xf32, #tpu.memory_space<vmem>>[vector<16xi32>, vector<16xi32>], vector<16xf32>,
      %get3A_82 = arith.constant 0 : i32
      %get3A_83 = tpu.memref_slice %arg6[%scan3A_7, %get3A_82] : memref<80x128xi32, #tpu.memory_space<vmem>> -> memref<1x128xi32, #tpu.memory_space<vmem>>
      %get3A_84 = tpu.memref_squeeze %get3A_83 : memref<1x128xi32, #tpu.memory_space<vmem>> -> memref<128xi32, #tpu.memory_space<vmem>>
      %get3A_85 = arith.constant 112 : index
      %get3A_86 = tpu.vector_load %get3A_84[%get3A_85] {strides = array<i32>} : memref<128xi32, #tpu.memory_space<vmem>>, vector<16xi32>,
      %shift_right_logical3A_87 = arith.constant 7 : i32
      %shift_right_logical3A_88 = vector.broadcast %shift_right_logical3A_87 : i32 to vector<16xi32>
      %shift_right_logical3A_89 = arith.shrui %get3A_86, %shift_right_logical3A_88 : vector<16xi32>
      %and3A_90 = arith.constant 127 : i32
      %and3A_91 = vector.broadcast %and3A_90 : i32 to vector<16xi32>
      %and3A_92 = arith.andi %get3A_86, %and3A_91 : vector<16xi32>
      tpu.vector_store_idx %arg5[%shift_right_logical3A_89, %and3A_92], %broadcast_in_dim3A_1 {add = true} : memref<80x128xf32, #tpu.memory_space<vmem>>[vector<16xi32>, vector<16xi32>], vector<16xf32>,
    }
    %scan3A_6 = arith.constant 80 : i32
    "tpu.region"() ({
      %run_scoped3A = tpu.sem_alloc : memref<!tpu.dma_semaphore, #tpu.memory_space<semaphore_mem>>
      %dma_start3A = arith.constant 0 : i32
      %dma_start3A_7 = arith.constant 0 : i32
      %dma_start3A_8 = tpu.memref_slice %arg4[%add3A, %dma_start3A, %dma_start3A_7] : memref<32x80x128xf32, #tpu.memory_space<hbm>> -> memref<1x80x128xf32, #tpu.memory_space<hbm>>
      %dma_start3A_9 = tpu.memref_squeeze %dma_start3A_8 : memref<1x80x128xf32, #tpu.memory_space<hbm>> -> memref<80x128xf32, #tpu.memory_space<hbm>>
      %dma_start3A_10 = arith.constant 0 : i32
      %dma_start3A_11 = arith.constant 0 : i32
      %dma_start3A_12 = tpu.memref_slice %arg4[%add3A, %dma_start3A_10, %dma_start3A_11] : memref<32x80x128xf32, #tpu.memory_space<hbm>> -> memref<1x80x128xf32, #tpu.memory_space<hbm>>
      %dma_start3A_13 = tpu.memref_squeeze %dma_start3A_12 : memref<1x80x128xf32, #tpu.memory_space<hbm>> -> memref<80x128xf32, #tpu.memory_space<hbm>>
      tpu.enqueue_dma source(%arg5 : memref<80x128xf32, #tpu.memory_space<vmem>>) target(%dma_start3A_13 : memref<80x128xf32, #tpu.memory_space<hbm>>) target_semaphore(%run_scoped3A : memref<!tpu.dma_semaphore, #tpu.memory_space<semaphore_mem>>)
      %dma_wait3A = arith.constant 0 : i32
      %dma_wait3A_14 = arith.constant 0 : i32
      %dma_wait3A_15 = tpu.memref_slice %arg4[%add3A, %dma_wait3A, %dma_wait3A_14] : memref<32x80x128xf32, #tpu.memory_space<hbm>> -> memref<1x80x128xf32, #tpu.memory_space<hbm>>
      %dma_wait3A_16 = tpu.memref_squeeze %dma_wait3A_15 : memref<1x80x128xf32, #tpu.memory_space<hbm>> -> memref<80x128xf32, #tpu.memory_space<hbm>>
      %dma_wait3A_17 = arith.constant 0 : i32
      %dma_wait3A_18 = arith.constant 0 : i32
      %dma_wait3A_19 = tpu.memref_slice %arg4[%add3A, %dma_wait3A_17, %dma_wait3A_18] : memref<32x80x128xf32, #tpu.memory_space<hbm>> -> memref<1x80x128xf32, #tpu.memory_space<hbm>>
      %dma_wait3A_20 = tpu.memref_squeeze %dma_wait3A_19 : memref<1x80x128xf32, #tpu.memory_space<hbm>> -> memref<80x128xf32, #tpu.memory_space<hbm>>
      tpu.wait_dma2 semaphore(%run_scoped3A : memref<!tpu.dma_semaphore, #tpu.memory_space<semaphore_mem>>) src(%arg5 : memref<80x128xf32, #tpu.memory_space<vmem>>) dst(%dma_wait3A_20 : memref<80x128xf32, #tpu.memory_space<hbm>>)
      tpu.yield
    }) : () -> ()
    return
  }
}

#map = affine_map<(d0, d1) -> (0, 0)>
#map1 = affine_map<(d0, d1) -> (0, 0, 0)>
#map2 = affine_map<(d0, d1) -> (0, 0, 0, 0)>
module attributes {stable_mosaic.version = 14 : i64} {
  func.func @_msg_kernel(%arg0: i32, %arg1: i32, %arg2: memref<10000x128xf32, #tpu.memory_space<hbm>>, %arg3: memref<32x80x128xi32, #tpu.memory_space<hbm>>, %arg4: memref<32x80x128xi32, #tpu.memory_space<hbm>>, %arg5: memref<64x128xf32, #tpu.memory_space<hbm>>, %arg6: memref<2x16x640x128xf32, #tpu.memory_space<hbm>>, %arg7: memref<10240x128xf32, #tpu.memory_space<vmem_shared>>, %arg8: memref<40x128xi32, #tpu.memory_space<vmem>>, %arg9: memref<40x128xi32, #tpu.memory_space<vmem>>, %arg10: memref<128x128xf32, #tpu.memory_space<vmem>>, %arg11: memref<128x128xf32, #tpu.memory_space<vmem>>, %arg12: memref<!tpu.dma_semaphore, #tpu.memory_space<semaphore_mem>>, %arg13: memref<!tpu.dma_semaphore, #tpu.memory_space<semaphore_mem>>, %arg14: memref<!tpu.dma_semaphore, #tpu.memory_space<semaphore_mem>>, %arg15: memref<!tpu.dma_semaphore, #tpu.memory_space<semaphore_mem>>) attributes {dimension_semantics = [#tpu.dimension_semantics<core_parallel>, #tpu.dimension_semantics<subcore_parallel>], iteration_bounds = array<i64: 2, 16>, scalar_prefetch = 0 : i64, scratch_operands = 9 : i64, tpu.core_type = #tpu.core_type<sc_vector_subcore>, window_params = [{transform_indices = #map}, {transform_indices = #map1}, {transform_indices = #map1}, {transform_indices = #map}, {transform_indices = #map2}]} {
    %mul3A = arith.constant 2 : i32
    %mul3A_0 = arith.muli %arg1, %mul3A : i32
    %add3A = arith.addi %mul3A_0, %arg0 : i32
    "tpu.region"() ({
      %run_scoped3A = tpu.sem_alloc : memref<!tpu.dma_semaphore, #tpu.memory_space<semaphore_mem>>
      %dma_start3A_132 = arith.constant 0 : i32
      %dma_start3A_133 = arith.constant 0 : i32
      %dma_start3A_134 = tpu.memref_slice %arg10[%dma_start3A_132, %dma_start3A_133] : memref<128x128xf32, #tpu.memory_space<vmem>> -> memref<64x128xf32, #tpu.memory_space<vmem>>
      %dma_start3A_135 = arith.constant 0 : i32
      %dma_start3A_136 = arith.constant 0 : i32
      %dma_start3A_137 = tpu.memref_slice %arg10[%dma_start3A_135, %dma_start3A_136] : memref<128x128xf32, #tpu.memory_space<vmem>> -> memref<64x128xf32, #tpu.memory_space<vmem>>
      tpu.enqueue_dma source(%arg5 : memref<64x128xf32, #tpu.memory_space<hbm>>) target(%dma_start3A_137 : memref<64x128xf32, #tpu.memory_space<vmem>>) target_semaphore(%run_scoped3A : memref<!tpu.dma_semaphore, #tpu.memory_space<semaphore_mem>>)
      %dma_wait3A = arith.constant 0 : i32
      %dma_wait3A_138 = arith.constant 0 : i32
      %dma_wait3A_139 = tpu.memref_slice %arg10[%dma_wait3A, %dma_wait3A_138] : memref<128x128xf32, #tpu.memory_space<vmem>> -> memref<64x128xf32, #tpu.memory_space<vmem>>
      %dma_wait3A_140 = arith.constant 0 : i32
      %dma_wait3A_141 = arith.constant 0 : i32
      %dma_wait3A_142 = tpu.memref_slice %arg10[%dma_wait3A_140, %dma_wait3A_141] : memref<128x128xf32, #tpu.memory_space<vmem>> -> memref<64x128xf32, #tpu.memory_space<vmem>>
      tpu.wait_dma2 semaphore(%run_scoped3A : memref<!tpu.dma_semaphore, #tpu.memory_space<semaphore_mem>>) src(%arg5 : memref<64x128xf32, #tpu.memory_space<hbm>>) dst(%dma_wait3A_142 : memref<64x128xf32, #tpu.memory_space<vmem>>)
      tpu.yield
    }) : () -> ()
    %mul3A_1 = arith.constant 640 : i32
    %mul3A_2 = arith.muli %arg1, %mul3A_1 : i32
    %add3A_3 = arith.constant 0 : i32
    %add3A_4 = arith.addi %mul3A_2, %add3A_3 : i32
    "tpu.region"() ({
      %run_scoped3A = tpu.sem_alloc : memref<!tpu.dma_semaphore, #tpu.memory_space<semaphore_mem>>
      %dma_start3A_132 = arith.constant 0 : i32
      %dma_start3A_133 = arith.constant 0 : i32
      %dma_start3A_134 = tpu.memref_slice %arg10[%dma_start3A_132, %dma_start3A_133] : memref<128x128xf32, #tpu.memory_space<vmem>> -> memref<64x128xf32, #tpu.memory_space<vmem>>
      %dma_start3A_135 = arith.constant 0 : i32
      %dma_start3A_136 = tpu.memref_slice %arg7[%add3A_4, %dma_start3A_135] : memref<10240x128xf32, #tpu.memory_space<vmem_shared>> -> memref<64x128xf32, #tpu.memory_space<vmem_shared>>
      %dma_start3A_137 = arith.constant 0 : i32
      %dma_start3A_138 = tpu.memref_slice %arg7[%add3A_4, %dma_start3A_137] : memref<10240x128xf32, #tpu.memory_space<vmem_shared>> -> memref<64x128xf32, #tpu.memory_space<vmem_shared>>
      %dma_start3A_139 = arith.constant 0 : i32
      %dma_start3A_140 = arith.constant 0 : i32
      %dma_start3A_141 = tpu.memref_slice %arg10[%dma_start3A_139, %dma_start3A_140] : memref<128x128xf32, #tpu.memory_space<vmem>> -> memref<64x128xf32, #tpu.memory_space<vmem>>
      tpu.enqueue_dma source(%dma_start3A_141 : memref<64x128xf32, #tpu.memory_space<vmem>>) target(%dma_start3A_138 : memref<64x128xf32, #tpu.memory_space<vmem_shared>>) target_semaphore(%run_scoped3A : memref<!tpu.dma_semaphore, #tpu.memory_space<semaphore_mem>>)
      %dma_wait3A = arith.constant 0 : i32
      %dma_wait3A_142 = arith.constant 0 : i32
      %dma_wait3A_143 = tpu.memref_slice %arg10[%dma_wait3A, %dma_wait3A_142] : memref<128x128xf32, #tpu.memory_space<vmem>> -> memref<64x128xf32, #tpu.memory_space<vmem>>
      %dma_wait3A_144 = arith.constant 0 : i32
      %dma_wait3A_145 = tpu.memref_slice %arg7[%add3A_4, %dma_wait3A_144] : memref<10240x128xf32, #tpu.memory_space<vmem_shared>> -> memref<64x128xf32, #tpu.memory_space<vmem_shared>>
      %dma_wait3A_146 = arith.constant 0 : i32
      %dma_wait3A_147 = tpu.memref_slice %arg7[%add3A_4, %dma_wait3A_146] : memref<10240x128xf32, #tpu.memory_space<vmem_shared>> -> memref<64x128xf32, #tpu.memory_space<vmem_shared>>
      %dma_wait3A_148 = arith.constant 0 : i32
      %dma_wait3A_149 = arith.constant 0 : i32
      %dma_wait3A_150 = tpu.memref_slice %arg10[%dma_wait3A_148, %dma_wait3A_149] : memref<128x128xf32, #tpu.memory_space<vmem>> -> memref<64x128xf32, #tpu.memory_space<vmem>>
      tpu.wait_dma2 semaphore(%run_scoped3A : memref<!tpu.dma_semaphore, #tpu.memory_space<semaphore_mem>>) src(%dma_wait3A_150 : memref<64x128xf32, #tpu.memory_space<vmem>>) dst(%dma_wait3A_147 : memref<64x128xf32, #tpu.memory_space<vmem_shared>>)
      tpu.yield
    }) : () -> ()
    %mul3A_5 = arith.constant 640 : i32
    %mul3A_6 = arith.muli %arg1, %mul3A_5 : i32
    %add3A_7 = arith.constant 64 : i32
    %add3A_8 = arith.addi %mul3A_6, %add3A_7 : i32
    "tpu.region"() ({
      %run_scoped3A = tpu.sem_alloc : memref<!tpu.dma_semaphore, #tpu.memory_space<semaphore_mem>>
      %dma_start3A_132 = arith.constant 0 : i32
      %dma_start3A_133 = arith.constant 0 : i32
      %dma_start3A_134 = tpu.memref_slice %arg10[%dma_start3A_132, %dma_start3A_133] : memref<128x128xf32, #tpu.memory_space<vmem>> -> memref<64x128xf32, #tpu.memory_space<vmem>>
      %dma_start3A_135 = arith.constant 0 : i32
      %dma_start3A_136 = tpu.memref_slice %arg7[%add3A_8, %dma_start3A_135] : memref<10240x128xf32, #tpu.memory_space<vmem_shared>> -> memref<64x128xf32, #tpu.memory_space<vmem_shared>>
      %dma_start3A_137 = arith.constant 0 : i32
      %dma_start3A_138 = tpu.memref_slice %arg7[%add3A_8, %dma_start3A_137] : memref<10240x128xf32, #tpu.memory_space<vmem_shared>> -> memref<64x128xf32, #tpu.memory_space<vmem_shared>>
      %dma_start3A_139 = arith.constant 0 : i32
      %dma_start3A_140 = arith.constant 0 : i32
      %dma_start3A_141 = tpu.memref_slice %arg10[%dma_start3A_139, %dma_start3A_140] : memref<128x128xf32, #tpu.memory_space<vmem>> -> memref<64x128xf32, #tpu.memory_space<vmem>>
      tpu.enqueue_dma source(%dma_start3A_141 : memref<64x128xf32, #tpu.memory_space<vmem>>) target(%dma_start3A_138 : memref<64x128xf32, #tpu.memory_space<vmem_shared>>) target_semaphore(%run_scoped3A : memref<!tpu.dma_semaphore, #tpu.memory_space<semaphore_mem>>)
      %dma_wait3A = arith.constant 0 : i32
      %dma_wait3A_142 = arith.constant 0 : i32
      %dma_wait3A_143 = tpu.memref_slice %arg10[%dma_wait3A, %dma_wait3A_142] : memref<128x128xf32, #tpu.memory_space<vmem>> -> memref<64x128xf32, #tpu.memory_space<vmem>>
      %dma_wait3A_144 = arith.constant 0 : i32
      %dma_wait3A_145 = tpu.memref_slice %arg7[%add3A_8, %dma_wait3A_144] : memref<10240x128xf32, #tpu.memory_space<vmem_shared>> -> memref<64x128xf32, #tpu.memory_space<vmem_shared>>
      %dma_wait3A_146 = arith.constant 0 : i32
      %dma_wait3A_147 = tpu.memref_slice %arg7[%add3A_8, %dma_wait3A_146] : memref<10240x128xf32, #tpu.memory_space<vmem_shared>> -> memref<64x128xf32, #tpu.memory_space<vmem_shared>>
      %dma_wait3A_148 = arith.constant 0 : i32
      %dma_wait3A_149 = arith.constant 0 : i32
      %dma_wait3A_150 = tpu.memref_slice %arg10[%dma_wait3A_148, %dma_wait3A_149] : memref<128x128xf32, #tpu.memory_space<vmem>> -> memref<64x128xf32, #tpu.memory_space<vmem>>
      tpu.wait_dma2 semaphore(%run_scoped3A : memref<!tpu.dma_semaphore, #tpu.memory_space<semaphore_mem>>) src(%dma_wait3A_150 : memref<64x128xf32, #tpu.memory_space<vmem>>) dst(%dma_wait3A_147 : memref<64x128xf32, #tpu.memory_space<vmem_shared>>)
      tpu.yield
    }) : () -> ()
    %mul3A_9 = arith.constant 640 : i32
    %mul3A_10 = arith.muli %arg1, %mul3A_9 : i32
    %add3A_11 = arith.constant 128 : i32
    %add3A_12 = arith.addi %mul3A_10, %add3A_11 : i32
    "tpu.region"() ({
      %run_scoped3A = tpu.sem_alloc : memref<!tpu.dma_semaphore, #tpu.memory_space<semaphore_mem>>
      %dma_start3A_132 = arith.constant 0 : i32
      %dma_start3A_133 = arith.constant 0 : i32
      %dma_start3A_134 = tpu.memref_slice %arg10[%dma_start3A_132, %dma_start3A_133] : memref<128x128xf32, #tpu.memory_space<vmem>> -> memref<64x128xf32, #tpu.memory_space<vmem>>
      %dma_start3A_135 = arith.constant 0 : i32
      %dma_start3A_136 = tpu.memref_slice %arg7[%add3A_12, %dma_start3A_135] : memref<10240x128xf32, #tpu.memory_space<vmem_shared>> -> memref<64x128xf32, #tpu.memory_space<vmem_shared>>
      %dma_start3A_137 = arith.constant 0 : i32
      %dma_start3A_138 = tpu.memref_slice %arg7[%add3A_12, %dma_start3A_137] : memref<10240x128xf32, #tpu.memory_space<vmem_shared>> -> memref<64x128xf32, #tpu.memory_space<vmem_shared>>
      %dma_start3A_139 = arith.constant 0 : i32
      %dma_start3A_140 = arith.constant 0 : i32
      %dma_start3A_141 = tpu.memref_slice %arg10[%dma_start3A_139, %dma_start3A_140] : memref<128x128xf32, #tpu.memory_space<vmem>> -> memref<64x128xf32, #tpu.memory_space<vmem>>
      tpu.enqueue_dma source(%dma_start3A_141 : memref<64x128xf32, #tpu.memory_space<vmem>>) target(%dma_start3A_138 : memref<64x128xf32, #tpu.memory_space<vmem_shared>>) target_semaphore(%run_scoped3A : memref<!tpu.dma_semaphore, #tpu.memory_space<semaphore_mem>>)
      %dma_wait3A = arith.constant 0 : i32
      %dma_wait3A_142 = arith.constant 0 : i32
      %dma_wait3A_143 = tpu.memref_slice %arg10[%dma_wait3A, %dma_wait3A_142] : memref<128x128xf32, #tpu.memory_space<vmem>> -> memref<64x128xf32, #tpu.memory_space<vmem>>
      %dma_wait3A_144 = arith.constant 0 : i32
      %dma_wait3A_145 = tpu.memref_slice %arg7[%add3A_12, %dma_wait3A_144] : memref<10240x128xf32, #tpu.memory_space<vmem_shared>> -> memref<64x128xf32, #tpu.memory_space<vmem_shared>>
      %dma_wait3A_146 = arith.constant 0 : i32
      %dma_wait3A_147 = tpu.memref_slice %arg7[%add3A_12, %dma_wait3A_146] : memref<10240x128xf32, #tpu.memory_space<vmem_shared>> -> memref<64x128xf32, #tpu.memory_space<vmem_shared>>
      %dma_wait3A_148 = arith.constant 0 : i32
      %dma_wait3A_149 = arith.constant 0 : i32
      %dma_wait3A_150 = tpu.memref_slice %arg10[%dma_wait3A_148, %dma_wait3A_149] : memref<128x128xf32, #tpu.memory_space<vmem>> -> memref<64x128xf32, #tpu.memory_space<vmem>>
      tpu.wait_dma2 semaphore(%run_scoped3A : memref<!tpu.dma_semaphore, #tpu.memory_space<semaphore_mem>>) src(%dma_wait3A_150 : memref<64x128xf32, #tpu.memory_space<vmem>>) dst(%dma_wait3A_147 : memref<64x128xf32, #tpu.memory_space<vmem_shared>>)
      tpu.yield
    }) : () -> ()
    %mul3A_13 = arith.constant 640 : i32
    %mul3A_14 = arith.muli %arg1, %mul3A_13 : i32
    %add3A_15 = arith.constant 192 : i32
    %add3A_16 = arith.addi %mul3A_14, %add3A_15 : i32
    "tpu.region"() ({
      %run_scoped3A = tpu.sem_alloc : memref<!tpu.dma_semaphore, #tpu.memory_space<semaphore_mem>>
      %dma_start3A_132 = arith.constant 0 : i32
      %dma_start3A_133 = arith.constant 0 : i32
      %dma_start3A_134 = tpu.memref_slice %arg10[%dma_start3A_132, %dma_start3A_133] : memref<128x128xf32, #tpu.memory_space<vmem>> -> memref<64x128xf32, #tpu.memory_space<vmem>>
      %dma_start3A_135 = arith.constant 0 : i32
      %dma_start3A_136 = tpu.memref_slice %arg7[%add3A_16, %dma_start3A_135] : memref<10240x128xf32, #tpu.memory_space<vmem_shared>> -> memref<64x128xf32, #tpu.memory_space<vmem_shared>>
      %dma_start3A_137 = arith.constant 0 : i32
      %dma_start3A_138 = tpu.memref_slice %arg7[%add3A_16, %dma_start3A_137] : memref<10240x128xf32, #tpu.memory_space<vmem_shared>> -> memref<64x128xf32, #tpu.memory_space<vmem_shared>>
      %dma_start3A_139 = arith.constant 0 : i32
      %dma_start3A_140 = arith.constant 0 : i32
      %dma_start3A_141 = tpu.memref_slice %arg10[%dma_start3A_139, %dma_start3A_140] : memref<128x128xf32, #tpu.memory_space<vmem>> -> memref<64x128xf32, #tpu.memory_space<vmem>>
      tpu.enqueue_dma source(%dma_start3A_141 : memref<64x128xf32, #tpu.memory_space<vmem>>) target(%dma_start3A_138 : memref<64x128xf32, #tpu.memory_space<vmem_shared>>) target_semaphore(%run_scoped3A : memref<!tpu.dma_semaphore, #tpu.memory_space<semaphore_mem>>)
      %dma_wait3A = arith.constant 0 : i32
      %dma_wait3A_142 = arith.constant 0 : i32
      %dma_wait3A_143 = tpu.memref_slice %arg10[%dma_wait3A, %dma_wait3A_142] : memref<128x128xf32, #tpu.memory_space<vmem>> -> memref<64x128xf32, #tpu.memory_space<vmem>>
      %dma_wait3A_144 = arith.constant 0 : i32
      %dma_wait3A_145 = tpu.memref_slice %arg7[%add3A_16, %dma_wait3A_144] : memref<10240x128xf32, #tpu.memory_space<vmem_shared>> -> memref<64x128xf32, #tpu.memory_space<vmem_shared>>
      %dma_wait3A_146 = arith.constant 0 : i32
      %dma_wait3A_147 = tpu.memref_slice %arg7[%add3A_16, %dma_wait3A_146] : memref<10240x128xf32, #tpu.memory_space<vmem_shared>> -> memref<64x128xf32, #tpu.memory_space<vmem_shared>>
      %dma_wait3A_148 = arith.constant 0 : i32
      %dma_wait3A_149 = arith.constant 0 : i32
      %dma_wait3A_150 = tpu.memref_slice %arg10[%dma_wait3A_148, %dma_wait3A_149] : memref<128x128xf32, #tpu.memory_space<vmem>> -> memref<64x128xf32, #tpu.memory_space<vmem>>
      tpu.wait_dma2 semaphore(%run_scoped3A : memref<!tpu.dma_semaphore, #tpu.memory_space<semaphore_mem>>) src(%dma_wait3A_150 : memref<64x128xf32, #tpu.memory_space<vmem>>) dst(%dma_wait3A_147 : memref<64x128xf32, #tpu.memory_space<vmem_shared>>)
      tpu.yield
    }) : () -> ()
    %mul3A_17 = arith.constant 640 : i32
    %mul3A_18 = arith.muli %arg1, %mul3A_17 : i32
    %add3A_19 = arith.constant 256 : i32
    %add3A_20 = arith.addi %mul3A_18, %add3A_19 : i32
    "tpu.region"() ({
      %run_scoped3A = tpu.sem_alloc : memref<!tpu.dma_semaphore, #tpu.memory_space<semaphore_mem>>
      %dma_start3A_132 = arith.constant 0 : i32
      %dma_start3A_133 = arith.constant 0 : i32
      %dma_start3A_134 = tpu.memref_slice %arg10[%dma_start3A_132, %dma_start3A_133] : memref<128x128xf32, #tpu.memory_space<vmem>> -> memref<64x128xf32, #tpu.memory_space<vmem>>
      %dma_start3A_135 = arith.constant 0 : i32
      %dma_start3A_136 = tpu.memref_slice %arg7[%add3A_20, %dma_start3A_135] : memref<10240x128xf32, #tpu.memory_space<vmem_shared>> -> memref<64x128xf32, #tpu.memory_space<vmem_shared>>
      %dma_start3A_137 = arith.constant 0 : i32
      %dma_start3A_138 = tpu.memref_slice %arg7[%add3A_20, %dma_start3A_137] : memref<10240x128xf32, #tpu.memory_space<vmem_shared>> -> memref<64x128xf32, #tpu.memory_space<vmem_shared>>
      %dma_start3A_139 = arith.constant 0 : i32
      %dma_start3A_140 = arith.constant 0 : i32
      %dma_start3A_141 = tpu.memref_slice %arg10[%dma_start3A_139, %dma_start3A_140] : memref<128x128xf32, #tpu.memory_space<vmem>> -> memref<64x128xf32, #tpu.memory_space<vmem>>
      tpu.enqueue_dma source(%dma_start3A_141 : memref<64x128xf32, #tpu.memory_space<vmem>>) target(%dma_start3A_138 : memref<64x128xf32, #tpu.memory_space<vmem_shared>>) target_semaphore(%run_scoped3A : memref<!tpu.dma_semaphore, #tpu.memory_space<semaphore_mem>>)
      %dma_wait3A = arith.constant 0 : i32
      %dma_wait3A_142 = arith.constant 0 : i32
      %dma_wait3A_143 = tpu.memref_slice %arg10[%dma_wait3A, %dma_wait3A_142] : memref<128x128xf32, #tpu.memory_space<vmem>> -> memref<64x128xf32, #tpu.memory_space<vmem>>
      %dma_wait3A_144 = arith.constant 0 : i32
      %dma_wait3A_145 = tpu.memref_slice %arg7[%add3A_20, %dma_wait3A_144] : memref<10240x128xf32, #tpu.memory_space<vmem_shared>> -> memref<64x128xf32, #tpu.memory_space<vmem_shared>>
      %dma_wait3A_146 = arith.constant 0 : i32
      %dma_wait3A_147 = tpu.memref_slice %arg7[%add3A_20, %dma_wait3A_146] : memref<10240x128xf32, #tpu.memory_space<vmem_shared>> -> memref<64x128xf32, #tpu.memory_space<vmem_shared>>
      %dma_wait3A_148 = arith.constant 0 : i32
      %dma_wait3A_149 = arith.constant 0 : i32
      %dma_wait3A_150 = tpu.memref_slice %arg10[%dma_wait3A_148, %dma_wait3A_149] : memref<128x128xf32, #tpu.memory_space<vmem>> -> memref<64x128xf32, #tpu.memory_space<vmem>>
      tpu.wait_dma2 semaphore(%run_scoped3A : memref<!tpu.dma_semaphore, #tpu.memory_space<semaphore_mem>>) src(%dma_wait3A_150 : memref<64x128xf32, #tpu.memory_space<vmem>>) dst(%dma_wait3A_147 : memref<64x128xf32, #tpu.memory_space<vmem_shared>>)
      tpu.yield
    }) : () -> ()
    %mul3A_21 = arith.constant 640 : i32
    %mul3A_22 = arith.muli %arg1, %mul3A_21 : i32
    %add3A_23 = arith.constant 320 : i32
    %add3A_24 = arith.addi %mul3A_22, %add3A_23 : i32
    "tpu.region"() ({
      %run_scoped3A = tpu.sem_alloc : memref<!tpu.dma_semaphore, #tpu.memory_space<semaphore_mem>>
      %dma_start3A_132 = arith.constant 0 : i32
      %dma_start3A_133 = arith.constant 0 : i32
      %dma_start3A_134 = tpu.memref_slice %arg10[%dma_start3A_132, %dma_start3A_133] : memref<128x128xf32, #tpu.memory_space<vmem>> -> memref<64x128xf32, #tpu.memory_space<vmem>>
      %dma_start3A_135 = arith.constant 0 : i32
      %dma_start3A_136 = tpu.memref_slice %arg7[%add3A_24, %dma_start3A_135] : memref<10240x128xf32, #tpu.memory_space<vmem_shared>> -> memref<64x128xf32, #tpu.memory_space<vmem_shared>>
      %dma_start3A_137 = arith.constant 0 : i32
      %dma_start3A_138 = tpu.memref_slice %arg7[%add3A_24, %dma_start3A_137] : memref<10240x128xf32, #tpu.memory_space<vmem_shared>> -> memref<64x128xf32, #tpu.memory_space<vmem_shared>>
      %dma_start3A_139 = arith.constant 0 : i32
      %dma_start3A_140 = arith.constant 0 : i32
      %dma_start3A_141 = tpu.memref_slice %arg10[%dma_start3A_139, %dma_start3A_140] : memref<128x128xf32, #tpu.memory_space<vmem>> -> memref<64x128xf32, #tpu.memory_space<vmem>>
      tpu.enqueue_dma source(%dma_start3A_141 : memref<64x128xf32, #tpu.memory_space<vmem>>) target(%dma_start3A_138 : memref<64x128xf32, #tpu.memory_space<vmem_shared>>) target_semaphore(%run_scoped3A : memref<!tpu.dma_semaphore, #tpu.memory_space<semaphore_mem>>)
      %dma_wait3A = arith.constant 0 : i32
      %dma_wait3A_142 = arith.constant 0 : i32
      %dma_wait3A_143 = tpu.memref_slice %arg10[%dma_wait3A, %dma_wait3A_142] : memref<128x128xf32, #tpu.memory_space<vmem>> -> memref<64x128xf32, #tpu.memory_space<vmem>>
      %dma_wait3A_144 = arith.constant 0 : i32
      %dma_wait3A_145 = tpu.memref_slice %arg7[%add3A_24, %dma_wait3A_144] : memref<10240x128xf32, #tpu.memory_space<vmem_shared>> -> memref<64x128xf32, #tpu.memory_space<vmem_shared>>
      %dma_wait3A_146 = arith.constant 0 : i32
      %dma_wait3A_147 = tpu.memref_slice %arg7[%add3A_24, %dma_wait3A_146] : memref<10240x128xf32, #tpu.memory_space<vmem_shared>> -> memref<64x128xf32, #tpu.memory_space<vmem_shared>>
      %dma_wait3A_148 = arith.constant 0 : i32
      %dma_wait3A_149 = arith.constant 0 : i32
      %dma_wait3A_150 = tpu.memref_slice %arg10[%dma_wait3A_148, %dma_wait3A_149] : memref<128x128xf32, #tpu.memory_space<vmem>> -> memref<64x128xf32, #tpu.memory_space<vmem>>
      tpu.wait_dma2 semaphore(%run_scoped3A : memref<!tpu.dma_semaphore, #tpu.memory_space<semaphore_mem>>) src(%dma_wait3A_150 : memref<64x128xf32, #tpu.memory_space<vmem>>) dst(%dma_wait3A_147 : memref<64x128xf32, #tpu.memory_space<vmem_shared>>)
      tpu.yield
    }) : () -> ()
    %mul3A_25 = arith.constant 640 : i32
    %mul3A_26 = arith.muli %arg1, %mul3A_25 : i32
    %add3A_27 = arith.constant 384 : i32
    %add3A_28 = arith.addi %mul3A_26, %add3A_27 : i32
    "tpu.region"() ({
      %run_scoped3A = tpu.sem_alloc : memref<!tpu.dma_semaphore, #tpu.memory_space<semaphore_mem>>
      %dma_start3A_132 = arith.constant 0 : i32
      %dma_start3A_133 = arith.constant 0 : i32
      %dma_start3A_134 = tpu.memref_slice %arg10[%dma_start3A_132, %dma_start3A_133] : memref<128x128xf32, #tpu.memory_space<vmem>> -> memref<64x128xf32, #tpu.memory_space<vmem>>
      %dma_start3A_135 = arith.constant 0 : i32
      %dma_start3A_136 = tpu.memref_slice %arg7[%add3A_28, %dma_start3A_135] : memref<10240x128xf32, #tpu.memory_space<vmem_shared>> -> memref<64x128xf32, #tpu.memory_space<vmem_shared>>
      %dma_start3A_137 = arith.constant 0 : i32
      %dma_start3A_138 = tpu.memref_slice %arg7[%add3A_28, %dma_start3A_137] : memref<10240x128xf32, #tpu.memory_space<vmem_shared>> -> memref<64x128xf32, #tpu.memory_space<vmem_shared>>
      %dma_start3A_139 = arith.constant 0 : i32
      %dma_start3A_140 = arith.constant 0 : i32
      %dma_start3A_141 = tpu.memref_slice %arg10[%dma_start3A_139, %dma_start3A_140] : memref<128x128xf32, #tpu.memory_space<vmem>> -> memref<64x128xf32, #tpu.memory_space<vmem>>
      tpu.enqueue_dma source(%dma_start3A_141 : memref<64x128xf32, #tpu.memory_space<vmem>>) target(%dma_start3A_138 : memref<64x128xf32, #tpu.memory_space<vmem_shared>>) target_semaphore(%run_scoped3A : memref<!tpu.dma_semaphore, #tpu.memory_space<semaphore_mem>>)
      %dma_wait3A = arith.constant 0 : i32
      %dma_wait3A_142 = arith.constant 0 : i32
      %dma_wait3A_143 = tpu.memref_slice %arg10[%dma_wait3A, %dma_wait3A_142] : memref<128x128xf32, #tpu.memory_space<vmem>> -> memref<64x128xf32, #tpu.memory_space<vmem>>
      %dma_wait3A_144 = arith.constant 0 : i32
      %dma_wait3A_145 = tpu.memref_slice %arg7[%add3A_28, %dma_wait3A_144] : memref<10240x128xf32, #tpu.memory_space<vmem_shared>> -> memref<64x128xf32, #tpu.memory_space<vmem_shared>>
      %dma_wait3A_146 = arith.constant 0 : i32
      %dma_wait3A_147 = tpu.memref_slice %arg7[%add3A_28, %dma_wait3A_146] : memref<10240x128xf32, #tpu.memory_space<vmem_shared>> -> memref<64x128xf32, #tpu.memory_space<vmem_shared>>
      %dma_wait3A_148 = arith.constant 0 : i32
      %dma_wait3A_149 = arith.constant 0 : i32
      %dma_wait3A_150 = tpu.memref_slice %arg10[%dma_wait3A_148, %dma_wait3A_149] : memref<128x128xf32, #tpu.memory_space<vmem>> -> memref<64x128xf32, #tpu.memory_space<vmem>>
      tpu.wait_dma2 semaphore(%run_scoped3A : memref<!tpu.dma_semaphore, #tpu.memory_space<semaphore_mem>>) src(%dma_wait3A_150 : memref<64x128xf32, #tpu.memory_space<vmem>>) dst(%dma_wait3A_147 : memref<64x128xf32, #tpu.memory_space<vmem_shared>>)
      tpu.yield
    }) : () -> ()
    %mul3A_29 = arith.constant 640 : i32
    %mul3A_30 = arith.muli %arg1, %mul3A_29 : i32
    %add3A_31 = arith.constant 448 : i32
    %add3A_32 = arith.addi %mul3A_30, %add3A_31 : i32
    "tpu.region"() ({
      %run_scoped3A = tpu.sem_alloc : memref<!tpu.dma_semaphore, #tpu.memory_space<semaphore_mem>>
      %dma_start3A_132 = arith.constant 0 : i32
      %dma_start3A_133 = arith.constant 0 : i32
      %dma_start3A_134 = tpu.memref_slice %arg10[%dma_start3A_132, %dma_start3A_133] : memref<128x128xf32, #tpu.memory_space<vmem>> -> memref<64x128xf32, #tpu.memory_space<vmem>>
      %dma_start3A_135 = arith.constant 0 : i32
      %dma_start3A_136 = tpu.memref_slice %arg7[%add3A_32, %dma_start3A_135] : memref<10240x128xf32, #tpu.memory_space<vmem_shared>> -> memref<64x128xf32, #tpu.memory_space<vmem_shared>>
      %dma_start3A_137 = arith.constant 0 : i32
      %dma_start3A_138 = tpu.memref_slice %arg7[%add3A_32, %dma_start3A_137] : memref<10240x128xf32, #tpu.memory_space<vmem_shared>> -> memref<64x128xf32, #tpu.memory_space<vmem_shared>>
      %dma_start3A_139 = arith.constant 0 : i32
      %dma_start3A_140 = arith.constant 0 : i32
      %dma_start3A_141 = tpu.memref_slice %arg10[%dma_start3A_139, %dma_start3A_140] : memref<128x128xf32, #tpu.memory_space<vmem>> -> memref<64x128xf32, #tpu.memory_space<vmem>>
      tpu.enqueue_dma source(%dma_start3A_141 : memref<64x128xf32, #tpu.memory_space<vmem>>) target(%dma_start3A_138 : memref<64x128xf32, #tpu.memory_space<vmem_shared>>) target_semaphore(%run_scoped3A : memref<!tpu.dma_semaphore, #tpu.memory_space<semaphore_mem>>)
      %dma_wait3A = arith.constant 0 : i32
      %dma_wait3A_142 = arith.constant 0 : i32
      %dma_wait3A_143 = tpu.memref_slice %arg10[%dma_wait3A, %dma_wait3A_142] : memref<128x128xf32, #tpu.memory_space<vmem>> -> memref<64x128xf32, #tpu.memory_space<vmem>>
      %dma_wait3A_144 = arith.constant 0 : i32
      %dma_wait3A_145 = tpu.memref_slice %arg7[%add3A_32, %dma_wait3A_144] : memref<10240x128xf32, #tpu.memory_space<vmem_shared>> -> memref<64x128xf32, #tpu.memory_space<vmem_shared>>
      %dma_wait3A_146 = arith.constant 0 : i32
      %dma_wait3A_147 = tpu.memref_slice %arg7[%add3A_32, %dma_wait3A_146] : memref<10240x128xf32, #tpu.memory_space<vmem_shared>> -> memref<64x128xf32, #tpu.memory_space<vmem_shared>>
      %dma_wait3A_148 = arith.constant 0 : i32
      %dma_wait3A_149 = arith.constant 0 : i32
      %dma_wait3A_150 = tpu.memref_slice %arg10[%dma_wait3A_148, %dma_wait3A_149] : memref<128x128xf32, #tpu.memory_space<vmem>> -> memref<64x128xf32, #tpu.memory_space<vmem>>
      tpu.wait_dma2 semaphore(%run_scoped3A : memref<!tpu.dma_semaphore, #tpu.memory_space<semaphore_mem>>) src(%dma_wait3A_150 : memref<64x128xf32, #tpu.memory_space<vmem>>) dst(%dma_wait3A_147 : memref<64x128xf32, #tpu.memory_space<vmem_shared>>)
      tpu.yield
    }) : () -> ()
    %mul3A_33 = arith.constant 640 : i32
    %mul3A_34 = arith.muli %arg1, %mul3A_33 : i32
    %add3A_35 = arith.constant 512 : i32
    %add3A_36 = arith.addi %mul3A_34, %add3A_35 : i32
    "tpu.region"() ({
      %run_scoped3A = tpu.sem_alloc : memref<!tpu.dma_semaphore, #tpu.memory_space<semaphore_mem>>
      %dma_start3A_132 = arith.constant 0 : i32
      %dma_start3A_133 = arith.constant 0 : i32
      %dma_start3A_134 = tpu.memref_slice %arg10[%dma_start3A_132, %dma_start3A_133] : memref<128x128xf32, #tpu.memory_space<vmem>> -> memref<64x128xf32, #tpu.memory_space<vmem>>
      %dma_start3A_135 = arith.constant 0 : i32
      %dma_start3A_136 = tpu.memref_slice %arg7[%add3A_36, %dma_start3A_135] : memref<10240x128xf32, #tpu.memory_space<vmem_shared>> -> memref<64x128xf32, #tpu.memory_space<vmem_shared>>
      %dma_start3A_137 = arith.constant 0 : i32
      %dma_start3A_138 = tpu.memref_slice %arg7[%add3A_36, %dma_start3A_137] : memref<10240x128xf32, #tpu.memory_space<vmem_shared>> -> memref<64x128xf32, #tpu.memory_space<vmem_shared>>
      %dma_start3A_139 = arith.constant 0 : i32
      %dma_start3A_140 = arith.constant 0 : i32
      %dma_start3A_141 = tpu.memref_slice %arg10[%dma_start3A_139, %dma_start3A_140] : memref<128x128xf32, #tpu.memory_space<vmem>> -> memref<64x128xf32, #tpu.memory_space<vmem>>
      tpu.enqueue_dma source(%dma_start3A_141 : memref<64x128xf32, #tpu.memory_space<vmem>>) target(%dma_start3A_138 : memref<64x128xf32, #tpu.memory_space<vmem_shared>>) target_semaphore(%run_scoped3A : memref<!tpu.dma_semaphore, #tpu.memory_space<semaphore_mem>>)
      %dma_wait3A = arith.constant 0 : i32
      %dma_wait3A_142 = arith.constant 0 : i32
      %dma_wait3A_143 = tpu.memref_slice %arg10[%dma_wait3A, %dma_wait3A_142] : memref<128x128xf32, #tpu.memory_space<vmem>> -> memref<64x128xf32, #tpu.memory_space<vmem>>
      %dma_wait3A_144 = arith.constant 0 : i32
      %dma_wait3A_145 = tpu.memref_slice %arg7[%add3A_36, %dma_wait3A_144] : memref<10240x128xf32, #tpu.memory_space<vmem_shared>> -> memref<64x128xf32, #tpu.memory_space<vmem_shared>>
      %dma_wait3A_146 = arith.constant 0 : i32
      %dma_wait3A_147 = tpu.memref_slice %arg7[%add3A_36, %dma_wait3A_146] : memref<10240x128xf32, #tpu.memory_space<vmem_shared>> -> memref<64x128xf32, #tpu.memory_space<vmem_shared>>
      %dma_wait3A_148 = arith.constant 0 : i32
      %dma_wait3A_149 = arith.constant 0 : i32
      %dma_wait3A_150 = tpu.memref_slice %arg10[%dma_wait3A_148, %dma_wait3A_149] : memref<128x128xf32, #tpu.memory_space<vmem>> -> memref<64x128xf32, #tpu.memory_space<vmem>>
      tpu.wait_dma2 semaphore(%run_scoped3A : memref<!tpu.dma_semaphore, #tpu.memory_space<semaphore_mem>>) src(%dma_wait3A_150 : memref<64x128xf32, #tpu.memory_space<vmem>>) dst(%dma_wait3A_147 : memref<64x128xf32, #tpu.memory_space<vmem_shared>>)
      tpu.yield
    }) : () -> ()
    %mul3A_37 = arith.constant 640 : i32
    %mul3A_38 = arith.muli %arg1, %mul3A_37 : i32
    %add3A_39 = arith.constant 576 : i32
    %add3A_40 = arith.addi %mul3A_38, %add3A_39 : i32
    "tpu.region"() ({
      %run_scoped3A = tpu.sem_alloc : memref<!tpu.dma_semaphore, #tpu.memory_space<semaphore_mem>>
      %dma_start3A_132 = arith.constant 0 : i32
      %dma_start3A_133 = arith.constant 0 : i32
      %dma_start3A_134 = tpu.memref_slice %arg10[%dma_start3A_132, %dma_start3A_133] : memref<128x128xf32, #tpu.memory_space<vmem>> -> memref<64x128xf32, #tpu.memory_space<vmem>>
      %dma_start3A_135 = arith.constant 0 : i32
      %dma_start3A_136 = tpu.memref_slice %arg7[%add3A_40, %dma_start3A_135] : memref<10240x128xf32, #tpu.memory_space<vmem_shared>> -> memref<64x128xf32, #tpu.memory_space<vmem_shared>>
      %dma_start3A_137 = arith.constant 0 : i32
      %dma_start3A_138 = tpu.memref_slice %arg7[%add3A_40, %dma_start3A_137] : memref<10240x128xf32, #tpu.memory_space<vmem_shared>> -> memref<64x128xf32, #tpu.memory_space<vmem_shared>>
      %dma_start3A_139 = arith.constant 0 : i32
      %dma_start3A_140 = arith.constant 0 : i32
      %dma_start3A_141 = tpu.memref_slice %arg10[%dma_start3A_139, %dma_start3A_140] : memref<128x128xf32, #tpu.memory_space<vmem>> -> memref<64x128xf32, #tpu.memory_space<vmem>>
      tpu.enqueue_dma source(%dma_start3A_141 : memref<64x128xf32, #tpu.memory_space<vmem>>) target(%dma_start3A_138 : memref<64x128xf32, #tpu.memory_space<vmem_shared>>) target_semaphore(%run_scoped3A : memref<!tpu.dma_semaphore, #tpu.memory_space<semaphore_mem>>)
      %dma_wait3A = arith.constant 0 : i32
      %dma_wait3A_142 = arith.constant 0 : i32
      %dma_wait3A_143 = tpu.memref_slice %arg10[%dma_wait3A, %dma_wait3A_142] : memref<128x128xf32, #tpu.memory_space<vmem>> -> memref<64x128xf32, #tpu.memory_space<vmem>>
      %dma_wait3A_144 = arith.constant 0 : i32
      %dma_wait3A_145 = tpu.memref_slice %arg7[%add3A_40, %dma_wait3A_144] : memref<10240x128xf32, #tpu.memory_space<vmem_shared>> -> memref<64x128xf32, #tpu.memory_space<vmem_shared>>
      %dma_wait3A_146 = arith.constant 0 : i32
      %dma_wait3A_147 = tpu.memref_slice %arg7[%add3A_40, %dma_wait3A_146] : memref<10240x128xf32, #tpu.memory_space<vmem_shared>> -> memref<64x128xf32, #tpu.memory_space<vmem_shared>>
      %dma_wait3A_148 = arith.constant 0 : i32
      %dma_wait3A_149 = arith.constant 0 : i32
      %dma_wait3A_150 = tpu.memref_slice %arg10[%dma_wait3A_148, %dma_wait3A_149] : memref<128x128xf32, #tpu.memory_space<vmem>> -> memref<64x128xf32, #tpu.memory_space<vmem>>
      tpu.wait_dma2 semaphore(%run_scoped3A : memref<!tpu.dma_semaphore, #tpu.memory_space<semaphore_mem>>) src(%dma_wait3A_150 : memref<64x128xf32, #tpu.memory_space<vmem>>) dst(%dma_wait3A_147 : memref<64x128xf32, #tpu.memory_space<vmem_shared>>)
      tpu.yield
    }) : () -> ()
    %barrier3A = arith.constant 0 : index
    tpu.barrier barrier_id(%barrier3A)
    "tpu.region"() ({
      %run_scoped3A = tpu.sem_alloc : memref<!tpu.dma_semaphore, #tpu.memory_space<semaphore_mem>>
      %dma_start3A_132 = arith.constant 0 : i32
      %dma_start3A_133 = arith.constant 0 : i32
      %dma_start3A_134 = tpu.memref_slice %arg3[%add3A, %dma_start3A_132, %dma_start3A_133] : memref<32x80x128xi32, #tpu.memory_space<hbm>> -> memref<1x40x128xi32, #tpu.memory_space<hbm>>
      %dma_start3A_135 = tpu.memref_squeeze %dma_start3A_134 : memref<1x40x128xi32, #tpu.memory_space<hbm>> -> memref<40x128xi32, #tpu.memory_space<hbm>>
      %dma_start3A_136 = arith.constant 0 : i32
      %dma_start3A_137 = arith.constant 0 : i32
      %dma_start3A_138 = tpu.memref_slice %arg3[%add3A, %dma_start3A_136, %dma_start3A_137] : memref<32x80x128xi32, #tpu.memory_space<hbm>> -> memref<1x40x128xi32, #tpu.memory_space<hbm>>
      %dma_start3A_139 = tpu.memref_squeeze %dma_start3A_138 : memref<1x40x128xi32, #tpu.memory_space<hbm>> -> memref<40x128xi32, #tpu.memory_space<hbm>>
      tpu.enqueue_dma source(%dma_start3A_139 : memref<40x128xi32, #tpu.memory_space<hbm>>) target(%arg8 : memref<40x128xi32, #tpu.memory_space<vmem>>) target_semaphore(%run_scoped3A : memref<!tpu.dma_semaphore, #tpu.memory_space<semaphore_mem>>)
      %dma_wait3A = arith.constant 0 : i32
      %dma_wait3A_140 = arith.constant 0 : i32
      %dma_wait3A_141 = tpu.memref_slice %arg3[%add3A, %dma_wait3A, %dma_wait3A_140] : memref<32x80x128xi32, #tpu.memory_space<hbm>> -> memref<1x40x128xi32, #tpu.memory_space<hbm>>
      %dma_wait3A_142 = tpu.memref_squeeze %dma_wait3A_141 : memref<1x40x128xi32, #tpu.memory_space<hbm>> -> memref<40x128xi32, #tpu.memory_space<hbm>>
      %dma_wait3A_143 = arith.constant 0 : i32
      %dma_wait3A_144 = arith.constant 0 : i32
      %dma_wait3A_145 = tpu.memref_slice %arg3[%add3A, %dma_wait3A_143, %dma_wait3A_144] : memref<32x80x128xi32, #tpu.memory_space<hbm>> -> memref<1x40x128xi32, #tpu.memory_space<hbm>>
      %dma_wait3A_146 = tpu.memref_squeeze %dma_wait3A_145 : memref<1x40x128xi32, #tpu.memory_space<hbm>> -> memref<40x128xi32, #tpu.memory_space<hbm>>
      tpu.wait_dma2 semaphore(%run_scoped3A : memref<!tpu.dma_semaphore, #tpu.memory_space<semaphore_mem>>) src(%dma_wait3A_146 : memref<40x128xi32, #tpu.memory_space<hbm>>) dst(%arg8 : memref<40x128xi32, #tpu.memory_space<vmem>>)
      tpu.yield
    }) : () -> ()
    "tpu.region"() ({
      %run_scoped3A = tpu.sem_alloc : memref<!tpu.dma_semaphore, #tpu.memory_space<semaphore_mem>>
      %dma_start3A_132 = arith.constant 0 : i32
      %dma_start3A_133 = arith.constant 0 : i32
      %dma_start3A_134 = tpu.memref_slice %arg4[%add3A, %dma_start3A_132, %dma_start3A_133] : memref<32x80x128xi32, #tpu.memory_space<hbm>> -> memref<1x40x128xi32, #tpu.memory_space<hbm>>
      %dma_start3A_135 = tpu.memref_squeeze %dma_start3A_134 : memref<1x40x128xi32, #tpu.memory_space<hbm>> -> memref<40x128xi32, #tpu.memory_space<hbm>>
      %dma_start3A_136 = arith.constant 0 : i32
      %dma_start3A_137 = arith.constant 0 : i32
      %dma_start3A_138 = tpu.memref_slice %arg4[%add3A, %dma_start3A_136, %dma_start3A_137] : memref<32x80x128xi32, #tpu.memory_space<hbm>> -> memref<1x40x128xi32, #tpu.memory_space<hbm>>
      %dma_start3A_139 = tpu.memref_squeeze %dma_start3A_138 : memref<1x40x128xi32, #tpu.memory_space<hbm>> -> memref<40x128xi32, #tpu.memory_space<hbm>>
      tpu.enqueue_dma source(%dma_start3A_139 : memref<40x128xi32, #tpu.memory_space<hbm>>) target(%arg9 : memref<40x128xi32, #tpu.memory_space<vmem>>) target_semaphore(%run_scoped3A : memref<!tpu.dma_semaphore, #tpu.memory_space<semaphore_mem>>)
      %dma_wait3A = arith.constant 0 : i32
      %dma_wait3A_140 = arith.constant 0 : i32
      %dma_wait3A_141 = tpu.memref_slice %arg4[%add3A, %dma_wait3A, %dma_wait3A_140] : memref<32x80x128xi32, #tpu.memory_space<hbm>> -> memref<1x40x128xi32, #tpu.memory_space<hbm>>
      %dma_wait3A_142 = tpu.memref_squeeze %dma_wait3A_141 : memref<1x40x128xi32, #tpu.memory_space<hbm>> -> memref<40x128xi32, #tpu.memory_space<hbm>>
      %dma_wait3A_143 = arith.constant 0 : i32
      %dma_wait3A_144 = arith.constant 0 : i32
      %dma_wait3A_145 = tpu.memref_slice %arg4[%add3A, %dma_wait3A_143, %dma_wait3A_144] : memref<32x80x128xi32, #tpu.memory_space<hbm>> -> memref<1x40x128xi32, #tpu.memory_space<hbm>>
      %dma_wait3A_146 = tpu.memref_squeeze %dma_wait3A_145 : memref<1x40x128xi32, #tpu.memory_space<hbm>> -> memref<40x128xi32, #tpu.memory_space<hbm>>
      tpu.wait_dma2 semaphore(%run_scoped3A : memref<!tpu.dma_semaphore, #tpu.memory_space<semaphore_mem>>) src(%dma_wait3A_146 : memref<40x128xi32, #tpu.memory_space<hbm>>) dst(%arg9 : memref<40x128xi32, #tpu.memory_space<vmem>>)
      tpu.yield
    }) : () -> ()
    %dma_start3A = arith.constant 0 : i32
    %dma_start3A_41 = arith.constant 0 : i32
    %dma_start3A_42 = arith.constant 0 : i32
    %dma_start3A_43 = tpu.memref_slice %arg10[%dma_start3A_41, %dma_start3A_42] : memref<128x128xf32, #tpu.memory_space<vmem>> -> memref<64x128xf32, #tpu.memory_space<vmem>>
    %dma_start3A_44 = arith.constant 0 : i32
    %dma_start3A_45 = tpu.memref_slice %arg8[%dma_start3A, %dma_start3A_44] : memref<40x128xi32, #tpu.memory_space<vmem>> -> memref<1x64xi32, #tpu.memory_space<vmem>>
    %dma_start3A_46 = tpu.memref_squeeze %dma_start3A_45 : memref<1x64xi32, #tpu.memory_space<vmem>> -> memref<64xi32, #tpu.memory_space<vmem>>
    %dma_start3A_47 = arith.constant 0 : i32
    %dma_start3A_48 = arith.constant 0 : i32
    %dma_start3A_49 = tpu.memref_slice %arg7[%dma_start3A_47, %dma_start3A_48] : memref<10240x128xf32, #tpu.memory_space<vmem_shared>> -> memref<10240x128xf32, #tpu.memory_space<vmem_shared>>
    tpu.enqueue_indirect_dma source(%dma_start3A_49 : memref<10240x128xf32, #tpu.memory_space<vmem_shared>>) target(%dma_start3A_43 : memref<64x128xf32, #tpu.memory_space<vmem>>) offsets(%dma_start3A_46 : memref<64xi32, #tpu.memory_space<vmem>>) semaphore(%arg12 : memref<!tpu.dma_semaphore, #tpu.memory_space<semaphore_mem>>)
    %dma_start3A_50 = arith.constant 0 : i32
    %dma_start3A_51 = arith.constant 64 : i32
    %dma_start3A_52 = arith.constant 0 : i32
    %dma_start3A_53 = tpu.memref_slice %arg10[%dma_start3A_51, %dma_start3A_52] : memref<128x128xf32, #tpu.memory_space<vmem>> -> memref<64x128xf32, #tpu.memory_space<vmem>>
    %dma_start3A_54 = arith.constant 64 : i32
    %dma_start3A_55 = tpu.memref_slice %arg8[%dma_start3A_50, %dma_start3A_54] : memref<40x128xi32, #tpu.memory_space<vmem>> -> memref<1x64xi32, #tpu.memory_space<vmem>>
    %dma_start3A_56 = tpu.memref_squeeze %dma_start3A_55 : memref<1x64xi32, #tpu.memory_space<vmem>> -> memref<64xi32, #tpu.memory_space<vmem>>
    %dma_start3A_57 = arith.constant 0 : i32
    %dma_start3A_58 = arith.constant 0 : i32
    %dma_start3A_59 = tpu.memref_slice %arg7[%dma_start3A_57, %dma_start3A_58] : memref<10240x128xf32, #tpu.memory_space<vmem_shared>> -> memref<10240x128xf32, #tpu.memory_space<vmem_shared>>
    tpu.enqueue_indirect_dma source(%dma_start3A_59 : memref<10240x128xf32, #tpu.memory_space<vmem_shared>>) target(%dma_start3A_53 : memref<64x128xf32, #tpu.memory_space<vmem>>) offsets(%dma_start3A_56 : memref<64xi32, #tpu.memory_space<vmem>>) semaphore(%arg14 : memref<!tpu.dma_semaphore, #tpu.memory_space<semaphore_mem>>)
    %scan3A = arith.constant 0 : i32
    %scan3A_60 = arith.constant 0 : i32
    %scan3A_61 = arith.constant 20 : i32
    %scan3A_62 = arith.addi %scan3A_60, %scan3A_61 : i32
    %scan3A_63 = arith.constant 1 : i32
    scf.for %scan3A_132 = %scan3A_60 to %scan3A_62 step %scan3A_63  : i32 {
      %mul3A_133 = arith.constant 2 : i32
      %mul3A_134 = arith.muli %scan3A_132, %mul3A_133 : i32
      %add3A_135 = arith.constant 1 : i32
      %add3A_136 = arith.addi %mul3A_134, %add3A_135 : i32
      %dma_start3A_137 = arith.constant 0 : i32
      %dma_start3A_138 = arith.constant 0 : i32
      %dma_start3A_139 = tpu.memref_slice %arg11[%dma_start3A_137, %dma_start3A_138] : memref<128x128xf32, #tpu.memory_space<vmem>> -> memref<64x128xf32, #tpu.memory_space<vmem>>
      %dma_start3A_140 = arith.constant 0 : i32
      %dma_start3A_141 = tpu.memref_slice %arg8[%add3A_136, %dma_start3A_140] : memref<40x128xi32, #tpu.memory_space<vmem>> -> memref<1x64xi32, #tpu.memory_space<vmem>>
      %dma_start3A_142 = tpu.memref_squeeze %dma_start3A_141 : memref<1x64xi32, #tpu.memory_space<vmem>> -> memref<64xi32, #tpu.memory_space<vmem>>
      %dma_start3A_143 = arith.constant 0 : i32
      %dma_start3A_144 = arith.constant 0 : i32
      %dma_start3A_145 = tpu.memref_slice %arg7[%dma_start3A_143, %dma_start3A_144] : memref<10240x128xf32, #tpu.memory_space<vmem_shared>> -> memref<10240x128xf32, #tpu.memory_space<vmem_shared>>
      tpu.enqueue_indirect_dma source(%dma_start3A_145 : memref<10240x128xf32, #tpu.memory_space<vmem_shared>>) target(%dma_start3A_139 : memref<64x128xf32, #tpu.memory_space<vmem>>) offsets(%dma_start3A_142 : memref<64xi32, #tpu.memory_space<vmem>>) semaphore(%arg13 : memref<!tpu.dma_semaphore, #tpu.memory_space<semaphore_mem>>)
      %dma_start3A_146 = arith.constant 64 : i32
      %dma_start3A_147 = arith.constant 0 : i32
      %dma_start3A_148 = tpu.memref_slice %arg11[%dma_start3A_146, %dma_start3A_147] : memref<128x128xf32, #tpu.memory_space<vmem>> -> memref<64x128xf32, #tpu.memory_space<vmem>>
      %dma_start3A_149 = arith.constant 64 : i32
      %dma_start3A_150 = tpu.memref_slice %arg8[%add3A_136, %dma_start3A_149] : memref<40x128xi32, #tpu.memory_space<vmem>> -> memref<1x64xi32, #tpu.memory_space<vmem>>
      %dma_start3A_151 = tpu.memref_squeeze %dma_start3A_150 : memref<1x64xi32, #tpu.memory_space<vmem>> -> memref<64xi32, #tpu.memory_space<vmem>>
      %dma_start3A_152 = arith.constant 0 : i32
      %dma_start3A_153 = arith.constant 0 : i32
      %dma_start3A_154 = tpu.memref_slice %arg7[%dma_start3A_152, %dma_start3A_153] : memref<10240x128xf32, #tpu.memory_space<vmem_shared>> -> memref<10240x128xf32, #tpu.memory_space<vmem_shared>>
      tpu.enqueue_indirect_dma source(%dma_start3A_154 : memref<10240x128xf32, #tpu.memory_space<vmem_shared>>) target(%dma_start3A_148 : memref<64x128xf32, #tpu.memory_space<vmem>>) offsets(%dma_start3A_151 : memref<64xi32, #tpu.memory_space<vmem>>) semaphore(%arg15 : memref<!tpu.dma_semaphore, #tpu.memory_space<semaphore_mem>>)
      %dma_wait3A = arith.constant 0 : i32
      %dma_wait3A_155 = arith.constant 0 : i32
      %dma_wait3A_156 = tpu.memref_slice %arg10[%dma_wait3A, %dma_wait3A_155] : memref<128x128xf32, #tpu.memory_space<vmem>> -> memref<64x128xf32, #tpu.memory_space<vmem>>
      %dma_wait3A_157 = arith.constant 0 : i32
      %dma_wait3A_158 = tpu.memref_slice %arg8[%mul3A_134, %dma_wait3A_157] : memref<40x128xi32, #tpu.memory_space<vmem>> -> memref<1x64xi32, #tpu.memory_space<vmem>>
      %dma_wait3A_159 = tpu.memref_squeeze %dma_wait3A_158 : memref<1x64xi32, #tpu.memory_space<vmem>> -> memref<64xi32, #tpu.memory_space<vmem>>
      %dma_wait3A_160 = arith.constant 0 : i32
      %dma_wait3A_161 = arith.constant 0 : i32
      %dma_wait3A_162 = tpu.memref_slice %arg7[%dma_wait3A_160, %dma_wait3A_161] : memref<10240x128xf32, #tpu.memory_space<vmem_shared>> -> memref<10240x128xf32, #tpu.memory_space<vmem_shared>>
      tpu.wait_indirect_dma semaphore(%arg12 : memref<!tpu.dma_semaphore, #tpu.memory_space<semaphore_mem>>) src(%dma_wait3A_162 : memref<10240x128xf32, #tpu.memory_space<vmem_shared>>) dst(%dma_wait3A_156 : memref<64x128xf32, #tpu.memory_space<vmem>>)
      %dma_wait3A_163 = arith.constant 64 : i32
      %dma_wait3A_164 = arith.constant 0 : i32
      %dma_wait3A_165 = tpu.memref_slice %arg10[%dma_wait3A_163, %dma_wait3A_164] : memref<128x128xf32, #tpu.memory_space<vmem>> -> memref<64x128xf32, #tpu.memory_space<vmem>>
      %dma_wait3A_166 = arith.constant 64 : i32
      %dma_wait3A_167 = tpu.memref_slice %arg8[%mul3A_134, %dma_wait3A_166] : memref<40x128xi32, #tpu.memory_space<vmem>> -> memref<1x64xi32, #tpu.memory_space<vmem>>
      %dma_wait3A_168 = tpu.memref_squeeze %dma_wait3A_167 : memref<1x64xi32, #tpu.memory_space<vmem>> -> memref<64xi32, #tpu.memory_space<vmem>>
      %dma_wait3A_169 = arith.constant 0 : i32
      %dma_wait3A_170 = arith.constant 0 : i32
      %dma_wait3A_171 = tpu.memref_slice %arg7[%dma_wait3A_169, %dma_wait3A_170] : memref<10240x128xf32, #tpu.memory_space<vmem_shared>> -> memref<10240x128xf32, #tpu.memory_space<vmem_shared>>
      tpu.wait_indirect_dma semaphore(%arg14 : memref<!tpu.dma_semaphore, #tpu.memory_space<semaphore_mem>>) src(%dma_wait3A_171 : memref<10240x128xf32, #tpu.memory_space<vmem_shared>>) dst(%dma_wait3A_165 : memref<64x128xf32, #tpu.memory_space<vmem>>)
      "tpu.region"() ({
        %run_scoped3A = tpu.sem_alloc : memref<!tpu.dma_semaphore, #tpu.memory_space<semaphore_mem>>
        %dma_start3A_198 = arith.constant 0 : i32
        %dma_start3A_199 = tpu.memref_slice %arg9[%mul3A_134, %dma_start3A_198] : memref<40x128xi32, #tpu.memory_space<vmem>> -> memref<1x128xi32, #tpu.memory_space<vmem>>
        %dma_start3A_200 = tpu.memref_squeeze %dma_start3A_199 : memref<1x128xi32, #tpu.memory_space<vmem>> -> memref<128xi32, #tpu.memory_space<vmem>>
        %dma_start3A_201 = arith.constant 0 : i32
        %dma_start3A_202 = arith.constant 0 : i32
        %dma_start3A_203 = tpu.memref_slice %arg7[%dma_start3A_201, %dma_start3A_202] : memref<10240x128xf32, #tpu.memory_space<vmem_shared>> -> memref<10240x128xf32, #tpu.memory_space<vmem_shared>>
        tpu.enqueue_indirect_dma source(%arg10 : memref<128x128xf32, #tpu.memory_space<vmem>>) target(%dma_start3A_203 : memref<10240x128xf32, #tpu.memory_space<vmem_shared>>) offsets(%dma_start3A_200 : memref<128xi32, #tpu.memory_space<vmem>>) semaphore(%run_scoped3A : memref<!tpu.dma_semaphore, #tpu.memory_space<semaphore_mem>>) {add = true}
        %dma_wait3A_204 = arith.constant 0 : i32
        %dma_wait3A_205 = tpu.memref_slice %arg9[%mul3A_134, %dma_wait3A_204] : memref<40x128xi32, #tpu.memory_space<vmem>> -> memref<1x128xi32, #tpu.memory_space<vmem>>
        %dma_wait3A_206 = tpu.memref_squeeze %dma_wait3A_205 : memref<1x128xi32, #tpu.memory_space<vmem>> -> memref<128xi32, #tpu.memory_space<vmem>>
        %dma_wait3A_207 = arith.constant 0 : i32
        %dma_wait3A_208 = arith.constant 0 : i32
        %dma_wait3A_209 = tpu.memref_slice %arg7[%dma_wait3A_207, %dma_wait3A_208] : memref<10240x128xf32, #tpu.memory_space<vmem_shared>> -> memref<10240x128xf32, #tpu.memory_space<vmem_shared>>
        tpu.wait_indirect_dma semaphore(%run_scoped3A : memref<!tpu.dma_semaphore, #tpu.memory_space<semaphore_mem>>) src(%arg10 : memref<128x128xf32, #tpu.memory_space<vmem>>) dst(%dma_wait3A_209 : memref<10240x128xf32, #tpu.memory_space<vmem_shared>>)
        tpu.yield
      }) : () -> ()
      %add3A_172 = arith.constant 1 : i32
      %add3A_173 = arith.addi %scan3A_132, %add3A_172 : i32
      %lt3A = arith.constant 20 : i32
      %lt3A_174 = arith.cmpi slt, %add3A_173, %lt3A : i32
      %convert_element_type3A = arith.extui %lt3A_174 : i1 to i32
      %cond3A = arith.constant 0 : i32
      %cond3A_175 = arith.cmpi ne, %convert_element_type3A, %cond3A : i32
      scf.if %cond3A_175 {
        %add3A_198 = arith.constant 2 : i32
        %add3A_199 = arith.addi %mul3A_134, %add3A_198 : i32
        %dma_start3A_200 = arith.constant 0 : i32
        %dma_start3A_201 = arith.constant 0 : i32
        %dma_start3A_202 = tpu.memref_slice %arg10[%dma_start3A_200, %dma_start3A_201] : memref<128x128xf32, #tpu.memory_space<vmem>> -> memref<64x128xf32, #tpu.memory_space<vmem>>
        %dma_start3A_203 = arith.constant 0 : i32
        %dma_start3A_204 = tpu.memref_slice %arg8[%add3A_199, %dma_start3A_203] : memref<40x128xi32, #tpu.memory_space<vmem>> -> memref<1x64xi32, #tpu.memory_space<vmem>>
        %dma_start3A_205 = tpu.memref_squeeze %dma_start3A_204 : memref<1x64xi32, #tpu.memory_space<vmem>> -> memref<64xi32, #tpu.memory_space<vmem>>
        %dma_start3A_206 = arith.constant 0 : i32
        %dma_start3A_207 = arith.constant 0 : i32
        %dma_start3A_208 = tpu.memref_slice %arg7[%dma_start3A_206, %dma_start3A_207] : memref<10240x128xf32, #tpu.memory_space<vmem_shared>> -> memref<10240x128xf32, #tpu.memory_space<vmem_shared>>
        tpu.enqueue_indirect_dma source(%dma_start3A_208 : memref<10240x128xf32, #tpu.memory_space<vmem_shared>>) target(%dma_start3A_202 : memref<64x128xf32, #tpu.memory_space<vmem>>) offsets(%dma_start3A_205 : memref<64xi32, #tpu.memory_space<vmem>>) semaphore(%arg12 : memref<!tpu.dma_semaphore, #tpu.memory_space<semaphore_mem>>)
        %dma_start3A_209 = arith.constant 64 : i32
        %dma_start3A_210 = arith.constant 0 : i32
        %dma_start3A_211 = tpu.memref_slice %arg10[%dma_start3A_209, %dma_start3A_210] : memref<128x128xf32, #tpu.memory_space<vmem>> -> memref<64x128xf32, #tpu.memory_space<vmem>>
        %dma_start3A_212 = arith.constant 64 : i32
        %dma_start3A_213 = tpu.memref_slice %arg8[%add3A_199, %dma_start3A_212] : memref<40x128xi32, #tpu.memory_space<vmem>> -> memref<1x64xi32, #tpu.memory_space<vmem>>
        %dma_start3A_214 = tpu.memref_squeeze %dma_start3A_213 : memref<1x64xi32, #tpu.memory_space<vmem>> -> memref<64xi32, #tpu.memory_space<vmem>>
        %dma_start3A_215 = arith.constant 0 : i32
        %dma_start3A_216 = arith.constant 0 : i32
        %dma_start3A_217 = tpu.memref_slice %arg7[%dma_start3A_215, %dma_start3A_216] : memref<10240x128xf32, #tpu.memory_space<vmem_shared>> -> memref<10240x128xf32, #tpu.memory_space<vmem_shared>>
        tpu.enqueue_indirect_dma source(%dma_start3A_217 : memref<10240x128xf32, #tpu.memory_space<vmem_shared>>) target(%dma_start3A_211 : memref<64x128xf32, #tpu.memory_space<vmem>>) offsets(%dma_start3A_214 : memref<64xi32, #tpu.memory_space<vmem>>) semaphore(%arg14 : memref<!tpu.dma_semaphore, #tpu.memory_space<semaphore_mem>>)
      } else {
      }
      %add3A_176 = arith.constant 1 : i32
      %add3A_177 = arith.addi %mul3A_134, %add3A_176 : i32
      %dma_wait3A_178 = arith.constant 0 : i32
      %dma_wait3A_179 = arith.constant 0 : i32
      %dma_wait3A_180 = tpu.memref_slice %arg11[%dma_wait3A_178, %dma_wait3A_179] : memref<128x128xf32, #tpu.memory_space<vmem>> -> memref<64x128xf32, #tpu.memory_space<vmem>>
      %dma_wait3A_181 = arith.constant 0 : i32
      %dma_wait3A_182 = tpu.memref_slice %arg8[%add3A_177, %dma_wait3A_181] : memref<40x128xi32, #tpu.memory_space<vmem>> -> memref<1x64xi32, #tpu.memory_space<vmem>>
      %dma_wait3A_183 = tpu.memref_squeeze %dma_wait3A_182 : memref<1x64xi32, #tpu.memory_space<vmem>> -> memref<64xi32, #tpu.memory_space<vmem>>
      %dma_wait3A_184 = arith.constant 0 : i32
      %dma_wait3A_185 = arith.constant 0 : i32
      %dma_wait3A_186 = tpu.memref_slice %arg7[%dma_wait3A_184, %dma_wait3A_185] : memref<10240x128xf32, #tpu.memory_space<vmem_shared>> -> memref<10240x128xf32, #tpu.memory_space<vmem_shared>>
      tpu.wait_indirect_dma semaphore(%arg13 : memref<!tpu.dma_semaphore, #tpu.memory_space<semaphore_mem>>) src(%dma_wait3A_186 : memref<10240x128xf32, #tpu.memory_space<vmem_shared>>) dst(%dma_wait3A_180 : memref<64x128xf32, #tpu.memory_space<vmem>>)
      %dma_wait3A_187 = arith.constant 64 : i32
      %dma_wait3A_188 = arith.constant 0 : i32
      %dma_wait3A_189 = tpu.memref_slice %arg11[%dma_wait3A_187, %dma_wait3A_188] : memref<128x128xf32, #tpu.memory_space<vmem>> -> memref<64x128xf32, #tpu.memory_space<vmem>>
      %dma_wait3A_190 = arith.constant 64 : i32
      %dma_wait3A_191 = tpu.memref_slice %arg8[%add3A_177, %dma_wait3A_190] : memref<40x128xi32, #tpu.memory_space<vmem>> -> memref<1x64xi32, #tpu.memory_space<vmem>>
      %dma_wait3A_192 = tpu.memref_squeeze %dma_wait3A_191 : memref<1x64xi32, #tpu.memory_space<vmem>> -> memref<64xi32, #tpu.memory_space<vmem>>
      %dma_wait3A_193 = arith.constant 0 : i32
      %dma_wait3A_194 = arith.constant 0 : i32
      %dma_wait3A_195 = tpu.memref_slice %arg7[%dma_wait3A_193, %dma_wait3A_194] : memref<10240x128xf32, #tpu.memory_space<vmem_shared>> -> memref<10240x128xf32, #tpu.memory_space<vmem_shared>>
      tpu.wait_indirect_dma semaphore(%arg15 : memref<!tpu.dma_semaphore, #tpu.memory_space<semaphore_mem>>) src(%dma_wait3A_195 : memref<10240x128xf32, #tpu.memory_space<vmem_shared>>) dst(%dma_wait3A_189 : memref<64x128xf32, #tpu.memory_space<vmem>>)
      %add3A_196 = arith.constant 1 : i32
      %add3A_197 = arith.addi %mul3A_134, %add3A_196 : i32
      "tpu.region"() ({
        %run_scoped3A = tpu.sem_alloc : memref<!tpu.dma_semaphore, #tpu.memory_space<semaphore_mem>>
        %dma_start3A_198 = arith.constant 0 : i32
        %dma_start3A_199 = tpu.memref_slice %arg9[%add3A_197, %dma_start3A_198] : memref<40x128xi32, #tpu.memory_space<vmem>> -> memref<1x128xi32, #tpu.memory_space<vmem>>
        %dma_start3A_200 = tpu.memref_squeeze %dma_start3A_199 : memref<1x128xi32, #tpu.memory_space<vmem>> -> memref<128xi32, #tpu.memory_space<vmem>>
        %dma_start3A_201 = arith.constant 0 : i32
        %dma_start3A_202 = arith.constant 0 : i32
        %dma_start3A_203 = tpu.memref_slice %arg7[%dma_start3A_201, %dma_start3A_202] : memref<10240x128xf32, #tpu.memory_space<vmem_shared>> -> memref<10240x128xf32, #tpu.memory_space<vmem_shared>>
        tpu.enqueue_indirect_dma source(%arg11 : memref<128x128xf32, #tpu.memory_space<vmem>>) target(%dma_start3A_203 : memref<10240x128xf32, #tpu.memory_space<vmem_shared>>) offsets(%dma_start3A_200 : memref<128xi32, #tpu.memory_space<vmem>>) semaphore(%run_scoped3A : memref<!tpu.dma_semaphore, #tpu.memory_space<semaphore_mem>>) {add = true}
        %dma_wait3A_204 = arith.constant 0 : i32
        %dma_wait3A_205 = tpu.memref_slice %arg9[%add3A_197, %dma_wait3A_204] : memref<40x128xi32, #tpu.memory_space<vmem>> -> memref<1x128xi32, #tpu.memory_space<vmem>>
        %dma_wait3A_206 = tpu.memref_squeeze %dma_wait3A_205 : memref<1x128xi32, #tpu.memory_space<vmem>> -> memref<128xi32, #tpu.memory_space<vmem>>
        %dma_wait3A_207 = arith.constant 0 : i32
        %dma_wait3A_208 = arith.constant 0 : i32
        %dma_wait3A_209 = tpu.memref_slice %arg7[%dma_wait3A_207, %dma_wait3A_208] : memref<10240x128xf32, #tpu.memory_space<vmem_shared>> -> memref<10240x128xf32, #tpu.memory_space<vmem_shared>>
        tpu.wait_indirect_dma semaphore(%run_scoped3A : memref<!tpu.dma_semaphore, #tpu.memory_space<semaphore_mem>>) src(%arg11 : memref<128x128xf32, #tpu.memory_space<vmem>>) dst(%dma_wait3A_209 : memref<10240x128xf32, #tpu.memory_space<vmem_shared>>)
        tpu.yield
      }) : () -> ()
    }
    %scan3A_64 = arith.constant 20 : i32
    "tpu.region"() ({
      %run_scoped3A = tpu.sem_alloc : memref<!tpu.dma_semaphore, #tpu.memory_space<semaphore_mem>>
      %dma_start3A_132 = arith.constant 40 : i32
      %dma_start3A_133 = arith.constant 0 : i32
      %dma_start3A_134 = tpu.memref_slice %arg3[%add3A, %dma_start3A_132, %dma_start3A_133] : memref<32x80x128xi32, #tpu.memory_space<hbm>> -> memref<1x40x128xi32, #tpu.memory_space<hbm>>
      %dma_start3A_135 = tpu.memref_squeeze %dma_start3A_134 : memref<1x40x128xi32, #tpu.memory_space<hbm>> -> memref<40x128xi32, #tpu.memory_space<hbm>>
      %dma_start3A_136 = arith.constant 40 : i32
      %dma_start3A_137 = arith.constant 0 : i32
      %dma_start3A_138 = tpu.memref_slice %arg3[%add3A, %dma_start3A_136, %dma_start3A_137] : memref<32x80x128xi32, #tpu.memory_space<hbm>> -> memref<1x40x128xi32, #tpu.memory_space<hbm>>
      %dma_start3A_139 = tpu.memref_squeeze %dma_start3A_138 : memref<1x40x128xi32, #tpu.memory_space<hbm>> -> memref<40x128xi32, #tpu.memory_space<hbm>>
      tpu.enqueue_dma source(%dma_start3A_139 : memref<40x128xi32, #tpu.memory_space<hbm>>) target(%arg8 : memref<40x128xi32, #tpu.memory_space<vmem>>) target_semaphore(%run_scoped3A : memref<!tpu.dma_semaphore, #tpu.memory_space<semaphore_mem>>)
      %dma_wait3A = arith.constant 40 : i32
      %dma_wait3A_140 = arith.constant 0 : i32
      %dma_wait3A_141 = tpu.memref_slice %arg3[%add3A, %dma_wait3A, %dma_wait3A_140] : memref<32x80x128xi32, #tpu.memory_space<hbm>> -> memref<1x40x128xi32, #tpu.memory_space<hbm>>
      %dma_wait3A_142 = tpu.memref_squeeze %dma_wait3A_141 : memref<1x40x128xi32, #tpu.memory_space<hbm>> -> memref<40x128xi32, #tpu.memory_space<hbm>>
      %dma_wait3A_143 = arith.constant 40 : i32
      %dma_wait3A_144 = arith.constant 0 : i32
      %dma_wait3A_145 = tpu.memref_slice %arg3[%add3A, %dma_wait3A_143, %dma_wait3A_144] : memref<32x80x128xi32, #tpu.memory_space<hbm>> -> memref<1x40x128xi32, #tpu.memory_space<hbm>>
      %dma_wait3A_146 = tpu.memref_squeeze %dma_wait3A_145 : memref<1x40x128xi32, #tpu.memory_space<hbm>> -> memref<40x128xi32, #tpu.memory_space<hbm>>
      tpu.wait_dma2 semaphore(%run_scoped3A : memref<!tpu.dma_semaphore, #tpu.memory_space<semaphore_mem>>) src(%dma_wait3A_146 : memref<40x128xi32, #tpu.memory_space<hbm>>) dst(%arg8 : memref<40x128xi32, #tpu.memory_space<vmem>>)
      tpu.yield
    }) : () -> ()
    "tpu.region"() ({
      %run_scoped3A = tpu.sem_alloc : memref<!tpu.dma_semaphore, #tpu.memory_space<semaphore_mem>>
      %dma_start3A_132 = arith.constant 40 : i32
      %dma_start3A_133 = arith.constant 0 : i32
      %dma_start3A_134 = tpu.memref_slice %arg4[%add3A, %dma_start3A_132, %dma_start3A_133] : memref<32x80x128xi32, #tpu.memory_space<hbm>> -> memref<1x40x128xi32, #tpu.memory_space<hbm>>
      %dma_start3A_135 = tpu.memref_squeeze %dma_start3A_134 : memref<1x40x128xi32, #tpu.memory_space<hbm>> -> memref<40x128xi32, #tpu.memory_space<hbm>>
      %dma_start3A_136 = arith.constant 40 : i32
      %dma_start3A_137 = arith.constant 0 : i32
      %dma_start3A_138 = tpu.memref_slice %arg4[%add3A, %dma_start3A_136, %dma_start3A_137] : memref<32x80x128xi32, #tpu.memory_space<hbm>> -> memref<1x40x128xi32, #tpu.memory_space<hbm>>
      %dma_start3A_139 = tpu.memref_squeeze %dma_start3A_138 : memref<1x40x128xi32, #tpu.memory_space<hbm>> -> memref<40x128xi32, #tpu.memory_space<hbm>>
      tpu.enqueue_dma source(%dma_start3A_139 : memref<40x128xi32, #tpu.memory_space<hbm>>) target(%arg9 : memref<40x128xi32, #tpu.memory_space<vmem>>) target_semaphore(%run_scoped3A : memref<!tpu.dma_semaphore, #tpu.memory_space<semaphore_mem>>)
      %dma_wait3A = arith.constant 40 : i32
      %dma_wait3A_140 = arith.constant 0 : i32
      %dma_wait3A_141 = tpu.memref_slice %arg4[%add3A, %dma_wait3A, %dma_wait3A_140] : memref<32x80x128xi32, #tpu.memory_space<hbm>> -> memref<1x40x128xi32, #tpu.memory_space<hbm>>
      %dma_wait3A_142 = tpu.memref_squeeze %dma_wait3A_141 : memref<1x40x128xi32, #tpu.memory_space<hbm>> -> memref<40x128xi32, #tpu.memory_space<hbm>>
      %dma_wait3A_143 = arith.constant 40 : i32
      %dma_wait3A_144 = arith.constant 0 : i32
      %dma_wait3A_145 = tpu.memref_slice %arg4[%add3A, %dma_wait3A_143, %dma_wait3A_144] : memref<32x80x128xi32, #tpu.memory_space<hbm>> -> memref<1x40x128xi32, #tpu.memory_space<hbm>>
      %dma_wait3A_146 = tpu.memref_squeeze %dma_wait3A_145 : memref<1x40x128xi32, #tpu.memory_space<hbm>> -> memref<40x128xi32, #tpu.memory_space<hbm>>
      tpu.wait_dma2 semaphore(%run_scoped3A : memref<!tpu.dma_semaphore, #tpu.memory_space<semaphore_mem>>) src(%dma_wait3A_146 : memref<40x128xi32, #tpu.memory_space<hbm>>) dst(%arg9 : memref<40x128xi32, #tpu.memory_space<vmem>>)
      tpu.yield
    }) : () -> ()
    %dma_start3A_65 = arith.constant 0 : i32
    %dma_start3A_66 = arith.constant 0 : i32
    %dma_start3A_67 = arith.constant 0 : i32
    %dma_start3A_68 = tpu.memref_slice %arg10[%dma_start3A_66, %dma_start3A_67] : memref<128x128xf32, #tpu.memory_space<vmem>> -> memref<64x128xf32, #tpu.memory_space<vmem>>
    %dma_start3A_69 = arith.constant 0 : i32
    %dma_start3A_70 = tpu.memref_slice %arg8[%dma_start3A_65, %dma_start3A_69] : memref<40x128xi32, #tpu.memory_space<vmem>> -> memref<1x64xi32, #tpu.memory_space<vmem>>
    %dma_start3A_71 = tpu.memref_squeeze %dma_start3A_70 : memref<1x64xi32, #tpu.memory_space<vmem>> -> memref<64xi32, #tpu.memory_space<vmem>>
    %dma_start3A_72 = arith.constant 0 : i32
    %dma_start3A_73 = arith.constant 0 : i32
    %dma_start3A_74 = tpu.memref_slice %arg7[%dma_start3A_72, %dma_start3A_73] : memref<10240x128xf32, #tpu.memory_space<vmem_shared>> -> memref<10240x128xf32, #tpu.memory_space<vmem_shared>>
    tpu.enqueue_indirect_dma source(%dma_start3A_74 : memref<10240x128xf32, #tpu.memory_space<vmem_shared>>) target(%dma_start3A_68 : memref<64x128xf32, #tpu.memory_space<vmem>>) offsets(%dma_start3A_71 : memref<64xi32, #tpu.memory_space<vmem>>) semaphore(%arg12 : memref<!tpu.dma_semaphore, #tpu.memory_space<semaphore_mem>>)
    %dma_start3A_75 = arith.constant 0 : i32
    %dma_start3A_76 = arith.constant 64 : i32
    %dma_start3A_77 = arith.constant 0 : i32
    %dma_start3A_78 = tpu.memref_slice %arg10[%dma_start3A_76, %dma_start3A_77] : memref<128x128xf32, #tpu.memory_space<vmem>> -> memref<64x128xf32, #tpu.memory_space<vmem>>
    %dma_start3A_79 = arith.constant 64 : i32
    %dma_start3A_80 = tpu.memref_slice %arg8[%dma_start3A_75, %dma_start3A_79] : memref<40x128xi32, #tpu.memory_space<vmem>> -> memref<1x64xi32, #tpu.memory_space<vmem>>
    %dma_start3A_81 = tpu.memref_squeeze %dma_start3A_80 : memref<1x64xi32, #tpu.memory_space<vmem>> -> memref<64xi32, #tpu.memory_space<vmem>>
    %dma_start3A_82 = arith.constant 0 : i32
    %dma_start3A_83 = arith.constant 0 : i32
    %dma_start3A_84 = tpu.memref_slice %arg7[%dma_start3A_82, %dma_start3A_83] : memref<10240x128xf32, #tpu.memory_space<vmem_shared>> -> memref<10240x128xf32, #tpu.memory_space<vmem_shared>>
    tpu.enqueue_indirect_dma source(%dma_start3A_84 : memref<10240x128xf32, #tpu.memory_space<vmem_shared>>) target(%dma_start3A_78 : memref<64x128xf32, #tpu.memory_space<vmem>>) offsets(%dma_start3A_81 : memref<64xi32, #tpu.memory_space<vmem>>) semaphore(%arg14 : memref<!tpu.dma_semaphore, #tpu.memory_space<semaphore_mem>>)
    %scan3A_85 = arith.constant 0 : i32
    %scan3A_86 = arith.constant 0 : i32
    %scan3A_87 = arith.constant 20 : i32
    %scan3A_88 = arith.addi %scan3A_86, %scan3A_87 : i32
    %scan3A_89 = arith.constant 1 : i32
    scf.for %scan3A_132 = %scan3A_86 to %scan3A_88 step %scan3A_89  : i32 {
      %mul3A_133 = arith.constant 2 : i32
      %mul3A_134 = arith.muli %scan3A_132, %mul3A_133 : i32
      %add3A_135 = arith.constant 1 : i32
      %add3A_136 = arith.addi %mul3A_134, %add3A_135 : i32
      %dma_start3A_137 = arith.constant 0 : i32
      %dma_start3A_138 = arith.constant 0 : i32
      %dma_start3A_139 = tpu.memref_slice %arg11[%dma_start3A_137, %dma_start3A_138] : memref<128x128xf32, #tpu.memory_space<vmem>> -> memref<64x128xf32, #tpu.memory_space<vmem>>
      %dma_start3A_140 = arith.constant 0 : i32
      %dma_start3A_141 = tpu.memref_slice %arg8[%add3A_136, %dma_start3A_140] : memref<40x128xi32, #tpu.memory_space<vmem>> -> memref<1x64xi32, #tpu.memory_space<vmem>>
      %dma_start3A_142 = tpu.memref_squeeze %dma_start3A_141 : memref<1x64xi32, #tpu.memory_space<vmem>> -> memref<64xi32, #tpu.memory_space<vmem>>
      %dma_start3A_143 = arith.constant 0 : i32
      %dma_start3A_144 = arith.constant 0 : i32
      %dma_start3A_145 = tpu.memref_slice %arg7[%dma_start3A_143, %dma_start3A_144] : memref<10240x128xf32, #tpu.memory_space<vmem_shared>> -> memref<10240x128xf32, #tpu.memory_space<vmem_shared>>
      tpu.enqueue_indirect_dma source(%dma_start3A_145 : memref<10240x128xf32, #tpu.memory_space<vmem_shared>>) target(%dma_start3A_139 : memref<64x128xf32, #tpu.memory_space<vmem>>) offsets(%dma_start3A_142 : memref<64xi32, #tpu.memory_space<vmem>>) semaphore(%arg13 : memref<!tpu.dma_semaphore, #tpu.memory_space<semaphore_mem>>)
      %dma_start3A_146 = arith.constant 64 : i32
      %dma_start3A_147 = arith.constant 0 : i32
      %dma_start3A_148 = tpu.memref_slice %arg11[%dma_start3A_146, %dma_start3A_147] : memref<128x128xf32, #tpu.memory_space<vmem>> -> memref<64x128xf32, #tpu.memory_space<vmem>>
      %dma_start3A_149 = arith.constant 64 : i32
      %dma_start3A_150 = tpu.memref_slice %arg8[%add3A_136, %dma_start3A_149] : memref<40x128xi32, #tpu.memory_space<vmem>> -> memref<1x64xi32, #tpu.memory_space<vmem>>
      %dma_start3A_151 = tpu.memref_squeeze %dma_start3A_150 : memref<1x64xi32, #tpu.memory_space<vmem>> -> memref<64xi32, #tpu.memory_space<vmem>>
      %dma_start3A_152 = arith.constant 0 : i32
      %dma_start3A_153 = arith.constant 0 : i32
      %dma_start3A_154 = tpu.memref_slice %arg7[%dma_start3A_152, %dma_start3A_153] : memref<10240x128xf32, #tpu.memory_space<vmem_shared>> -> memref<10240x128xf32, #tpu.memory_space<vmem_shared>>
      tpu.enqueue_indirect_dma source(%dma_start3A_154 : memref<10240x128xf32, #tpu.memory_space<vmem_shared>>) target(%dma_start3A_148 : memref<64x128xf32, #tpu.memory_space<vmem>>) offsets(%dma_start3A_151 : memref<64xi32, #tpu.memory_space<vmem>>) semaphore(%arg15 : memref<!tpu.dma_semaphore, #tpu.memory_space<semaphore_mem>>)
      %dma_wait3A = arith.constant 0 : i32
      %dma_wait3A_155 = arith.constant 0 : i32
      %dma_wait3A_156 = tpu.memref_slice %arg10[%dma_wait3A, %dma_wait3A_155] : memref<128x128xf32, #tpu.memory_space<vmem>> -> memref<64x128xf32, #tpu.memory_space<vmem>>
      %dma_wait3A_157 = arith.constant 0 : i32
      %dma_wait3A_158 = tpu.memref_slice %arg8[%mul3A_134, %dma_wait3A_157] : memref<40x128xi32, #tpu.memory_space<vmem>> -> memref<1x64xi32, #tpu.memory_space<vmem>>
      %dma_wait3A_159 = tpu.memref_squeeze %dma_wait3A_158 : memref<1x64xi32, #tpu.memory_space<vmem>> -> memref<64xi32, #tpu.memory_space<vmem>>
      %dma_wait3A_160 = arith.constant 0 : i32
      %dma_wait3A_161 = arith.constant 0 : i32
      %dma_wait3A_162 = tpu.memref_slice %arg7[%dma_wait3A_160, %dma_wait3A_161] : memref<10240x128xf32, #tpu.memory_space<vmem_shared>> -> memref<10240x128xf32, #tpu.memory_space<vmem_shared>>
      tpu.wait_indirect_dma semaphore(%arg12 : memref<!tpu.dma_semaphore, #tpu.memory_space<semaphore_mem>>) src(%dma_wait3A_162 : memref<10240x128xf32, #tpu.memory_space<vmem_shared>>) dst(%dma_wait3A_156 : memref<64x128xf32, #tpu.memory_space<vmem>>)
      %dma_wait3A_163 = arith.constant 64 : i32
      %dma_wait3A_164 = arith.constant 0 : i32
      %dma_wait3A_165 = tpu.memref_slice %arg10[%dma_wait3A_163, %dma_wait3A_164] : memref<128x128xf32, #tpu.memory_space<vmem>> -> memref<64x128xf32, #tpu.memory_space<vmem>>
      %dma_wait3A_166 = arith.constant 64 : i32
      %dma_wait3A_167 = tpu.memref_slice %arg8[%mul3A_134, %dma_wait3A_166] : memref<40x128xi32, #tpu.memory_space<vmem>> -> memref<1x64xi32, #tpu.memory_space<vmem>>
      %dma_wait3A_168 = tpu.memref_squeeze %dma_wait3A_167 : memref<1x64xi32, #tpu.memory_space<vmem>> -> memref<64xi32, #tpu.memory_space<vmem>>
      %dma_wait3A_169 = arith.constant 0 : i32
      %dma_wait3A_170 = arith.constant 0 : i32
      %dma_wait3A_171 = tpu.memref_slice %arg7[%dma_wait3A_169, %dma_wait3A_170] : memref<10240x128xf32, #tpu.memory_space<vmem_shared>> -> memref<10240x128xf32, #tpu.memory_space<vmem_shared>>
      tpu.wait_indirect_dma semaphore(%arg14 : memref<!tpu.dma_semaphore, #tpu.memory_space<semaphore_mem>>) src(%dma_wait3A_171 : memref<10240x128xf32, #tpu.memory_space<vmem_shared>>) dst(%dma_wait3A_165 : memref<64x128xf32, #tpu.memory_space<vmem>>)
      "tpu.region"() ({
        %run_scoped3A = tpu.sem_alloc : memref<!tpu.dma_semaphore, #tpu.memory_space<semaphore_mem>>
        %dma_start3A_198 = arith.constant 0 : i32
        %dma_start3A_199 = tpu.memref_slice %arg9[%mul3A_134, %dma_start3A_198] : memref<40x128xi32, #tpu.memory_space<vmem>> -> memref<1x128xi32, #tpu.memory_space<vmem>>
        %dma_start3A_200 = tpu.memref_squeeze %dma_start3A_199 : memref<1x128xi32, #tpu.memory_space<vmem>> -> memref<128xi32, #tpu.memory_space<vmem>>
        %dma_start3A_201 = arith.constant 0 : i32
        %dma_start3A_202 = arith.constant 0 : i32
        %dma_start3A_203 = tpu.memref_slice %arg7[%dma_start3A_201, %dma_start3A_202] : memref<10240x128xf32, #tpu.memory_space<vmem_shared>> -> memref<10240x128xf32, #tpu.memory_space<vmem_shared>>
        tpu.enqueue_indirect_dma source(%arg10 : memref<128x128xf32, #tpu.memory_space<vmem>>) target(%dma_start3A_203 : memref<10240x128xf32, #tpu.memory_space<vmem_shared>>) offsets(%dma_start3A_200 : memref<128xi32, #tpu.memory_space<vmem>>) semaphore(%run_scoped3A : memref<!tpu.dma_semaphore, #tpu.memory_space<semaphore_mem>>) {add = true}
        %dma_wait3A_204 = arith.constant 0 : i32
        %dma_wait3A_205 = tpu.memref_slice %arg9[%mul3A_134, %dma_wait3A_204] : memref<40x128xi32, #tpu.memory_space<vmem>> -> memref<1x128xi32, #tpu.memory_space<vmem>>
        %dma_wait3A_206 = tpu.memref_squeeze %dma_wait3A_205 : memref<1x128xi32, #tpu.memory_space<vmem>> -> memref<128xi32, #tpu.memory_space<vmem>>
        %dma_wait3A_207 = arith.constant 0 : i32
        %dma_wait3A_208 = arith.constant 0 : i32
        %dma_wait3A_209 = tpu.memref_slice %arg7[%dma_wait3A_207, %dma_wait3A_208] : memref<10240x128xf32, #tpu.memory_space<vmem_shared>> -> memref<10240x128xf32, #tpu.memory_space<vmem_shared>>
        tpu.wait_indirect_dma semaphore(%run_scoped3A : memref<!tpu.dma_semaphore, #tpu.memory_space<semaphore_mem>>) src(%arg10 : memref<128x128xf32, #tpu.memory_space<vmem>>) dst(%dma_wait3A_209 : memref<10240x128xf32, #tpu.memory_space<vmem_shared>>)
        tpu.yield
      }) : () -> ()
      %add3A_172 = arith.constant 1 : i32
      %add3A_173 = arith.addi %scan3A_132, %add3A_172 : i32
      %lt3A = arith.constant 20 : i32
      %lt3A_174 = arith.cmpi slt, %add3A_173, %lt3A : i32
      %convert_element_type3A = arith.extui %lt3A_174 : i1 to i32
      %cond3A = arith.constant 0 : i32
      %cond3A_175 = arith.cmpi ne, %convert_element_type3A, %cond3A : i32
      scf.if %cond3A_175 {
        %add3A_198 = arith.constant 2 : i32
        %add3A_199 = arith.addi %mul3A_134, %add3A_198 : i32
        %dma_start3A_200 = arith.constant 0 : i32
        %dma_start3A_201 = arith.constant 0 : i32
        %dma_start3A_202 = tpu.memref_slice %arg10[%dma_start3A_200, %dma_start3A_201] : memref<128x128xf32, #tpu.memory_space<vmem>> -> memref<64x128xf32, #tpu.memory_space<vmem>>
        %dma_start3A_203 = arith.constant 0 : i32
        %dma_start3A_204 = tpu.memref_slice %arg8[%add3A_199, %dma_start3A_203] : memref<40x128xi32, #tpu.memory_space<vmem>> -> memref<1x64xi32, #tpu.memory_space<vmem>>
        %dma_start3A_205 = tpu.memref_squeeze %dma_start3A_204 : memref<1x64xi32, #tpu.memory_space<vmem>> -> memref<64xi32, #tpu.memory_space<vmem>>
        %dma_start3A_206 = arith.constant 0 : i32
        %dma_start3A_207 = arith.constant 0 : i32
        %dma_start3A_208 = tpu.memref_slice %arg7[%dma_start3A_206, %dma_start3A_207] : memref<10240x128xf32, #tpu.memory_space<vmem_shared>> -> memref<10240x128xf32, #tpu.memory_space<vmem_shared>>
        tpu.enqueue_indirect_dma source(%dma_start3A_208 : memref<10240x128xf32, #tpu.memory_space<vmem_shared>>) target(%dma_start3A_202 : memref<64x128xf32, #tpu.memory_space<vmem>>) offsets(%dma_start3A_205 : memref<64xi32, #tpu.memory_space<vmem>>) semaphore(%arg12 : memref<!tpu.dma_semaphore, #tpu.memory_space<semaphore_mem>>)
        %dma_start3A_209 = arith.constant 64 : i32
        %dma_start3A_210 = arith.constant 0 : i32
        %dma_start3A_211 = tpu.memref_slice %arg10[%dma_start3A_209, %dma_start3A_210] : memref<128x128xf32, #tpu.memory_space<vmem>> -> memref<64x128xf32, #tpu.memory_space<vmem>>
        %dma_start3A_212 = arith.constant 64 : i32
        %dma_start3A_213 = tpu.memref_slice %arg8[%add3A_199, %dma_start3A_212] : memref<40x128xi32, #tpu.memory_space<vmem>> -> memref<1x64xi32, #tpu.memory_space<vmem>>
        %dma_start3A_214 = tpu.memref_squeeze %dma_start3A_213 : memref<1x64xi32, #tpu.memory_space<vmem>> -> memref<64xi32, #tpu.memory_space<vmem>>
        %dma_start3A_215 = arith.constant 0 : i32
        %dma_start3A_216 = arith.constant 0 : i32
        %dma_start3A_217 = tpu.memref_slice %arg7[%dma_start3A_215, %dma_start3A_216] : memref<10240x128xf32, #tpu.memory_space<vmem_shared>> -> memref<10240x128xf32, #tpu.memory_space<vmem_shared>>
        tpu.enqueue_indirect_dma source(%dma_start3A_217 : memref<10240x128xf32, #tpu.memory_space<vmem_shared>>) target(%dma_start3A_211 : memref<64x128xf32, #tpu.memory_space<vmem>>) offsets(%dma_start3A_214 : memref<64xi32, #tpu.memory_space<vmem>>) semaphore(%arg14 : memref<!tpu.dma_semaphore, #tpu.memory_space<semaphore_mem>>)
      } else {
      }
      %add3A_176 = arith.constant 1 : i32
      %add3A_177 = arith.addi %mul3A_134, %add3A_176 : i32
      %dma_wait3A_178 = arith.constant 0 : i32
      %dma_wait3A_179 = arith.constant 0 : i32
      %dma_wait3A_180 = tpu.memref_slice %arg11[%dma_wait3A_178, %dma_wait3A_179] : memref<128x128xf32, #tpu.memory_space<vmem>> -> memref<64x128xf32, #tpu.memory_space<vmem>>
      %dma_wait3A_181 = arith.constant 0 : i32
      %dma_wait3A_182 = tpu.memref_slice %arg8[%add3A_177, %dma_wait3A_181] : memref<40x128xi32, #tpu.memory_space<vmem>> -> memref<1x64xi32, #tpu.memory_space<vmem>>
      %dma_wait3A_183 = tpu.memref_squeeze %dma_wait3A_182 : memref<1x64xi32, #tpu.memory_space<vmem>> -> memref<64xi32, #tpu.memory_space<vmem>>
      %dma_wait3A_184 = arith.constant 0 : i32
      %dma_wait3A_185 = arith.constant 0 : i32
      %dma_wait3A_186 = tpu.memref_slice %arg7[%dma_wait3A_184, %dma_wait3A_185] : memref<10240x128xf32, #tpu.memory_space<vmem_shared>> -> memref<10240x128xf32, #tpu.memory_space<vmem_shared>>
      tpu.wait_indirect_dma semaphore(%arg13 : memref<!tpu.dma_semaphore, #tpu.memory_space<semaphore_mem>>) src(%dma_wait3A_186 : memref<10240x128xf32, #tpu.memory_space<vmem_shared>>) dst(%dma_wait3A_180 : memref<64x128xf32, #tpu.memory_space<vmem>>)
      %dma_wait3A_187 = arith.constant 64 : i32
      %dma_wait3A_188 = arith.constant 0 : i32
      %dma_wait3A_189 = tpu.memref_slice %arg11[%dma_wait3A_187, %dma_wait3A_188] : memref<128x128xf32, #tpu.memory_space<vmem>> -> memref<64x128xf32, #tpu.memory_space<vmem>>
      %dma_wait3A_190 = arith.constant 64 : i32
      %dma_wait3A_191 = tpu.memref_slice %arg8[%add3A_177, %dma_wait3A_190] : memref<40x128xi32, #tpu.memory_space<vmem>> -> memref<1x64xi32, #tpu.memory_space<vmem>>
      %dma_wait3A_192 = tpu.memref_squeeze %dma_wait3A_191 : memref<1x64xi32, #tpu.memory_space<vmem>> -> memref<64xi32, #tpu.memory_space<vmem>>
      %dma_wait3A_193 = arith.constant 0 : i32
      %dma_wait3A_194 = arith.constant 0 : i32
      %dma_wait3A_195 = tpu.memref_slice %arg7[%dma_wait3A_193, %dma_wait3A_194] : memref<10240x128xf32, #tpu.memory_space<vmem_shared>> -> memref<10240x128xf32, #tpu.memory_space<vmem_shared>>
      tpu.wait_indirect_dma semaphore(%arg15 : memref<!tpu.dma_semaphore, #tpu.memory_space<semaphore_mem>>) src(%dma_wait3A_195 : memref<10240x128xf32, #tpu.memory_space<vmem_shared>>) dst(%dma_wait3A_189 : memref<64x128xf32, #tpu.memory_space<vmem>>)
      %add3A_196 = arith.constant 1 : i32
      %add3A_197 = arith.addi %mul3A_134, %add3A_196 : i32
      "tpu.region"() ({
        %run_scoped3A = tpu.sem_alloc : memref<!tpu.dma_semaphore, #tpu.memory_space<semaphore_mem>>
        %dma_start3A_198 = arith.constant 0 : i32
        %dma_start3A_199 = tpu.memref_slice %arg9[%add3A_197, %dma_start3A_198] : memref<40x128xi32, #tpu.memory_space<vmem>> -> memref<1x128xi32, #tpu.memory_space<vmem>>
        %dma_start3A_200 = tpu.memref_squeeze %dma_start3A_199 : memref<1x128xi32, #tpu.memory_space<vmem>> -> memref<128xi32, #tpu.memory_space<vmem>>
        %dma_start3A_201 = arith.constant 0 : i32
        %dma_start3A_202 = arith.constant 0 : i32
        %dma_start3A_203 = tpu.memref_slice %arg7[%dma_start3A_201, %dma_start3A_202] : memref<10240x128xf32, #tpu.memory_space<vmem_shared>> -> memref<10240x128xf32, #tpu.memory_space<vmem_shared>>
        tpu.enqueue_indirect_dma source(%arg11 : memref<128x128xf32, #tpu.memory_space<vmem>>) target(%dma_start3A_203 : memref<10240x128xf32, #tpu.memory_space<vmem_shared>>) offsets(%dma_start3A_200 : memref<128xi32, #tpu.memory_space<vmem>>) semaphore(%run_scoped3A : memref<!tpu.dma_semaphore, #tpu.memory_space<semaphore_mem>>) {add = true}
        %dma_wait3A_204 = arith.constant 0 : i32
        %dma_wait3A_205 = tpu.memref_slice %arg9[%add3A_197, %dma_wait3A_204] : memref<40x128xi32, #tpu.memory_space<vmem>> -> memref<1x128xi32, #tpu.memory_space<vmem>>
        %dma_wait3A_206 = tpu.memref_squeeze %dma_wait3A_205 : memref<1x128xi32, #tpu.memory_space<vmem>> -> memref<128xi32, #tpu.memory_space<vmem>>
        %dma_wait3A_207 = arith.constant 0 : i32
        %dma_wait3A_208 = arith.constant 0 : i32
        %dma_wait3A_209 = tpu.memref_slice %arg7[%dma_wait3A_207, %dma_wait3A_208] : memref<10240x128xf32, #tpu.memory_space<vmem_shared>> -> memref<10240x128xf32, #tpu.memory_space<vmem_shared>>
        tpu.wait_indirect_dma semaphore(%run_scoped3A : memref<!tpu.dma_semaphore, #tpu.memory_space<semaphore_mem>>) src(%arg11 : memref<128x128xf32, #tpu.memory_space<vmem>>) dst(%dma_wait3A_209 : memref<10240x128xf32, #tpu.memory_space<vmem_shared>>)
        tpu.yield
      }) : () -> ()
    }
    %scan3A_90 = arith.constant 20 : i32
    %barrier3A_91 = arith.constant 0 : index
    tpu.barrier barrier_id(%barrier3A_91)
    %mul3A_92 = arith.constant 640 : i32
    %mul3A_93 = arith.muli %arg1, %mul3A_92 : i32
    %add3A_94 = arith.constant 0 : i32
    %add3A_95 = arith.addi %mul3A_93, %add3A_94 : i32
    "tpu.region"() ({
      %run_scoped3A = tpu.sem_alloc : memref<!tpu.dma_semaphore, #tpu.memory_space<semaphore_mem>>
      %dma_start3A_132 = arith.constant 0 : i32
      %dma_start3A_133 = arith.constant 0 : i32
      %dma_start3A_134 = tpu.memref_slice %arg10[%dma_start3A_132, %dma_start3A_133] : memref<128x128xf32, #tpu.memory_space<vmem>> -> memref<64x128xf32, #tpu.memory_space<vmem>>
      %dma_start3A_135 = arith.constant 0 : i32
      %dma_start3A_136 = tpu.memref_slice %arg7[%add3A_95, %dma_start3A_135] : memref<10240x128xf32, #tpu.memory_space<vmem_shared>> -> memref<64x128xf32, #tpu.memory_space<vmem_shared>>
      %dma_start3A_137 = arith.constant 0 : i32
      %dma_start3A_138 = arith.constant 0 : i32
      %dma_start3A_139 = tpu.memref_slice %arg10[%dma_start3A_137, %dma_start3A_138] : memref<128x128xf32, #tpu.memory_space<vmem>> -> memref<64x128xf32, #tpu.memory_space<vmem>>
      %dma_start3A_140 = arith.constant 0 : i32
      %dma_start3A_141 = tpu.memref_slice %arg7[%add3A_95, %dma_start3A_140] : memref<10240x128xf32, #tpu.memory_space<vmem_shared>> -> memref<64x128xf32, #tpu.memory_space<vmem_shared>>
      tpu.enqueue_dma source(%dma_start3A_141 : memref<64x128xf32, #tpu.memory_space<vmem_shared>>) target(%dma_start3A_139 : memref<64x128xf32, #tpu.memory_space<vmem>>) target_semaphore(%run_scoped3A : memref<!tpu.dma_semaphore, #tpu.memory_space<semaphore_mem>>)
      %dma_wait3A = arith.constant 0 : i32
      %dma_wait3A_142 = arith.constant 0 : i32
      %dma_wait3A_143 = tpu.memref_slice %arg10[%dma_wait3A, %dma_wait3A_142] : memref<128x128xf32, #tpu.memory_space<vmem>> -> memref<64x128xf32, #tpu.memory_space<vmem>>
      %dma_wait3A_144 = arith.constant 0 : i32
      %dma_wait3A_145 = tpu.memref_slice %arg7[%add3A_95, %dma_wait3A_144] : memref<10240x128xf32, #tpu.memory_space<vmem_shared>> -> memref<64x128xf32, #tpu.memory_space<vmem_shared>>
      %dma_wait3A_146 = arith.constant 0 : i32
      %dma_wait3A_147 = arith.constant 0 : i32
      %dma_wait3A_148 = tpu.memref_slice %arg10[%dma_wait3A_146, %dma_wait3A_147] : memref<128x128xf32, #tpu.memory_space<vmem>> -> memref<64x128xf32, #tpu.memory_space<vmem>>
      %dma_wait3A_149 = arith.constant 0 : i32
      %dma_wait3A_150 = tpu.memref_slice %arg7[%add3A_95, %dma_wait3A_149] : memref<10240x128xf32, #tpu.memory_space<vmem_shared>> -> memref<64x128xf32, #tpu.memory_space<vmem_shared>>
      tpu.wait_dma2 semaphore(%run_scoped3A : memref<!tpu.dma_semaphore, #tpu.memory_space<semaphore_mem>>) src(%dma_wait3A_150 : memref<64x128xf32, #tpu.memory_space<vmem_shared>>) dst(%dma_wait3A_148 : memref<64x128xf32, #tpu.memory_space<vmem>>)
      tpu.yield
    }) : () -> ()
    "tpu.region"() ({
      %run_scoped3A = tpu.sem_alloc : memref<!tpu.dma_semaphore, #tpu.memory_space<semaphore_mem>>
      %dma_start3A_132 = arith.constant 0 : i32
      %dma_start3A_133 = arith.constant 0 : i32
      %dma_start3A_134 = tpu.memref_slice %arg10[%dma_start3A_132, %dma_start3A_133] : memref<128x128xf32, #tpu.memory_space<vmem>> -> memref<64x128xf32, #tpu.memory_space<vmem>>
      %dma_start3A_135 = arith.constant 0 : i32
      %dma_start3A_136 = arith.constant 0 : i32
      %dma_start3A_137 = tpu.memref_slice %arg6[%arg0, %arg1, %dma_start3A_135, %dma_start3A_136] : memref<2x16x640x128xf32, #tpu.memory_space<hbm>> -> memref<1x1x64x128xf32, #tpu.memory_space<hbm>>
      %dma_start3A_138 = tpu.memref_squeeze %dma_start3A_137 : memref<1x1x64x128xf32, #tpu.memory_space<hbm>> -> memref<64x128xf32, #tpu.memory_space<hbm>>
      %dma_start3A_139 = arith.constant 0 : i32
      %dma_start3A_140 = arith.constant 0 : i32
      %dma_start3A_141 = tpu.memref_slice %arg6[%arg0, %arg1, %dma_start3A_139, %dma_start3A_140] : memref<2x16x640x128xf32, #tpu.memory_space<hbm>> -> memref<1x1x64x128xf32, #tpu.memory_space<hbm>>
      %dma_start3A_142 = tpu.memref_squeeze %dma_start3A_141 : memref<1x1x64x128xf32, #tpu.memory_space<hbm>> -> memref<64x128xf32, #tpu.memory_space<hbm>>
      %dma_start3A_143 = arith.constant 0 : i32
      %dma_start3A_144 = arith.constant 0 : i32
      %dma_start3A_145 = tpu.memref_slice %arg10[%dma_start3A_143, %dma_start3A_144] : memref<128x128xf32, #tpu.memory_space<vmem>> -> memref<64x128xf32, #tpu.memory_space<vmem>>
      tpu.enqueue_dma source(%dma_start3A_145 : memref<64x128xf32, #tpu.memory_space<vmem>>) target(%dma_start3A_142 : memref<64x128xf32, #tpu.memory_space<hbm>>) target_semaphore(%run_scoped3A : memref<!tpu.dma_semaphore, #tpu.memory_space<semaphore_mem>>)
      %dma_wait3A = arith.constant 0 : i32
      %dma_wait3A_146 = arith.constant 0 : i32
      %dma_wait3A_147 = tpu.memref_slice %arg10[%dma_wait3A, %dma_wait3A_146] : memref<128x128xf32, #tpu.memory_space<vmem>> -> memref<64x128xf32, #tpu.memory_space<vmem>>
      %dma_wait3A_148 = arith.constant 0 : i32
      %dma_wait3A_149 = arith.constant 0 : i32
      %dma_wait3A_150 = tpu.memref_slice %arg6[%arg0, %arg1, %dma_wait3A_148, %dma_wait3A_149] : memref<2x16x640x128xf32, #tpu.memory_space<hbm>> -> memref<1x1x64x128xf32, #tpu.memory_space<hbm>>
      %dma_wait3A_151 = tpu.memref_squeeze %dma_wait3A_150 : memref<1x1x64x128xf32, #tpu.memory_space<hbm>> -> memref<64x128xf32, #tpu.memory_space<hbm>>
      %dma_wait3A_152 = arith.constant 0 : i32
      %dma_wait3A_153 = arith.constant 0 : i32
      %dma_wait3A_154 = tpu.memref_slice %arg6[%arg0, %arg1, %dma_wait3A_152, %dma_wait3A_153] : memref<2x16x640x128xf32, #tpu.memory_space<hbm>> -> memref<1x1x64x128xf32, #tpu.memory_space<hbm>>
      %dma_wait3A_155 = tpu.memref_squeeze %dma_wait3A_154 : memref<1x1x64x128xf32, #tpu.memory_space<hbm>> -> memref<64x128xf32, #tpu.memory_space<hbm>>
      %dma_wait3A_156 = arith.constant 0 : i32
      %dma_wait3A_157 = arith.constant 0 : i32
      %dma_wait3A_158 = tpu.memref_slice %arg10[%dma_wait3A_156, %dma_wait3A_157] : memref<128x128xf32, #tpu.memory_space<vmem>> -> memref<64x128xf32, #tpu.memory_space<vmem>>
      tpu.wait_dma2 semaphore(%run_scoped3A : memref<!tpu.dma_semaphore, #tpu.memory_space<semaphore_mem>>) src(%dma_wait3A_158 : memref<64x128xf32, #tpu.memory_space<vmem>>) dst(%dma_wait3A_155 : memref<64x128xf32, #tpu.memory_space<hbm>>)
      tpu.yield
    }) : () -> ()
    %mul3A_96 = arith.constant 640 : i32
    %mul3A_97 = arith.muli %arg1, %mul3A_96 : i32
    %add3A_98 = arith.constant 64 : i32
    %add3A_99 = arith.addi %mul3A_97, %add3A_98 : i32
    "tpu.region"() ({
      %run_scoped3A = tpu.sem_alloc : memref<!tpu.dma_semaphore, #tpu.memory_space<semaphore_mem>>
      %dma_start3A_132 = arith.constant 0 : i32
      %dma_start3A_133 = arith.constant 0 : i32
      %dma_start3A_134 = tpu.memref_slice %arg10[%dma_start3A_132, %dma_start3A_133] : memref<128x128xf32, #tpu.memory_space<vmem>> -> memref<64x128xf32, #tpu.memory_space<vmem>>
      %dma_start3A_135 = arith.constant 0 : i32
      %dma_start3A_136 = tpu.memref_slice %arg7[%add3A_99, %dma_start3A_135] : memref<10240x128xf32, #tpu.memory_space<vmem_shared>> -> memref<64x128xf32, #tpu.memory_space<vmem_shared>>
      %dma_start3A_137 = arith.constant 0 : i32
      %dma_start3A_138 = arith.constant 0 : i32
      %dma_start3A_139 = tpu.memref_slice %arg10[%dma_start3A_137, %dma_start3A_138] : memref<128x128xf32, #tpu.memory_space<vmem>> -> memref<64x128xf32, #tpu.memory_space<vmem>>
      %dma_start3A_140 = arith.constant 0 : i32
      %dma_start3A_141 = tpu.memref_slice %arg7[%add3A_99, %dma_start3A_140] : memref<10240x128xf32, #tpu.memory_space<vmem_shared>> -> memref<64x128xf32, #tpu.memory_space<vmem_shared>>
      tpu.enqueue_dma source(%dma_start3A_141 : memref<64x128xf32, #tpu.memory_space<vmem_shared>>) target(%dma_start3A_139 : memref<64x128xf32, #tpu.memory_space<vmem>>) target_semaphore(%run_scoped3A : memref<!tpu.dma_semaphore, #tpu.memory_space<semaphore_mem>>)
      %dma_wait3A = arith.constant 0 : i32
      %dma_wait3A_142 = arith.constant 0 : i32
      %dma_wait3A_143 = tpu.memref_slice %arg10[%dma_wait3A, %dma_wait3A_142] : memref<128x128xf32, #tpu.memory_space<vmem>> -> memref<64x128xf32, #tpu.memory_space<vmem>>
      %dma_wait3A_144 = arith.constant 0 : i32
      %dma_wait3A_145 = tpu.memref_slice %arg7[%add3A_99, %dma_wait3A_144] : memref<10240x128xf32, #tpu.memory_space<vmem_shared>> -> memref<64x128xf32, #tpu.memory_space<vmem_shared>>
      %dma_wait3A_146 = arith.constant 0 : i32
      %dma_wait3A_147 = arith.constant 0 : i32
      %dma_wait3A_148 = tpu.memref_slice %arg10[%dma_wait3A_146, %dma_wait3A_147] : memref<128x128xf32, #tpu.memory_space<vmem>> -> memref<64x128xf32, #tpu.memory_space<vmem>>
      %dma_wait3A_149 = arith.constant 0 : i32
      %dma_wait3A_150 = tpu.memref_slice %arg7[%add3A_99, %dma_wait3A_149] : memref<10240x128xf32, #tpu.memory_space<vmem_shared>> -> memref<64x128xf32, #tpu.memory_space<vmem_shared>>
      tpu.wait_dma2 semaphore(%run_scoped3A : memref<!tpu.dma_semaphore, #tpu.memory_space<semaphore_mem>>) src(%dma_wait3A_150 : memref<64x128xf32, #tpu.memory_space<vmem_shared>>) dst(%dma_wait3A_148 : memref<64x128xf32, #tpu.memory_space<vmem>>)
      tpu.yield
    }) : () -> ()
    "tpu.region"() ({
      %run_scoped3A = tpu.sem_alloc : memref<!tpu.dma_semaphore, #tpu.memory_space<semaphore_mem>>
      %dma_start3A_132 = arith.constant 0 : i32
      %dma_start3A_133 = arith.constant 0 : i32
      %dma_start3A_134 = tpu.memref_slice %arg10[%dma_start3A_132, %dma_start3A_133] : memref<128x128xf32, #tpu.memory_space<vmem>> -> memref<64x128xf32, #tpu.memory_space<vmem>>
      %dma_start3A_135 = arith.constant 64 : i32
      %dma_start3A_136 = arith.constant 0 : i32
      %dma_start3A_137 = tpu.memref_slice %arg6[%arg0, %arg1, %dma_start3A_135, %dma_start3A_136] : memref<2x16x640x128xf32, #tpu.memory_space<hbm>> -> memref<1x1x64x128xf32, #tpu.memory_space<hbm>>
      %dma_start3A_138 = tpu.memref_squeeze %dma_start3A_137 : memref<1x1x64x128xf32, #tpu.memory_space<hbm>> -> memref<64x128xf32, #tpu.memory_space<hbm>>
      %dma_start3A_139 = arith.constant 64 : i32
      %dma_start3A_140 = arith.constant 0 : i32
      %dma_start3A_141 = tpu.memref_slice %arg6[%arg0, %arg1, %dma_start3A_139, %dma_start3A_140] : memref<2x16x640x128xf32, #tpu.memory_space<hbm>> -> memref<1x1x64x128xf32, #tpu.memory_space<hbm>>
      %dma_start3A_142 = tpu.memref_squeeze %dma_start3A_141 : memref<1x1x64x128xf32, #tpu.memory_space<hbm>> -> memref<64x128xf32, #tpu.memory_space<hbm>>
      %dma_start3A_143 = arith.constant 0 : i32
      %dma_start3A_144 = arith.constant 0 : i32
      %dma_start3A_145 = tpu.memref_slice %arg10[%dma_start3A_143, %dma_start3A_144] : memref<128x128xf32, #tpu.memory_space<vmem>> -> memref<64x128xf32, #tpu.memory_space<vmem>>
      tpu.enqueue_dma source(%dma_start3A_145 : memref<64x128xf32, #tpu.memory_space<vmem>>) target(%dma_start3A_142 : memref<64x128xf32, #tpu.memory_space<hbm>>) target_semaphore(%run_scoped3A : memref<!tpu.dma_semaphore, #tpu.memory_space<semaphore_mem>>)
      %dma_wait3A = arith.constant 0 : i32
      %dma_wait3A_146 = arith.constant 0 : i32
      %dma_wait3A_147 = tpu.memref_slice %arg10[%dma_wait3A, %dma_wait3A_146] : memref<128x128xf32, #tpu.memory_space<vmem>> -> memref<64x128xf32, #tpu.memory_space<vmem>>
      %dma_wait3A_148 = arith.constant 64 : i32
      %dma_wait3A_149 = arith.constant 0 : i32
      %dma_wait3A_150 = tpu.memref_slice %arg6[%arg0, %arg1, %dma_wait3A_148, %dma_wait3A_149] : memref<2x16x640x128xf32, #tpu.memory_space<hbm>> -> memref<1x1x64x128xf32, #tpu.memory_space<hbm>>
      %dma_wait3A_151 = tpu.memref_squeeze %dma_wait3A_150 : memref<1x1x64x128xf32, #tpu.memory_space<hbm>> -> memref<64x128xf32, #tpu.memory_space<hbm>>
      %dma_wait3A_152 = arith.constant 64 : i32
      %dma_wait3A_153 = arith.constant 0 : i32
      %dma_wait3A_154 = tpu.memref_slice %arg6[%arg0, %arg1, %dma_wait3A_152, %dma_wait3A_153] : memref<2x16x640x128xf32, #tpu.memory_space<hbm>> -> memref<1x1x64x128xf32, #tpu.memory_space<hbm>>
      %dma_wait3A_155 = tpu.memref_squeeze %dma_wait3A_154 : memref<1x1x64x128xf32, #tpu.memory_space<hbm>> -> memref<64x128xf32, #tpu.memory_space<hbm>>
      %dma_wait3A_156 = arith.constant 0 : i32
      %dma_wait3A_157 = arith.constant 0 : i32
      %dma_wait3A_158 = tpu.memref_slice %arg10[%dma_wait3A_156, %dma_wait3A_157] : memref<128x128xf32, #tpu.memory_space<vmem>> -> memref<64x128xf32, #tpu.memory_space<vmem>>
      tpu.wait_dma2 semaphore(%run_scoped3A : memref<!tpu.dma_semaphore, #tpu.memory_space<semaphore_mem>>) src(%dma_wait3A_158 : memref<64x128xf32, #tpu.memory_space<vmem>>) dst(%dma_wait3A_155 : memref<64x128xf32, #tpu.memory_space<hbm>>)
      tpu.yield
    }) : () -> ()
    %mul3A_100 = arith.constant 640 : i32
    %mul3A_101 = arith.muli %arg1, %mul3A_100 : i32
    %add3A_102 = arith.constant 128 : i32
    %add3A_103 = arith.addi %mul3A_101, %add3A_102 : i32
    "tpu.region"() ({
      %run_scoped3A = tpu.sem_alloc : memref<!tpu.dma_semaphore, #tpu.memory_space<semaphore_mem>>
      %dma_start3A_132 = arith.constant 0 : i32
      %dma_start3A_133 = arith.constant 0 : i32
      %dma_start3A_134 = tpu.memref_slice %arg10[%dma_start3A_132, %dma_start3A_133] : memref<128x128xf32, #tpu.memory_space<vmem>> -> memref<64x128xf32, #tpu.memory_space<vmem>>
      %dma_start3A_135 = arith.constant 0 : i32
      %dma_start3A_136 = tpu.memref_slice %arg7[%add3A_103, %dma_start3A_135] : memref<10240x128xf32, #tpu.memory_space<vmem_shared>> -> memref<64x128xf32, #tpu.memory_space<vmem_shared>>
      %dma_start3A_137 = arith.constant 0 : i32
      %dma_start3A_138 = arith.constant 0 : i32
      %dma_start3A_139 = tpu.memref_slice %arg10[%dma_start3A_137, %dma_start3A_138] : memref<128x128xf32, #tpu.memory_space<vmem>> -> memref<64x128xf32, #tpu.memory_space<vmem>>
      %dma_start3A_140 = arith.constant 0 : i32
      %dma_start3A_141 = tpu.memref_slice %arg7[%add3A_103, %dma_start3A_140] : memref<10240x128xf32, #tpu.memory_space<vmem_shared>> -> memref<64x128xf32, #tpu.memory_space<vmem_shared>>
      tpu.enqueue_dma source(%dma_start3A_141 : memref<64x128xf32, #tpu.memory_space<vmem_shared>>) target(%dma_start3A_139 : memref<64x128xf32, #tpu.memory_space<vmem>>) target_semaphore(%run_scoped3A : memref<!tpu.dma_semaphore, #tpu.memory_space<semaphore_mem>>)
      %dma_wait3A = arith.constant 0 : i32
      %dma_wait3A_142 = arith.constant 0 : i32
      %dma_wait3A_143 = tpu.memref_slice %arg10[%dma_wait3A, %dma_wait3A_142] : memref<128x128xf32, #tpu.memory_space<vmem>> -> memref<64x128xf32, #tpu.memory_space<vmem>>
      %dma_wait3A_144 = arith.constant 0 : i32
      %dma_wait3A_145 = tpu.memref_slice %arg7[%add3A_103, %dma_wait3A_144] : memref<10240x128xf32, #tpu.memory_space<vmem_shared>> -> memref<64x128xf32, #tpu.memory_space<vmem_shared>>
      %dma_wait3A_146 = arith.constant 0 : i32
      %dma_wait3A_147 = arith.constant 0 : i32
      %dma_wait3A_148 = tpu.memref_slice %arg10[%dma_wait3A_146, %dma_wait3A_147] : memref<128x128xf32, #tpu.memory_space<vmem>> -> memref<64x128xf32, #tpu.memory_space<vmem>>
      %dma_wait3A_149 = arith.constant 0 : i32
      %dma_wait3A_150 = tpu.memref_slice %arg7[%add3A_103, %dma_wait3A_149] : memref<10240x128xf32, #tpu.memory_space<vmem_shared>> -> memref<64x128xf32, #tpu.memory_space<vmem_shared>>
      tpu.wait_dma2 semaphore(%run_scoped3A : memref<!tpu.dma_semaphore, #tpu.memory_space<semaphore_mem>>) src(%dma_wait3A_150 : memref<64x128xf32, #tpu.memory_space<vmem_shared>>) dst(%dma_wait3A_148 : memref<64x128xf32, #tpu.memory_space<vmem>>)
      tpu.yield
    }) : () -> ()
    "tpu.region"() ({
      %run_scoped3A = tpu.sem_alloc : memref<!tpu.dma_semaphore, #tpu.memory_space<semaphore_mem>>
      %dma_start3A_132 = arith.constant 0 : i32
      %dma_start3A_133 = arith.constant 0 : i32
      %dma_start3A_134 = tpu.memref_slice %arg10[%dma_start3A_132, %dma_start3A_133] : memref<128x128xf32, #tpu.memory_space<vmem>> -> memref<64x128xf32, #tpu.memory_space<vmem>>
      %dma_start3A_135 = arith.constant 128 : i32
      %dma_start3A_136 = arith.constant 0 : i32
      %dma_start3A_137 = tpu.memref_slice %arg6[%arg0, %arg1, %dma_start3A_135, %dma_start3A_136] : memref<2x16x640x128xf32, #tpu.memory_space<hbm>> -> memref<1x1x64x128xf32, #tpu.memory_space<hbm>>
      %dma_start3A_138 = tpu.memref_squeeze %dma_start3A_137 : memref<1x1x64x128xf32, #tpu.memory_space<hbm>> -> memref<64x128xf32, #tpu.memory_space<hbm>>
      %dma_start3A_139 = arith.constant 128 : i32
      %dma_start3A_140 = arith.constant 0 : i32
      %dma_start3A_141 = tpu.memref_slice %arg6[%arg0, %arg1, %dma_start3A_139, %dma_start3A_140] : memref<2x16x640x128xf32, #tpu.memory_space<hbm>> -> memref<1x1x64x128xf32, #tpu.memory_space<hbm>>
      %dma_start3A_142 = tpu.memref_squeeze %dma_start3A_141 : memref<1x1x64x128xf32, #tpu.memory_space<hbm>> -> memref<64x128xf32, #tpu.memory_space<hbm>>
      %dma_start3A_143 = arith.constant 0 : i32
      %dma_start3A_144 = arith.constant 0 : i32
      %dma_start3A_145 = tpu.memref_slice %arg10[%dma_start3A_143, %dma_start3A_144] : memref<128x128xf32, #tpu.memory_space<vmem>> -> memref<64x128xf32, #tpu.memory_space<vmem>>
      tpu.enqueue_dma source(%dma_start3A_145 : memref<64x128xf32, #tpu.memory_space<vmem>>) target(%dma_start3A_142 : memref<64x128xf32, #tpu.memory_space<hbm>>) target_semaphore(%run_scoped3A : memref<!tpu.dma_semaphore, #tpu.memory_space<semaphore_mem>>)
      %dma_wait3A = arith.constant 0 : i32
      %dma_wait3A_146 = arith.constant 0 : i32
      %dma_wait3A_147 = tpu.memref_slice %arg10[%dma_wait3A, %dma_wait3A_146] : memref<128x128xf32, #tpu.memory_space<vmem>> -> memref<64x128xf32, #tpu.memory_space<vmem>>
      %dma_wait3A_148 = arith.constant 128 : i32
      %dma_wait3A_149 = arith.constant 0 : i32
      %dma_wait3A_150 = tpu.memref_slice %arg6[%arg0, %arg1, %dma_wait3A_148, %dma_wait3A_149] : memref<2x16x640x128xf32, #tpu.memory_space<hbm>> -> memref<1x1x64x128xf32, #tpu.memory_space<hbm>>
      %dma_wait3A_151 = tpu.memref_squeeze %dma_wait3A_150 : memref<1x1x64x128xf32, #tpu.memory_space<hbm>> -> memref<64x128xf32, #tpu.memory_space<hbm>>
      %dma_wait3A_152 = arith.constant 128 : i32
      %dma_wait3A_153 = arith.constant 0 : i32
      %dma_wait3A_154 = tpu.memref_slice %arg6[%arg0, %arg1, %dma_wait3A_152, %dma_wait3A_153] : memref<2x16x640x128xf32, #tpu.memory_space<hbm>> -> memref<1x1x64x128xf32, #tpu.memory_space<hbm>>
      %dma_wait3A_155 = tpu.memref_squeeze %dma_wait3A_154 : memref<1x1x64x128xf32, #tpu.memory_space<hbm>> -> memref<64x128xf32, #tpu.memory_space<hbm>>
      %dma_wait3A_156 = arith.constant 0 : i32
      %dma_wait3A_157 = arith.constant 0 : i32
      %dma_wait3A_158 = tpu.memref_slice %arg10[%dma_wait3A_156, %dma_wait3A_157] : memref<128x128xf32, #tpu.memory_space<vmem>> -> memref<64x128xf32, #tpu.memory_space<vmem>>
      tpu.wait_dma2 semaphore(%run_scoped3A : memref<!tpu.dma_semaphore, #tpu.memory_space<semaphore_mem>>) src(%dma_wait3A_158 : memref<64x128xf32, #tpu.memory_space<vmem>>) dst(%dma_wait3A_155 : memref<64x128xf32, #tpu.memory_space<hbm>>)
      tpu.yield
    }) : () -> ()
    %mul3A_104 = arith.constant 640 : i32
    %mul3A_105 = arith.muli %arg1, %mul3A_104 : i32
    %add3A_106 = arith.constant 192 : i32
    %add3A_107 = arith.addi %mul3A_105, %add3A_106 : i32
    "tpu.region"() ({
      %run_scoped3A = tpu.sem_alloc : memref<!tpu.dma_semaphore, #tpu.memory_space<semaphore_mem>>
      %dma_start3A_132 = arith.constant 0 : i32
      %dma_start3A_133 = arith.constant 0 : i32
      %dma_start3A_134 = tpu.memref_slice %arg10[%dma_start3A_132, %dma_start3A_133] : memref<128x128xf32, #tpu.memory_space<vmem>> -> memref<64x128xf32, #tpu.memory_space<vmem>>
      %dma_start3A_135 = arith.constant 0 : i32
      %dma_start3A_136 = tpu.memref_slice %arg7[%add3A_107, %dma_start3A_135] : memref<10240x128xf32, #tpu.memory_space<vmem_shared>> -> memref<64x128xf32, #tpu.memory_space<vmem_shared>>
      %dma_start3A_137 = arith.constant 0 : i32
      %dma_start3A_138 = arith.constant 0 : i32
      %dma_start3A_139 = tpu.memref_slice %arg10[%dma_start3A_137, %dma_start3A_138] : memref<128x128xf32, #tpu.memory_space<vmem>> -> memref<64x128xf32, #tpu.memory_space<vmem>>
      %dma_start3A_140 = arith.constant 0 : i32
      %dma_start3A_141 = tpu.memref_slice %arg7[%add3A_107, %dma_start3A_140] : memref<10240x128xf32, #tpu.memory_space<vmem_shared>> -> memref<64x128xf32, #tpu.memory_space<vmem_shared>>
      tpu.enqueue_dma source(%dma_start3A_141 : memref<64x128xf32, #tpu.memory_space<vmem_shared>>) target(%dma_start3A_139 : memref<64x128xf32, #tpu.memory_space<vmem>>) target_semaphore(%run_scoped3A : memref<!tpu.dma_semaphore, #tpu.memory_space<semaphore_mem>>)
      %dma_wait3A = arith.constant 0 : i32
      %dma_wait3A_142 = arith.constant 0 : i32
      %dma_wait3A_143 = tpu.memref_slice %arg10[%dma_wait3A, %dma_wait3A_142] : memref<128x128xf32, #tpu.memory_space<vmem>> -> memref<64x128xf32, #tpu.memory_space<vmem>>
      %dma_wait3A_144 = arith.constant 0 : i32
      %dma_wait3A_145 = tpu.memref_slice %arg7[%add3A_107, %dma_wait3A_144] : memref<10240x128xf32, #tpu.memory_space<vmem_shared>> -> memref<64x128xf32, #tpu.memory_space<vmem_shared>>
      %dma_wait3A_146 = arith.constant 0 : i32
      %dma_wait3A_147 = arith.constant 0 : i32
      %dma_wait3A_148 = tpu.memref_slice %arg10[%dma_wait3A_146, %dma_wait3A_147] : memref<128x128xf32, #tpu.memory_space<vmem>> -> memref<64x128xf32, #tpu.memory_space<vmem>>
      %dma_wait3A_149 = arith.constant 0 : i32
      %dma_wait3A_150 = tpu.memref_slice %arg7[%add3A_107, %dma_wait3A_149] : memref<10240x128xf32, #tpu.memory_space<vmem_shared>> -> memref<64x128xf32, #tpu.memory_space<vmem_shared>>
      tpu.wait_dma2 semaphore(%run_scoped3A : memref<!tpu.dma_semaphore, #tpu.memory_space<semaphore_mem>>) src(%dma_wait3A_150 : memref<64x128xf32, #tpu.memory_space<vmem_shared>>) dst(%dma_wait3A_148 : memref<64x128xf32, #tpu.memory_space<vmem>>)
      tpu.yield
    }) : () -> ()
    "tpu.region"() ({
      %run_scoped3A = tpu.sem_alloc : memref<!tpu.dma_semaphore, #tpu.memory_space<semaphore_mem>>
      %dma_start3A_132 = arith.constant 0 : i32
      %dma_start3A_133 = arith.constant 0 : i32
      %dma_start3A_134 = tpu.memref_slice %arg10[%dma_start3A_132, %dma_start3A_133] : memref<128x128xf32, #tpu.memory_space<vmem>> -> memref<64x128xf32, #tpu.memory_space<vmem>>
      %dma_start3A_135 = arith.constant 192 : i32
      %dma_start3A_136 = arith.constant 0 : i32
      %dma_start3A_137 = tpu.memref_slice %arg6[%arg0, %arg1, %dma_start3A_135, %dma_start3A_136] : memref<2x16x640x128xf32, #tpu.memory_space<hbm>> -> memref<1x1x64x128xf32, #tpu.memory_space<hbm>>
      %dma_start3A_138 = tpu.memref_squeeze %dma_start3A_137 : memref<1x1x64x128xf32, #tpu.memory_space<hbm>> -> memref<64x128xf32, #tpu.memory_space<hbm>>
      %dma_start3A_139 = arith.constant 192 : i32
      %dma_start3A_140 = arith.constant 0 : i32
      %dma_start3A_141 = tpu.memref_slice %arg6[%arg0, %arg1, %dma_start3A_139, %dma_start3A_140] : memref<2x16x640x128xf32, #tpu.memory_space<hbm>> -> memref<1x1x64x128xf32, #tpu.memory_space<hbm>>
      %dma_start3A_142 = tpu.memref_squeeze %dma_start3A_141 : memref<1x1x64x128xf32, #tpu.memory_space<hbm>> -> memref<64x128xf32, #tpu.memory_space<hbm>>
      %dma_start3A_143 = arith.constant 0 : i32
      %dma_start3A_144 = arith.constant 0 : i32
      %dma_start3A_145 = tpu.memref_slice %arg10[%dma_start3A_143, %dma_start3A_144] : memref<128x128xf32, #tpu.memory_space<vmem>> -> memref<64x128xf32, #tpu.memory_space<vmem>>
      tpu.enqueue_dma source(%dma_start3A_145 : memref<64x128xf32, #tpu.memory_space<vmem>>) target(%dma_start3A_142 : memref<64x128xf32, #tpu.memory_space<hbm>>) target_semaphore(%run_scoped3A : memref<!tpu.dma_semaphore, #tpu.memory_space<semaphore_mem>>)
      %dma_wait3A = arith.constant 0 : i32
      %dma_wait3A_146 = arith.constant 0 : i32
      %dma_wait3A_147 = tpu.memref_slice %arg10[%dma_wait3A, %dma_wait3A_146] : memref<128x128xf32, #tpu.memory_space<vmem>> -> memref<64x128xf32, #tpu.memory_space<vmem>>
      %dma_wait3A_148 = arith.constant 192 : i32
      %dma_wait3A_149 = arith.constant 0 : i32
      %dma_wait3A_150 = tpu.memref_slice %arg6[%arg0, %arg1, %dma_wait3A_148, %dma_wait3A_149] : memref<2x16x640x128xf32, #tpu.memory_space<hbm>> -> memref<1x1x64x128xf32, #tpu.memory_space<hbm>>
      %dma_wait3A_151 = tpu.memref_squeeze %dma_wait3A_150 : memref<1x1x64x128xf32, #tpu.memory_space<hbm>> -> memref<64x128xf32, #tpu.memory_space<hbm>>
      %dma_wait3A_152 = arith.constant 192 : i32
      %dma_wait3A_153 = arith.constant 0 : i32
      %dma_wait3A_154 = tpu.memref_slice %arg6[%arg0, %arg1, %dma_wait3A_152, %dma_wait3A_153] : memref<2x16x640x128xf32, #tpu.memory_space<hbm>> -> memref<1x1x64x128xf32, #tpu.memory_space<hbm>>
      %dma_wait3A_155 = tpu.memref_squeeze %dma_wait3A_154 : memref<1x1x64x128xf32, #tpu.memory_space<hbm>> -> memref<64x128xf32, #tpu.memory_space<hbm>>
      %dma_wait3A_156 = arith.constant 0 : i32
      %dma_wait3A_157 = arith.constant 0 : i32
      %dma_wait3A_158 = tpu.memref_slice %arg10[%dma_wait3A_156, %dma_wait3A_157] : memref<128x128xf32, #tpu.memory_space<vmem>> -> memref<64x128xf32, #tpu.memory_space<vmem>>
      tpu.wait_dma2 semaphore(%run_scoped3A : memref<!tpu.dma_semaphore, #tpu.memory_space<semaphore_mem>>) src(%dma_wait3A_158 : memref<64x128xf32, #tpu.memory_space<vmem>>) dst(%dma_wait3A_155 : memref<64x128xf32, #tpu.memory_space<hbm>>)
      tpu.yield
    }) : () -> ()
    %mul3A_108 = arith.constant 640 : i32
    %mul3A_109 = arith.muli %arg1, %mul3A_108 : i32
    %add3A_110 = arith.constant 256 : i32
    %add3A_111 = arith.addi %mul3A_109, %add3A_110 : i32
    "tpu.region"() ({
      %run_scoped3A = tpu.sem_alloc : memref<!tpu.dma_semaphore, #tpu.memory_space<semaphore_mem>>
      %dma_start3A_132 = arith.constant 0 : i32
      %dma_start3A_133 = arith.constant 0 : i32
      %dma_start3A_134 = tpu.memref_slice %arg10[%dma_start3A_132, %dma_start3A_133] : memref<128x128xf32, #tpu.memory_space<vmem>> -> memref<64x128xf32, #tpu.memory_space<vmem>>
      %dma_start3A_135 = arith.constant 0 : i32
      %dma_start3A_136 = tpu.memref_slice %arg7[%add3A_111, %dma_start3A_135] : memref<10240x128xf32, #tpu.memory_space<vmem_shared>> -> memref<64x128xf32, #tpu.memory_space<vmem_shared>>
      %dma_start3A_137 = arith.constant 0 : i32
      %dma_start3A_138 = arith.constant 0 : i32
      %dma_start3A_139 = tpu.memref_slice %arg10[%dma_start3A_137, %dma_start3A_138] : memref<128x128xf32, #tpu.memory_space<vmem>> -> memref<64x128xf32, #tpu.memory_space<vmem>>
      %dma_start3A_140 = arith.constant 0 : i32
      %dma_start3A_141 = tpu.memref_slice %arg7[%add3A_111, %dma_start3A_140] : memref<10240x128xf32, #tpu.memory_space<vmem_shared>> -> memref<64x128xf32, #tpu.memory_space<vmem_shared>>
      tpu.enqueue_dma source(%dma_start3A_141 : memref<64x128xf32, #tpu.memory_space<vmem_shared>>) target(%dma_start3A_139 : memref<64x128xf32, #tpu.memory_space<vmem>>) target_semaphore(%run_scoped3A : memref<!tpu.dma_semaphore, #tpu.memory_space<semaphore_mem>>)
      %dma_wait3A = arith.constant 0 : i32
      %dma_wait3A_142 = arith.constant 0 : i32
      %dma_wait3A_143 = tpu.memref_slice %arg10[%dma_wait3A, %dma_wait3A_142] : memref<128x128xf32, #tpu.memory_space<vmem>> -> memref<64x128xf32, #tpu.memory_space<vmem>>
      %dma_wait3A_144 = arith.constant 0 : i32
      %dma_wait3A_145 = tpu.memref_slice %arg7[%add3A_111, %dma_wait3A_144] : memref<10240x128xf32, #tpu.memory_space<vmem_shared>> -> memref<64x128xf32, #tpu.memory_space<vmem_shared>>
      %dma_wait3A_146 = arith.constant 0 : i32
      %dma_wait3A_147 = arith.constant 0 : i32
      %dma_wait3A_148 = tpu.memref_slice %arg10[%dma_wait3A_146, %dma_wait3A_147] : memref<128x128xf32, #tpu.memory_space<vmem>> -> memref<64x128xf32, #tpu.memory_space<vmem>>
      %dma_wait3A_149 = arith.constant 0 : i32
      %dma_wait3A_150 = tpu.memref_slice %arg7[%add3A_111, %dma_wait3A_149] : memref<10240x128xf32, #tpu.memory_space<vmem_shared>> -> memref<64x128xf32, #tpu.memory_space<vmem_shared>>
      tpu.wait_dma2 semaphore(%run_scoped3A : memref<!tpu.dma_semaphore, #tpu.memory_space<semaphore_mem>>) src(%dma_wait3A_150 : memref<64x128xf32, #tpu.memory_space<vmem_shared>>) dst(%dma_wait3A_148 : memref<64x128xf32, #tpu.memory_space<vmem>>)
      tpu.yield
    }) : () -> ()
    "tpu.region"() ({
      %run_scoped3A = tpu.sem_alloc : memref<!tpu.dma_semaphore, #tpu.memory_space<semaphore_mem>>
      %dma_start3A_132 = arith.constant 0 : i32
      %dma_start3A_133 = arith.constant 0 : i32
      %dma_start3A_134 = tpu.memref_slice %arg10[%dma_start3A_132, %dma_start3A_133] : memref<128x128xf32, #tpu.memory_space<vmem>> -> memref<64x128xf32, #tpu.memory_space<vmem>>
      %dma_start3A_135 = arith.constant 256 : i32
      %dma_start3A_136 = arith.constant 0 : i32
      %dma_start3A_137 = tpu.memref_slice %arg6[%arg0, %arg1, %dma_start3A_135, %dma_start3A_136] : memref<2x16x640x128xf32, #tpu.memory_space<hbm>> -> memref<1x1x64x128xf32, #tpu.memory_space<hbm>>
      %dma_start3A_138 = tpu.memref_squeeze %dma_start3A_137 : memref<1x1x64x128xf32, #tpu.memory_space<hbm>> -> memref<64x128xf32, #tpu.memory_space<hbm>>
      %dma_start3A_139 = arith.constant 256 : i32
      %dma_start3A_140 = arith.constant 0 : i32
      %dma_start3A_141 = tpu.memref_slice %arg6[%arg0, %arg1, %dma_start3A_139, %dma_start3A_140] : memref<2x16x640x128xf32, #tpu.memory_space<hbm>> -> memref<1x1x64x128xf32, #tpu.memory_space<hbm>>
      %dma_start3A_142 = tpu.memref_squeeze %dma_start3A_141 : memref<1x1x64x128xf32, #tpu.memory_space<hbm>> -> memref<64x128xf32, #tpu.memory_space<hbm>>
      %dma_start3A_143 = arith.constant 0 : i32
      %dma_start3A_144 = arith.constant 0 : i32
      %dma_start3A_145 = tpu.memref_slice %arg10[%dma_start3A_143, %dma_start3A_144] : memref<128x128xf32, #tpu.memory_space<vmem>> -> memref<64x128xf32, #tpu.memory_space<vmem>>
      tpu.enqueue_dma source(%dma_start3A_145 : memref<64x128xf32, #tpu.memory_space<vmem>>) target(%dma_start3A_142 : memref<64x128xf32, #tpu.memory_space<hbm>>) target_semaphore(%run_scoped3A : memref<!tpu.dma_semaphore, #tpu.memory_space<semaphore_mem>>)
      %dma_wait3A = arith.constant 0 : i32
      %dma_wait3A_146 = arith.constant 0 : i32
      %dma_wait3A_147 = tpu.memref_slice %arg10[%dma_wait3A, %dma_wait3A_146] : memref<128x128xf32, #tpu.memory_space<vmem>> -> memref<64x128xf32, #tpu.memory_space<vmem>>
      %dma_wait3A_148 = arith.constant 256 : i32
      %dma_wait3A_149 = arith.constant 0 : i32
      %dma_wait3A_150 = tpu.memref_slice %arg6[%arg0, %arg1, %dma_wait3A_148, %dma_wait3A_149] : memref<2x16x640x128xf32, #tpu.memory_space<hbm>> -> memref<1x1x64x128xf32, #tpu.memory_space<hbm>>
      %dma_wait3A_151 = tpu.memref_squeeze %dma_wait3A_150 : memref<1x1x64x128xf32, #tpu.memory_space<hbm>> -> memref<64x128xf32, #tpu.memory_space<hbm>>
      %dma_wait3A_152 = arith.constant 256 : i32
      %dma_wait3A_153 = arith.constant 0 : i32
      %dma_wait3A_154 = tpu.memref_slice %arg6[%arg0, %arg1, %dma_wait3A_152, %dma_wait3A_153] : memref<2x16x640x128xf32, #tpu.memory_space<hbm>> -> memref<1x1x64x128xf32, #tpu.memory_space<hbm>>
      %dma_wait3A_155 = tpu.memref_squeeze %dma_wait3A_154 : memref<1x1x64x128xf32, #tpu.memory_space<hbm>> -> memref<64x128xf32, #tpu.memory_space<hbm>>
      %dma_wait3A_156 = arith.constant 0 : i32
      %dma_wait3A_157 = arith.constant 0 : i32
      %dma_wait3A_158 = tpu.memref_slice %arg10[%dma_wait3A_156, %dma_wait3A_157] : memref<128x128xf32, #tpu.memory_space<vmem>> -> memref<64x128xf32, #tpu.memory_space<vmem>>
      tpu.wait_dma2 semaphore(%run_scoped3A : memref<!tpu.dma_semaphore, #tpu.memory_space<semaphore_mem>>) src(%dma_wait3A_158 : memref<64x128xf32, #tpu.memory_space<vmem>>) dst(%dma_wait3A_155 : memref<64x128xf32, #tpu.memory_space<hbm>>)
      tpu.yield
    }) : () -> ()
    %mul3A_112 = arith.constant 640 : i32
    %mul3A_113 = arith.muli %arg1, %mul3A_112 : i32
    %add3A_114 = arith.constant 320 : i32
    %add3A_115 = arith.addi %mul3A_113, %add3A_114 : i32
    "tpu.region"() ({
      %run_scoped3A = tpu.sem_alloc : memref<!tpu.dma_semaphore, #tpu.memory_space<semaphore_mem>>
      %dma_start3A_132 = arith.constant 0 : i32
      %dma_start3A_133 = arith.constant 0 : i32
      %dma_start3A_134 = tpu.memref_slice %arg10[%dma_start3A_132, %dma_start3A_133] : memref<128x128xf32, #tpu.memory_space<vmem>> -> memref<64x128xf32, #tpu.memory_space<vmem>>
      %dma_start3A_135 = arith.constant 0 : i32
      %dma_start3A_136 = tpu.memref_slice %arg7[%add3A_115, %dma_start3A_135] : memref<10240x128xf32, #tpu.memory_space<vmem_shared>> -> memref<64x128xf32, #tpu.memory_space<vmem_shared>>
      %dma_start3A_137 = arith.constant 0 : i32
      %dma_start3A_138 = arith.constant 0 : i32
      %dma_start3A_139 = tpu.memref_slice %arg10[%dma_start3A_137, %dma_start3A_138] : memref<128x128xf32, #tpu.memory_space<vmem>> -> memref<64x128xf32, #tpu.memory_space<vmem>>
      %dma_start3A_140 = arith.constant 0 : i32
      %dma_start3A_141 = tpu.memref_slice %arg7[%add3A_115, %dma_start3A_140] : memref<10240x128xf32, #tpu.memory_space<vmem_shared>> -> memref<64x128xf32, #tpu.memory_space<vmem_shared>>
      tpu.enqueue_dma source(%dma_start3A_141 : memref<64x128xf32, #tpu.memory_space<vmem_shared>>) target(%dma_start3A_139 : memref<64x128xf32, #tpu.memory_space<vmem>>) target_semaphore(%run_scoped3A : memref<!tpu.dma_semaphore, #tpu.memory_space<semaphore_mem>>)
      %dma_wait3A = arith.constant 0 : i32
      %dma_wait3A_142 = arith.constant 0 : i32
      %dma_wait3A_143 = tpu.memref_slice %arg10[%dma_wait3A, %dma_wait3A_142] : memref<128x128xf32, #tpu.memory_space<vmem>> -> memref<64x128xf32, #tpu.memory_space<vmem>>
      %dma_wait3A_144 = arith.constant 0 : i32
      %dma_wait3A_145 = tpu.memref_slice %arg7[%add3A_115, %dma_wait3A_144] : memref<10240x128xf32, #tpu.memory_space<vmem_shared>> -> memref<64x128xf32, #tpu.memory_space<vmem_shared>>
      %dma_wait3A_146 = arith.constant 0 : i32
      %dma_wait3A_147 = arith.constant 0 : i32
      %dma_wait3A_148 = tpu.memref_slice %arg10[%dma_wait3A_146, %dma_wait3A_147] : memref<128x128xf32, #tpu.memory_space<vmem>> -> memref<64x128xf32, #tpu.memory_space<vmem>>
      %dma_wait3A_149 = arith.constant 0 : i32
      %dma_wait3A_150 = tpu.memref_slice %arg7[%add3A_115, %dma_wait3A_149] : memref<10240x128xf32, #tpu.memory_space<vmem_shared>> -> memref<64x128xf32, #tpu.memory_space<vmem_shared>>
      tpu.wait_dma2 semaphore(%run_scoped3A : memref<!tpu.dma_semaphore, #tpu.memory_space<semaphore_mem>>) src(%dma_wait3A_150 : memref<64x128xf32, #tpu.memory_space<vmem_shared>>) dst(%dma_wait3A_148 : memref<64x128xf32, #tpu.memory_space<vmem>>)
      tpu.yield
    }) : () -> ()
    "tpu.region"() ({
      %run_scoped3A = tpu.sem_alloc : memref<!tpu.dma_semaphore, #tpu.memory_space<semaphore_mem>>
      %dma_start3A_132 = arith.constant 0 : i32
      %dma_start3A_133 = arith.constant 0 : i32
      %dma_start3A_134 = tpu.memref_slice %arg10[%dma_start3A_132, %dma_start3A_133] : memref<128x128xf32, #tpu.memory_space<vmem>> -> memref<64x128xf32, #tpu.memory_space<vmem>>
      %dma_start3A_135 = arith.constant 320 : i32
      %dma_start3A_136 = arith.constant 0 : i32
      %dma_start3A_137 = tpu.memref_slice %arg6[%arg0, %arg1, %dma_start3A_135, %dma_start3A_136] : memref<2x16x640x128xf32, #tpu.memory_space<hbm>> -> memref<1x1x64x128xf32, #tpu.memory_space<hbm>>
      %dma_start3A_138 = tpu.memref_squeeze %dma_start3A_137 : memref<1x1x64x128xf32, #tpu.memory_space<hbm>> -> memref<64x128xf32, #tpu.memory_space<hbm>>
      %dma_start3A_139 = arith.constant 320 : i32
      %dma_start3A_140 = arith.constant 0 : i32
      %dma_start3A_141 = tpu.memref_slice %arg6[%arg0, %arg1, %dma_start3A_139, %dma_start3A_140] : memref<2x16x640x128xf32, #tpu.memory_space<hbm>> -> memref<1x1x64x128xf32, #tpu.memory_space<hbm>>
      %dma_start3A_142 = tpu.memref_squeeze %dma_start3A_141 : memref<1x1x64x128xf32, #tpu.memory_space<hbm>> -> memref<64x128xf32, #tpu.memory_space<hbm>>
      %dma_start3A_143 = arith.constant 0 : i32
      %dma_start3A_144 = arith.constant 0 : i32
      %dma_start3A_145 = tpu.memref_slice %arg10[%dma_start3A_143, %dma_start3A_144] : memref<128x128xf32, #tpu.memory_space<vmem>> -> memref<64x128xf32, #tpu.memory_space<vmem>>
      tpu.enqueue_dma source(%dma_start3A_145 : memref<64x128xf32, #tpu.memory_space<vmem>>) target(%dma_start3A_142 : memref<64x128xf32, #tpu.memory_space<hbm>>) target_semaphore(%run_scoped3A : memref<!tpu.dma_semaphore, #tpu.memory_space<semaphore_mem>>)
      %dma_wait3A = arith.constant 0 : i32
      %dma_wait3A_146 = arith.constant 0 : i32
      %dma_wait3A_147 = tpu.memref_slice %arg10[%dma_wait3A, %dma_wait3A_146] : memref<128x128xf32, #tpu.memory_space<vmem>> -> memref<64x128xf32, #tpu.memory_space<vmem>>
      %dma_wait3A_148 = arith.constant 320 : i32
      %dma_wait3A_149 = arith.constant 0 : i32
      %dma_wait3A_150 = tpu.memref_slice %arg6[%arg0, %arg1, %dma_wait3A_148, %dma_wait3A_149] : memref<2x16x640x128xf32, #tpu.memory_space<hbm>> -> memref<1x1x64x128xf32, #tpu.memory_space<hbm>>
      %dma_wait3A_151 = tpu.memref_squeeze %dma_wait3A_150 : memref<1x1x64x128xf32, #tpu.memory_space<hbm>> -> memref<64x128xf32, #tpu.memory_space<hbm>>
      %dma_wait3A_152 = arith.constant 320 : i32
      %dma_wait3A_153 = arith.constant 0 : i32
      %dma_wait3A_154 = tpu.memref_slice %arg6[%arg0, %arg1, %dma_wait3A_152, %dma_wait3A_153] : memref<2x16x640x128xf32, #tpu.memory_space<hbm>> -> memref<1x1x64x128xf32, #tpu.memory_space<hbm>>
      %dma_wait3A_155 = tpu.memref_squeeze %dma_wait3A_154 : memref<1x1x64x128xf32, #tpu.memory_space<hbm>> -> memref<64x128xf32, #tpu.memory_space<hbm>>
      %dma_wait3A_156 = arith.constant 0 : i32
      %dma_wait3A_157 = arith.constant 0 : i32
      %dma_wait3A_158 = tpu.memref_slice %arg10[%dma_wait3A_156, %dma_wait3A_157] : memref<128x128xf32, #tpu.memory_space<vmem>> -> memref<64x128xf32, #tpu.memory_space<vmem>>
      tpu.wait_dma2 semaphore(%run_scoped3A : memref<!tpu.dma_semaphore, #tpu.memory_space<semaphore_mem>>) src(%dma_wait3A_158 : memref<64x128xf32, #tpu.memory_space<vmem>>) dst(%dma_wait3A_155 : memref<64x128xf32, #tpu.memory_space<hbm>>)
      tpu.yield
    }) : () -> ()
    %mul3A_116 = arith.constant 640 : i32
    %mul3A_117 = arith.muli %arg1, %mul3A_116 : i32
    %add3A_118 = arith.constant 384 : i32
    %add3A_119 = arith.addi %mul3A_117, %add3A_118 : i32
    "tpu.region"() ({
      %run_scoped3A = tpu.sem_alloc : memref<!tpu.dma_semaphore, #tpu.memory_space<semaphore_mem>>
      %dma_start3A_132 = arith.constant 0 : i32
      %dma_start3A_133 = arith.constant 0 : i32
      %dma_start3A_134 = tpu.memref_slice %arg10[%dma_start3A_132, %dma_start3A_133] : memref<128x128xf32, #tpu.memory_space<vmem>> -> memref<64x128xf32, #tpu.memory_space<vmem>>
      %dma_start3A_135 = arith.constant 0 : i32
      %dma_start3A_136 = tpu.memref_slice %arg7[%add3A_119, %dma_start3A_135] : memref<10240x128xf32, #tpu.memory_space<vmem_shared>> -> memref<64x128xf32, #tpu.memory_space<vmem_shared>>
      %dma_start3A_137 = arith.constant 0 : i32
      %dma_start3A_138 = arith.constant 0 : i32
      %dma_start3A_139 = tpu.memref_slice %arg10[%dma_start3A_137, %dma_start3A_138] : memref<128x128xf32, #tpu.memory_space<vmem>> -> memref<64x128xf32, #tpu.memory_space<vmem>>
      %dma_start3A_140 = arith.constant 0 : i32
      %dma_start3A_141 = tpu.memref_slice %arg7[%add3A_119, %dma_start3A_140] : memref<10240x128xf32, #tpu.memory_space<vmem_shared>> -> memref<64x128xf32, #tpu.memory_space<vmem_shared>>
      tpu.enqueue_dma source(%dma_start3A_141 : memref<64x128xf32, #tpu.memory_space<vmem_shared>>) target(%dma_start3A_139 : memref<64x128xf32, #tpu.memory_space<vmem>>) target_semaphore(%run_scoped3A : memref<!tpu.dma_semaphore, #tpu.memory_space<semaphore_mem>>)
      %dma_wait3A = arith.constant 0 : i32
      %dma_wait3A_142 = arith.constant 0 : i32
      %dma_wait3A_143 = tpu.memref_slice %arg10[%dma_wait3A, %dma_wait3A_142] : memref<128x128xf32, #tpu.memory_space<vmem>> -> memref<64x128xf32, #tpu.memory_space<vmem>>
      %dma_wait3A_144 = arith.constant 0 : i32
      %dma_wait3A_145 = tpu.memref_slice %arg7[%add3A_119, %dma_wait3A_144] : memref<10240x128xf32, #tpu.memory_space<vmem_shared>> -> memref<64x128xf32, #tpu.memory_space<vmem_shared>>
      %dma_wait3A_146 = arith.constant 0 : i32
      %dma_wait3A_147 = arith.constant 0 : i32
      %dma_wait3A_148 = tpu.memref_slice %arg10[%dma_wait3A_146, %dma_wait3A_147] : memref<128x128xf32, #tpu.memory_space<vmem>> -> memref<64x128xf32, #tpu.memory_space<vmem>>
      %dma_wait3A_149 = arith.constant 0 : i32
      %dma_wait3A_150 = tpu.memref_slice %arg7[%add3A_119, %dma_wait3A_149] : memref<10240x128xf32, #tpu.memory_space<vmem_shared>> -> memref<64x128xf32, #tpu.memory_space<vmem_shared>>
      tpu.wait_dma2 semaphore(%run_scoped3A : memref<!tpu.dma_semaphore, #tpu.memory_space<semaphore_mem>>) src(%dma_wait3A_150 : memref<64x128xf32, #tpu.memory_space<vmem_shared>>) dst(%dma_wait3A_148 : memref<64x128xf32, #tpu.memory_space<vmem>>)
      tpu.yield
    }) : () -> ()
    "tpu.region"() ({
      %run_scoped3A = tpu.sem_alloc : memref<!tpu.dma_semaphore, #tpu.memory_space<semaphore_mem>>
      %dma_start3A_132 = arith.constant 0 : i32
      %dma_start3A_133 = arith.constant 0 : i32
      %dma_start3A_134 = tpu.memref_slice %arg10[%dma_start3A_132, %dma_start3A_133] : memref<128x128xf32, #tpu.memory_space<vmem>> -> memref<64x128xf32, #tpu.memory_space<vmem>>
      %dma_start3A_135 = arith.constant 384 : i32
      %dma_start3A_136 = arith.constant 0 : i32
      %dma_start3A_137 = tpu.memref_slice %arg6[%arg0, %arg1, %dma_start3A_135, %dma_start3A_136] : memref<2x16x640x128xf32, #tpu.memory_space<hbm>> -> memref<1x1x64x128xf32, #tpu.memory_space<hbm>>
      %dma_start3A_138 = tpu.memref_squeeze %dma_start3A_137 : memref<1x1x64x128xf32, #tpu.memory_space<hbm>> -> memref<64x128xf32, #tpu.memory_space<hbm>>
      %dma_start3A_139 = arith.constant 384 : i32
      %dma_start3A_140 = arith.constant 0 : i32
      %dma_start3A_141 = tpu.memref_slice %arg6[%arg0, %arg1, %dma_start3A_139, %dma_start3A_140] : memref<2x16x640x128xf32, #tpu.memory_space<hbm>> -> memref<1x1x64x128xf32, #tpu.memory_space<hbm>>
      %dma_start3A_142 = tpu.memref_squeeze %dma_start3A_141 : memref<1x1x64x128xf32, #tpu.memory_space<hbm>> -> memref<64x128xf32, #tpu.memory_space<hbm>>
      %dma_start3A_143 = arith.constant 0 : i32
      %dma_start3A_144 = arith.constant 0 : i32
      %dma_start3A_145 = tpu.memref_slice %arg10[%dma_start3A_143, %dma_start3A_144] : memref<128x128xf32, #tpu.memory_space<vmem>> -> memref<64x128xf32, #tpu.memory_space<vmem>>
      tpu.enqueue_dma source(%dma_start3A_145 : memref<64x128xf32, #tpu.memory_space<vmem>>) target(%dma_start3A_142 : memref<64x128xf32, #tpu.memory_space<hbm>>) target_semaphore(%run_scoped3A : memref<!tpu.dma_semaphore, #tpu.memory_space<semaphore_mem>>)
      %dma_wait3A = arith.constant 0 : i32
      %dma_wait3A_146 = arith.constant 0 : i32
      %dma_wait3A_147 = tpu.memref_slice %arg10[%dma_wait3A, %dma_wait3A_146] : memref<128x128xf32, #tpu.memory_space<vmem>> -> memref<64x128xf32, #tpu.memory_space<vmem>>
      %dma_wait3A_148 = arith.constant 384 : i32
      %dma_wait3A_149 = arith.constant 0 : i32
      %dma_wait3A_150 = tpu.memref_slice %arg6[%arg0, %arg1, %dma_wait3A_148, %dma_wait3A_149] : memref<2x16x640x128xf32, #tpu.memory_space<hbm>> -> memref<1x1x64x128xf32, #tpu.memory_space<hbm>>
      %dma_wait3A_151 = tpu.memref_squeeze %dma_wait3A_150 : memref<1x1x64x128xf32, #tpu.memory_space<hbm>> -> memref<64x128xf32, #tpu.memory_space<hbm>>
      %dma_wait3A_152 = arith.constant 384 : i32
      %dma_wait3A_153 = arith.constant 0 : i32
      %dma_wait3A_154 = tpu.memref_slice %arg6[%arg0, %arg1, %dma_wait3A_152, %dma_wait3A_153] : memref<2x16x640x128xf32, #tpu.memory_space<hbm>> -> memref<1x1x64x128xf32, #tpu.memory_space<hbm>>
      %dma_wait3A_155 = tpu.memref_squeeze %dma_wait3A_154 : memref<1x1x64x128xf32, #tpu.memory_space<hbm>> -> memref<64x128xf32, #tpu.memory_space<hbm>>
      %dma_wait3A_156 = arith.constant 0 : i32
      %dma_wait3A_157 = arith.constant 0 : i32
      %dma_wait3A_158 = tpu.memref_slice %arg10[%dma_wait3A_156, %dma_wait3A_157] : memref<128x128xf32, #tpu.memory_space<vmem>> -> memref<64x128xf32, #tpu.memory_space<vmem>>
      tpu.wait_dma2 semaphore(%run_scoped3A : memref<!tpu.dma_semaphore, #tpu.memory_space<semaphore_mem>>) src(%dma_wait3A_158 : memref<64x128xf32, #tpu.memory_space<vmem>>) dst(%dma_wait3A_155 : memref<64x128xf32, #tpu.memory_space<hbm>>)
      tpu.yield
    }) : () -> ()
    %mul3A_120 = arith.constant 640 : i32
    %mul3A_121 = arith.muli %arg1, %mul3A_120 : i32
    %add3A_122 = arith.constant 448 : i32
    %add3A_123 = arith.addi %mul3A_121, %add3A_122 : i32
    "tpu.region"() ({
      %run_scoped3A = tpu.sem_alloc : memref<!tpu.dma_semaphore, #tpu.memory_space<semaphore_mem>>
      %dma_start3A_132 = arith.constant 0 : i32
      %dma_start3A_133 = arith.constant 0 : i32
      %dma_start3A_134 = tpu.memref_slice %arg10[%dma_start3A_132, %dma_start3A_133] : memref<128x128xf32, #tpu.memory_space<vmem>> -> memref<64x128xf32, #tpu.memory_space<vmem>>
      %dma_start3A_135 = arith.constant 0 : i32
      %dma_start3A_136 = tpu.memref_slice %arg7[%add3A_123, %dma_start3A_135] : memref<10240x128xf32, #tpu.memory_space<vmem_shared>> -> memref<64x128xf32, #tpu.memory_space<vmem_shared>>
      %dma_start3A_137 = arith.constant 0 : i32
      %dma_start3A_138 = arith.constant 0 : i32
      %dma_start3A_139 = tpu.memref_slice %arg10[%dma_start3A_137, %dma_start3A_138] : memref<128x128xf32, #tpu.memory_space<vmem>> -> memref<64x128xf32, #tpu.memory_space<vmem>>
      %dma_start3A_140 = arith.constant 0 : i32
      %dma_start3A_141 = tpu.memref_slice %arg7[%add3A_123, %dma_start3A_140] : memref<10240x128xf32, #tpu.memory_space<vmem_shared>> -> memref<64x128xf32, #tpu.memory_space<vmem_shared>>
      tpu.enqueue_dma source(%dma_start3A_141 : memref<64x128xf32, #tpu.memory_space<vmem_shared>>) target(%dma_start3A_139 : memref<64x128xf32, #tpu.memory_space<vmem>>) target_semaphore(%run_scoped3A : memref<!tpu.dma_semaphore, #tpu.memory_space<semaphore_mem>>)
      %dma_wait3A = arith.constant 0 : i32
      %dma_wait3A_142 = arith.constant 0 : i32
      %dma_wait3A_143 = tpu.memref_slice %arg10[%dma_wait3A, %dma_wait3A_142] : memref<128x128xf32, #tpu.memory_space<vmem>> -> memref<64x128xf32, #tpu.memory_space<vmem>>
      %dma_wait3A_144 = arith.constant 0 : i32
      %dma_wait3A_145 = tpu.memref_slice %arg7[%add3A_123, %dma_wait3A_144] : memref<10240x128xf32, #tpu.memory_space<vmem_shared>> -> memref<64x128xf32, #tpu.memory_space<vmem_shared>>
      %dma_wait3A_146 = arith.constant 0 : i32
      %dma_wait3A_147 = arith.constant 0 : i32
      %dma_wait3A_148 = tpu.memref_slice %arg10[%dma_wait3A_146, %dma_wait3A_147] : memref<128x128xf32, #tpu.memory_space<vmem>> -> memref<64x128xf32, #tpu.memory_space<vmem>>
      %dma_wait3A_149 = arith.constant 0 : i32
      %dma_wait3A_150 = tpu.memref_slice %arg7[%add3A_123, %dma_wait3A_149] : memref<10240x128xf32, #tpu.memory_space<vmem_shared>> -> memref<64x128xf32, #tpu.memory_space<vmem_shared>>
      tpu.wait_dma2 semaphore(%run_scoped3A : memref<!tpu.dma_semaphore, #tpu.memory_space<semaphore_mem>>) src(%dma_wait3A_150 : memref<64x128xf32, #tpu.memory_space<vmem_shared>>) dst(%dma_wait3A_148 : memref<64x128xf32, #tpu.memory_space<vmem>>)
      tpu.yield
    }) : () -> ()
    "tpu.region"() ({
      %run_scoped3A = tpu.sem_alloc : memref<!tpu.dma_semaphore, #tpu.memory_space<semaphore_mem>>
      %dma_start3A_132 = arith.constant 0 : i32
      %dma_start3A_133 = arith.constant 0 : i32
      %dma_start3A_134 = tpu.memref_slice %arg10[%dma_start3A_132, %dma_start3A_133] : memref<128x128xf32, #tpu.memory_space<vmem>> -> memref<64x128xf32, #tpu.memory_space<vmem>>
      %dma_start3A_135 = arith.constant 448 : i32
      %dma_start3A_136 = arith.constant 0 : i32
      %dma_start3A_137 = tpu.memref_slice %arg6[%arg0, %arg1, %dma_start3A_135, %dma_start3A_136] : memref<2x16x640x128xf32, #tpu.memory_space<hbm>> -> memref<1x1x64x128xf32, #tpu.memory_space<hbm>>
      %dma_start3A_138 = tpu.memref_squeeze %dma_start3A_137 : memref<1x1x64x128xf32, #tpu.memory_space<hbm>> -> memref<64x128xf32, #tpu.memory_space<hbm>>
      %dma_start3A_139 = arith.constant 448 : i32
      %dma_start3A_140 = arith.constant 0 : i32
      %dma_start3A_141 = tpu.memref_slice %arg6[%arg0, %arg1, %dma_start3A_139, %dma_start3A_140] : memref<2x16x640x128xf32, #tpu.memory_space<hbm>> -> memref<1x1x64x128xf32, #tpu.memory_space<hbm>>
      %dma_start3A_142 = tpu.memref_squeeze %dma_start3A_141 : memref<1x1x64x128xf32, #tpu.memory_space<hbm>> -> memref<64x128xf32, #tpu.memory_space<hbm>>
      %dma_start3A_143 = arith.constant 0 : i32
      %dma_start3A_144 = arith.constant 0 : i32
      %dma_start3A_145 = tpu.memref_slice %arg10[%dma_start3A_143, %dma_start3A_144] : memref<128x128xf32, #tpu.memory_space<vmem>> -> memref<64x128xf32, #tpu.memory_space<vmem>>
      tpu.enqueue_dma source(%dma_start3A_145 : memref<64x128xf32, #tpu.memory_space<vmem>>) target(%dma_start3A_142 : memref<64x128xf32, #tpu.memory_space<hbm>>) target_semaphore(%run_scoped3A : memref<!tpu.dma_semaphore, #tpu.memory_space<semaphore_mem>>)
      %dma_wait3A = arith.constant 0 : i32
      %dma_wait3A_146 = arith.constant 0 : i32
      %dma_wait3A_147 = tpu.memref_slice %arg10[%dma_wait3A, %dma_wait3A_146] : memref<128x128xf32, #tpu.memory_space<vmem>> -> memref<64x128xf32, #tpu.memory_space<vmem>>
      %dma_wait3A_148 = arith.constant 448 : i32
      %dma_wait3A_149 = arith.constant 0 : i32
      %dma_wait3A_150 = tpu.memref_slice %arg6[%arg0, %arg1, %dma_wait3A_148, %dma_wait3A_149] : memref<2x16x640x128xf32, #tpu.memory_space<hbm>> -> memref<1x1x64x128xf32, #tpu.memory_space<hbm>>
      %dma_wait3A_151 = tpu.memref_squeeze %dma_wait3A_150 : memref<1x1x64x128xf32, #tpu.memory_space<hbm>> -> memref<64x128xf32, #tpu.memory_space<hbm>>
      %dma_wait3A_152 = arith.constant 448 : i32
      %dma_wait3A_153 = arith.constant 0 : i32
      %dma_wait3A_154 = tpu.memref_slice %arg6[%arg0, %arg1, %dma_wait3A_152, %dma_wait3A_153] : memref<2x16x640x128xf32, #tpu.memory_space<hbm>> -> memref<1x1x64x128xf32, #tpu.memory_space<hbm>>
      %dma_wait3A_155 = tpu.memref_squeeze %dma_wait3A_154 : memref<1x1x64x128xf32, #tpu.memory_space<hbm>> -> memref<64x128xf32, #tpu.memory_space<hbm>>
      %dma_wait3A_156 = arith.constant 0 : i32
      %dma_wait3A_157 = arith.constant 0 : i32
      %dma_wait3A_158 = tpu.memref_slice %arg10[%dma_wait3A_156, %dma_wait3A_157] : memref<128x128xf32, #tpu.memory_space<vmem>> -> memref<64x128xf32, #tpu.memory_space<vmem>>
      tpu.wait_dma2 semaphore(%run_scoped3A : memref<!tpu.dma_semaphore, #tpu.memory_space<semaphore_mem>>) src(%dma_wait3A_158 : memref<64x128xf32, #tpu.memory_space<vmem>>) dst(%dma_wait3A_155 : memref<64x128xf32, #tpu.memory_space<hbm>>)
      tpu.yield
    }) : () -> ()
    %mul3A_124 = arith.constant 640 : i32
    %mul3A_125 = arith.muli %arg1, %mul3A_124 : i32
    %add3A_126 = arith.constant 512 : i32
    %add3A_127 = arith.addi %mul3A_125, %add3A_126 : i32
    "tpu.region"() ({
      %run_scoped3A = tpu.sem_alloc : memref<!tpu.dma_semaphore, #tpu.memory_space<semaphore_mem>>
      %dma_start3A_132 = arith.constant 0 : i32
      %dma_start3A_133 = arith.constant 0 : i32
      %dma_start3A_134 = tpu.memref_slice %arg10[%dma_start3A_132, %dma_start3A_133] : memref<128x128xf32, #tpu.memory_space<vmem>> -> memref<64x128xf32, #tpu.memory_space<vmem>>
      %dma_start3A_135 = arith.constant 0 : i32
      %dma_start3A_136 = tpu.memref_slice %arg7[%add3A_127, %dma_start3A_135] : memref<10240x128xf32, #tpu.memory_space<vmem_shared>> -> memref<64x128xf32, #tpu.memory_space<vmem_shared>>
      %dma_start3A_137 = arith.constant 0 : i32
      %dma_start3A_138 = arith.constant 0 : i32
      %dma_start3A_139 = tpu.memref_slice %arg10[%dma_start3A_137, %dma_start3A_138] : memref<128x128xf32, #tpu.memory_space<vmem>> -> memref<64x128xf32, #tpu.memory_space<vmem>>
      %dma_start3A_140 = arith.constant 0 : i32
      %dma_start3A_141 = tpu.memref_slice %arg7[%add3A_127, %dma_start3A_140] : memref<10240x128xf32, #tpu.memory_space<vmem_shared>> -> memref<64x128xf32, #tpu.memory_space<vmem_shared>>
      tpu.enqueue_dma source(%dma_start3A_141 : memref<64x128xf32, #tpu.memory_space<vmem_shared>>) target(%dma_start3A_139 : memref<64x128xf32, #tpu.memory_space<vmem>>) target_semaphore(%run_scoped3A : memref<!tpu.dma_semaphore, #tpu.memory_space<semaphore_mem>>)
      %dma_wait3A = arith.constant 0 : i32
      %dma_wait3A_142 = arith.constant 0 : i32
      %dma_wait3A_143 = tpu.memref_slice %arg10[%dma_wait3A, %dma_wait3A_142] : memref<128x128xf32, #tpu.memory_space<vmem>> -> memref<64x128xf32, #tpu.memory_space<vmem>>
      %dma_wait3A_144 = arith.constant 0 : i32
      %dma_wait3A_145 = tpu.memref_slice %arg7[%add3A_127, %dma_wait3A_144] : memref<10240x128xf32, #tpu.memory_space<vmem_shared>> -> memref<64x128xf32, #tpu.memory_space<vmem_shared>>
      %dma_wait3A_146 = arith.constant 0 : i32
      %dma_wait3A_147 = arith.constant 0 : i32
      %dma_wait3A_148 = tpu.memref_slice %arg10[%dma_wait3A_146, %dma_wait3A_147] : memref<128x128xf32, #tpu.memory_space<vmem>> -> memref<64x128xf32, #tpu.memory_space<vmem>>
      %dma_wait3A_149 = arith.constant 0 : i32
      %dma_wait3A_150 = tpu.memref_slice %arg7[%add3A_127, %dma_wait3A_149] : memref<10240x128xf32, #tpu.memory_space<vmem_shared>> -> memref<64x128xf32, #tpu.memory_space<vmem_shared>>
      tpu.wait_dma2 semaphore(%run_scoped3A : memref<!tpu.dma_semaphore, #tpu.memory_space<semaphore_mem>>) src(%dma_wait3A_150 : memref<64x128xf32, #tpu.memory_space<vmem_shared>>) dst(%dma_wait3A_148 : memref<64x128xf32, #tpu.memory_space<vmem>>)
      tpu.yield
    }) : () -> ()
    "tpu.region"() ({
      %run_scoped3A = tpu.sem_alloc : memref<!tpu.dma_semaphore, #tpu.memory_space<semaphore_mem>>
      %dma_start3A_132 = arith.constant 0 : i32
      %dma_start3A_133 = arith.constant 0 : i32
      %dma_start3A_134 = tpu.memref_slice %arg10[%dma_start3A_132, %dma_start3A_133] : memref<128x128xf32, #tpu.memory_space<vmem>> -> memref<64x128xf32, #tpu.memory_space<vmem>>
      %dma_start3A_135 = arith.constant 512 : i32
      %dma_start3A_136 = arith.constant 0 : i32
      %dma_start3A_137 = tpu.memref_slice %arg6[%arg0, %arg1, %dma_start3A_135, %dma_start3A_136] : memref<2x16x640x128xf32, #tpu.memory_space<hbm>> -> memref<1x1x64x128xf32, #tpu.memory_space<hbm>>
      %dma_start3A_138 = tpu.memref_squeeze %dma_start3A_137 : memref<1x1x64x128xf32, #tpu.memory_space<hbm>> -> memref<64x128xf32, #tpu.memory_space<hbm>>
      %dma_start3A_139 = arith.constant 512 : i32
      %dma_start3A_140 = arith.constant 0 : i32
      %dma_start3A_141 = tpu.memref_slice %arg6[%arg0, %arg1, %dma_start3A_139, %dma_start3A_140] : memref<2x16x640x128xf32, #tpu.memory_space<hbm>> -> memref<1x1x64x128xf32, #tpu.memory_space<hbm>>
      %dma_start3A_142 = tpu.memref_squeeze %dma_start3A_141 : memref<1x1x64x128xf32, #tpu.memory_space<hbm>> -> memref<64x128xf32, #tpu.memory_space<hbm>>
      %dma_start3A_143 = arith.constant 0 : i32
      %dma_start3A_144 = arith.constant 0 : i32
      %dma_start3A_145 = tpu.memref_slice %arg10[%dma_start3A_143, %dma_start3A_144] : memref<128x128xf32, #tpu.memory_space<vmem>> -> memref<64x128xf32, #tpu.memory_space<vmem>>
      tpu.enqueue_dma source(%dma_start3A_145 : memref<64x128xf32, #tpu.memory_space<vmem>>) target(%dma_start3A_142 : memref<64x128xf32, #tpu.memory_space<hbm>>) target_semaphore(%run_scoped3A : memref<!tpu.dma_semaphore, #tpu.memory_space<semaphore_mem>>)
      %dma_wait3A = arith.constant 0 : i32
      %dma_wait3A_146 = arith.constant 0 : i32
      %dma_wait3A_147 = tpu.memref_slice %arg10[%dma_wait3A, %dma_wait3A_146] : memref<128x128xf32, #tpu.memory_space<vmem>> -> memref<64x128xf32, #tpu.memory_space<vmem>>
      %dma_wait3A_148 = arith.constant 512 : i32
      %dma_wait3A_149 = arith.constant 0 : i32
      %dma_wait3A_150 = tpu.memref_slice %arg6[%arg0, %arg1, %dma_wait3A_148, %dma_wait3A_149] : memref<2x16x640x128xf32, #tpu.memory_space<hbm>> -> memref<1x1x64x128xf32, #tpu.memory_space<hbm>>
      %dma_wait3A_151 = tpu.memref_squeeze %dma_wait3A_150 : memref<1x1x64x128xf32, #tpu.memory_space<hbm>> -> memref<64x128xf32, #tpu.memory_space<hbm>>
      %dma_wait3A_152 = arith.constant 512 : i32
      %dma_wait3A_153 = arith.constant 0 : i32
      %dma_wait3A_154 = tpu.memref_slice %arg6[%arg0, %arg1, %dma_wait3A_152, %dma_wait3A_153] : memref<2x16x640x128xf32, #tpu.memory_space<hbm>> -> memref<1x1x64x128xf32, #tpu.memory_space<hbm>>
      %dma_wait3A_155 = tpu.memref_squeeze %dma_wait3A_154 : memref<1x1x64x128xf32, #tpu.memory_space<hbm>> -> memref<64x128xf32, #tpu.memory_space<hbm>>
      %dma_wait3A_156 = arith.constant 0 : i32
      %dma_wait3A_157 = arith.constant 0 : i32
      %dma_wait3A_158 = tpu.memref_slice %arg10[%dma_wait3A_156, %dma_wait3A_157] : memref<128x128xf32, #tpu.memory_space<vmem>> -> memref<64x128xf32, #tpu.memory_space<vmem>>
      tpu.wait_dma2 semaphore(%run_scoped3A : memref<!tpu.dma_semaphore, #tpu.memory_space<semaphore_mem>>) src(%dma_wait3A_158 : memref<64x128xf32, #tpu.memory_space<vmem>>) dst(%dma_wait3A_155 : memref<64x128xf32, #tpu.memory_space<hbm>>)
      tpu.yield
    }) : () -> ()
    %mul3A_128 = arith.constant 640 : i32
    %mul3A_129 = arith.muli %arg1, %mul3A_128 : i32
    %add3A_130 = arith.constant 576 : i32
    %add3A_131 = arith.addi %mul3A_129, %add3A_130 : i32
    "tpu.region"() ({
      %run_scoped3A = tpu.sem_alloc : memref<!tpu.dma_semaphore, #tpu.memory_space<semaphore_mem>>
      %dma_start3A_132 = arith.constant 0 : i32
      %dma_start3A_133 = arith.constant 0 : i32
      %dma_start3A_134 = tpu.memref_slice %arg10[%dma_start3A_132, %dma_start3A_133] : memref<128x128xf32, #tpu.memory_space<vmem>> -> memref<64x128xf32, #tpu.memory_space<vmem>>
      %dma_start3A_135 = arith.constant 0 : i32
      %dma_start3A_136 = tpu.memref_slice %arg7[%add3A_131, %dma_start3A_135] : memref<10240x128xf32, #tpu.memory_space<vmem_shared>> -> memref<64x128xf32, #tpu.memory_space<vmem_shared>>
      %dma_start3A_137 = arith.constant 0 : i32
      %dma_start3A_138 = arith.constant 0 : i32
      %dma_start3A_139 = tpu.memref_slice %arg10[%dma_start3A_137, %dma_start3A_138] : memref<128x128xf32, #tpu.memory_space<vmem>> -> memref<64x128xf32, #tpu.memory_space<vmem>>
      %dma_start3A_140 = arith.constant 0 : i32
      %dma_start3A_141 = tpu.memref_slice %arg7[%add3A_131, %dma_start3A_140] : memref<10240x128xf32, #tpu.memory_space<vmem_shared>> -> memref<64x128xf32, #tpu.memory_space<vmem_shared>>
      tpu.enqueue_dma source(%dma_start3A_141 : memref<64x128xf32, #tpu.memory_space<vmem_shared>>) target(%dma_start3A_139 : memref<64x128xf32, #tpu.memory_space<vmem>>) target_semaphore(%run_scoped3A : memref<!tpu.dma_semaphore, #tpu.memory_space<semaphore_mem>>)
      %dma_wait3A = arith.constant 0 : i32
      %dma_wait3A_142 = arith.constant 0 : i32
      %dma_wait3A_143 = tpu.memref_slice %arg10[%dma_wait3A, %dma_wait3A_142] : memref<128x128xf32, #tpu.memory_space<vmem>> -> memref<64x128xf32, #tpu.memory_space<vmem>>
      %dma_wait3A_144 = arith.constant 0 : i32
      %dma_wait3A_145 = tpu.memref_slice %arg7[%add3A_131, %dma_wait3A_144] : memref<10240x128xf32, #tpu.memory_space<vmem_shared>> -> memref<64x128xf32, #tpu.memory_space<vmem_shared>>
      %dma_wait3A_146 = arith.constant 0 : i32
      %dma_wait3A_147 = arith.constant 0 : i32
      %dma_wait3A_148 = tpu.memref_slice %arg10[%dma_wait3A_146, %dma_wait3A_147] : memref<128x128xf32, #tpu.memory_space<vmem>> -> memref<64x128xf32, #tpu.memory_space<vmem>>
      %dma_wait3A_149 = arith.constant 0 : i32
      %dma_wait3A_150 = tpu.memref_slice %arg7[%add3A_131, %dma_wait3A_149] : memref<10240x128xf32, #tpu.memory_space<vmem_shared>> -> memref<64x128xf32, #tpu.memory_space<vmem_shared>>
      tpu.wait_dma2 semaphore(%run_scoped3A : memref<!tpu.dma_semaphore, #tpu.memory_space<semaphore_mem>>) src(%dma_wait3A_150 : memref<64x128xf32, #tpu.memory_space<vmem_shared>>) dst(%dma_wait3A_148 : memref<64x128xf32, #tpu.memory_space<vmem>>)
      tpu.yield
    }) : () -> ()
    "tpu.region"() ({
      %run_scoped3A = tpu.sem_alloc : memref<!tpu.dma_semaphore, #tpu.memory_space<semaphore_mem>>
      %dma_start3A_132 = arith.constant 0 : i32
      %dma_start3A_133 = arith.constant 0 : i32
      %dma_start3A_134 = tpu.memref_slice %arg10[%dma_start3A_132, %dma_start3A_133] : memref<128x128xf32, #tpu.memory_space<vmem>> -> memref<64x128xf32, #tpu.memory_space<vmem>>
      %dma_start3A_135 = arith.constant 576 : i32
      %dma_start3A_136 = arith.constant 0 : i32
      %dma_start3A_137 = tpu.memref_slice %arg6[%arg0, %arg1, %dma_start3A_135, %dma_start3A_136] : memref<2x16x640x128xf32, #tpu.memory_space<hbm>> -> memref<1x1x64x128xf32, #tpu.memory_space<hbm>>
      %dma_start3A_138 = tpu.memref_squeeze %dma_start3A_137 : memref<1x1x64x128xf32, #tpu.memory_space<hbm>> -> memref<64x128xf32, #tpu.memory_space<hbm>>
      %dma_start3A_139 = arith.constant 576 : i32
      %dma_start3A_140 = arith.constant 0 : i32
      %dma_start3A_141 = tpu.memref_slice %arg6[%arg0, %arg1, %dma_start3A_139, %dma_start3A_140] : memref<2x16x640x128xf32, #tpu.memory_space<hbm>> -> memref<1x1x64x128xf32, #tpu.memory_space<hbm>>
      %dma_start3A_142 = tpu.memref_squeeze %dma_start3A_141 : memref<1x1x64x128xf32, #tpu.memory_space<hbm>> -> memref<64x128xf32, #tpu.memory_space<hbm>>
      %dma_start3A_143 = arith.constant 0 : i32
      %dma_start3A_144 = arith.constant 0 : i32
      %dma_start3A_145 = tpu.memref_slice %arg10[%dma_start3A_143, %dma_start3A_144] : memref<128x128xf32, #tpu.memory_space<vmem>> -> memref<64x128xf32, #tpu.memory_space<vmem>>
      tpu.enqueue_dma source(%dma_start3A_145 : memref<64x128xf32, #tpu.memory_space<vmem>>) target(%dma_start3A_142 : memref<64x128xf32, #tpu.memory_space<hbm>>) target_semaphore(%run_scoped3A : memref<!tpu.dma_semaphore, #tpu.memory_space<semaphore_mem>>)
      %dma_wait3A = arith.constant 0 : i32
      %dma_wait3A_146 = arith.constant 0 : i32
      %dma_wait3A_147 = tpu.memref_slice %arg10[%dma_wait3A, %dma_wait3A_146] : memref<128x128xf32, #tpu.memory_space<vmem>> -> memref<64x128xf32, #tpu.memory_space<vmem>>
      %dma_wait3A_148 = arith.constant 576 : i32
      %dma_wait3A_149 = arith.constant 0 : i32
      %dma_wait3A_150 = tpu.memref_slice %arg6[%arg0, %arg1, %dma_wait3A_148, %dma_wait3A_149] : memref<2x16x640x128xf32, #tpu.memory_space<hbm>> -> memref<1x1x64x128xf32, #tpu.memory_space<hbm>>
      %dma_wait3A_151 = tpu.memref_squeeze %dma_wait3A_150 : memref<1x1x64x128xf32, #tpu.memory_space<hbm>> -> memref<64x128xf32, #tpu.memory_space<hbm>>
      %dma_wait3A_152 = arith.constant 576 : i32
      %dma_wait3A_153 = arith.constant 0 : i32
      %dma_wait3A_154 = tpu.memref_slice %arg6[%arg0, %arg1, %dma_wait3A_152, %dma_wait3A_153] : memref<2x16x640x128xf32, #tpu.memory_space<hbm>> -> memref<1x1x64x128xf32, #tpu.memory_space<hbm>>
      %dma_wait3A_155 = tpu.memref_squeeze %dma_wait3A_154 : memref<1x1x64x128xf32, #tpu.memory_space<hbm>> -> memref<64x128xf32, #tpu.memory_space<hbm>>
      %dma_wait3A_156 = arith.constant 0 : i32
      %dma_wait3A_157 = arith.constant 0 : i32
      %dma_wait3A_158 = tpu.memref_slice %arg10[%dma_wait3A_156, %dma_wait3A_157] : memref<128x128xf32, #tpu.memory_space<vmem>> -> memref<64x128xf32, #tpu.memory_space<vmem>>
      tpu.wait_dma2 semaphore(%run_scoped3A : memref<!tpu.dma_semaphore, #tpu.memory_space<semaphore_mem>>) src(%dma_wait3A_158 : memref<64x128xf32, #tpu.memory_space<vmem>>) dst(%dma_wait3A_155 : memref<64x128xf32, #tpu.memory_space<hbm>>)
      tpu.yield
    }) : () -> ()
    return
  }
}

module attributes {stable_mosaic.version = 14 : i64} {
  func.func @_dred_body(%arg0: i32, %arg1: memref<32x80x128xf32, #tpu.memory_space<vmem>>, %arg2: memref<80x128xf32, #tpu.memory_space<vmem>>) attributes {dimension_semantics = [#tpu.dimension_semantics<arbitrary>], iteration_bounds = array<i64: 1>, scalar_prefetch = 0 : i64, scratch_operands = 0 : i64, tpu.core_type = #tpu.core_type<tc>, window_params = [{pipeline_mode = #tpu.pipeline_mode<synchronous>, transform_indices = @transform_0, window_bounds = array<i64: 32, 80, 128>}, {pipeline_mode = #tpu.pipeline_mode<synchronous>, transform_indices = @transform_1, window_bounds = array<i64: 80, 128>}]} {
    %get3A = arith.constant 0 : index
    %get3A_0 = arith.constant 0 : index
    %get3A_1 = arith.constant 0 : index
    %get3A_2 = vector.load %arg1[%get3A, %get3A_0, %get3A_1] : memref<32x80x128xf32, #tpu.memory_space<vmem>>, vector<32x80x128xf32>
    %reduce_sum3A = arith.constant dense<0.000000e+00> : vector<80x128xf32>
    %reduce_sum3A_3 = vector.multi_reduction <add>, %get3A_2, %reduce_sum3A [0] : vector<32x80x128xf32> to vector<80x128xf32>
    %swap3A = arith.constant 0 : index
    %swap3A_4 = arith.constant 0 : index
    %swap3A_5 = vector.load %arg2[%swap3A, %swap3A_4] : memref<80x128xf32, #tpu.memory_space<vmem>>, vector<80x128xf32>
    tpu.vector_store %arg2[%swap3A, %swap3A_4], %reduce_sum3A_3 {strides = array<i32>} : memref<80x128xf32, #tpu.memory_space<vmem>>, vector<80x128xf32>,
    return
  }
  func.func @transform_0(%arg0: i32) -> (i32, i32, i32) {
    %c0_i32 = arith.constant 0 : i32
    %c0_i32_0 = arith.constant 0 : i32
    %c0_i32_1 = arith.constant 0 : i32
    %c0_i32_2 = arith.constant 0 : i32
    return %c0_i32, %c0_i32_0, %c0_i32_1 : i32, i32, i32
  }
  func.func @transform_1(%arg0: i32) -> (i32, i32) {
    %c0_i32 = arith.constant 0 : i32
    %c0_i32_0 = arith.constant 0 : i32
    %c0_i32_1 = arith.constant 0 : i32
    return %c0_i32, %c0_i32_0 : i32, i32
  }
}

module attributes {stable_mosaic.version = 14 : i64} {
  func.func @_mm_body(%arg0: i32, %arg1: memref<1000x128xf32, #tpu.memory_space<vmem>>, %arg2: memref<128x128xf32, #tpu.memory_space<vmem>>, %arg3: memref<1000x1xf32, #tpu.memory_space<vmem>>, %arg4: memref<1000x128xf32, #tpu.memory_space<vmem>>, %arg5: memref<1000x1xf32, #tpu.memory_space<vmem>>) attributes {dimension_semantics = [#tpu.dimension_semantics<arbitrary>], iteration_bounds = array<i64: 10>, scalar_prefetch = 0 : i64, scratch_operands = 0 : i64, tpu.core_type = #tpu.core_type<tc>, window_params = [{transform_indices = @transform_0, window_bounds = array<i64: 1000, 128>}, {pipeline_mode = #tpu.pipeline_mode<synchronous>, transform_indices = @transform_1, window_bounds = array<i64: 128, 128>}, {transform_indices = @transform_2, window_bounds = array<i64: 1000, 1>}, {transform_indices = @transform_3, window_bounds = array<i64: 1000, 128>}, {transform_indices = @transform_4, window_bounds = array<i64: 1000, 1>}]} {
    %get3A = arith.constant 0 : index
    %get3A_0 = arith.constant 0 : index
    %get3A_1 = vector.load %arg3[%get3A, %get3A_0] : memref<1000x1xf32, #tpu.memory_space<vmem>>, vector<1000x1xf32>
    %add3A = arith.constant 1.000000e+00 : f32
    %add3A_2 = vector.broadcast %add3A : f32 to vector<1000x1xf32>
    %add3A_3 = arith.addf %get3A_1, %add3A_2 : vector<1000x1xf32>
    %rsqrt3A = math.rsqrt %add3A_3 : vector<1000x1xf32>
    %get3A_4 = arith.constant 0 : index
    %get3A_5 = arith.constant 0 : index
    %get3A_6 = vector.load %arg1[%get3A_4, %get3A_5] : memref<1000x128xf32, #tpu.memory_space<vmem>>, vector<1000x128xf32>
    %get3A_7 = arith.constant 0 : index
    %get3A_8 = arith.constant 0 : index
    %get3A_9 = vector.load %arg2[%get3A_7, %get3A_8] : memref<128x128xf32, #tpu.memory_space<vmem>>, vector<128x128xf32>
    %dot_general3A = arith.constant dense<0.000000e+00> : vector<1000x128xf32>
    %dot_general3A_10 = tpu.matmul %get3A_6, %get3A_9, %dot_general3A {dimension_numbers = #tpu.dot_dimension_numbers<[1], [0], [0], [1], [0, 0, 1, 1], [], []>, transpose_lhs_hint = false} : vector<1000x128xf32>, vector<128x128xf32>, vector<1000x128xf32> -> vector<1000x128xf32>
    %mul3A = vector.broadcast %rsqrt3A : vector<1000x1xf32> to vector<1000x128xf32>
    %mul3A_11 = arith.mulf %dot_general3A_10, %mul3A : vector<1000x128xf32>
    %swap3A = arith.constant 0 : index
    %swap3A_12 = arith.constant 0 : index
    %swap3A_13 = vector.load %arg4[%swap3A, %swap3A_12] : memref<1000x128xf32, #tpu.memory_space<vmem>>, vector<1000x128xf32>
    tpu.vector_store %arg4[%swap3A, %swap3A_12], %mul3A_11 {strides = array<i32>} : memref<1000x128xf32, #tpu.memory_space<vmem>>, vector<1000x128xf32>,
    %swap3A_14 = arith.constant 0 : index
    %swap3A_15 = arith.constant 0 : index
    %swap3A_16 = vector.load %arg5[%swap3A_14, %swap3A_15] : memref<1000x1xf32, #tpu.memory_space<vmem>>, vector<1000x1xf32>
    tpu.vector_store %arg5[%swap3A_14, %swap3A_15], %rsqrt3A {strides = array<i32>} : memref<1000x1xf32, #tpu.memory_space<vmem>>, vector<1000x1xf32>,
    return
  }
  func.func @transform_0(%arg0: i32) -> (i32, i32) {
    %c0_i32 = arith.constant 0 : i32
    %c0_i32_0 = arith.constant 0 : i32
    return %arg0, %c0_i32 : i32, i32
  }
  func.func @transform_1(%arg0: i32) -> (i32, i32) {
    %c0_i32 = arith.constant 0 : i32
    %c0_i32_0 = arith.constant 0 : i32
    %c0_i32_1 = arith.constant 0 : i32
    return %c0_i32, %c0_i32_0 : i32, i32
  }
  func.func @transform_2(%arg0: i32) -> (i32, i32) {
    %c0_i32 = arith.constant 0 : i32
    %c0_i32_0 = arith.constant 0 : i32
    return %arg0, %c0_i32 : i32, i32
  }
  func.func @transform_3(%arg0: i32) -> (i32, i32) {
    %c0_i32 = arith.constant 0 : i32
    %c0_i32_0 = arith.constant 0 : i32
    return %arg0, %c0_i32 : i32, i32
  }
  func.func @transform_4(%arg0: i32) -> (i32, i32) {
    %c0_i32 = arith.constant 0 : i32
    %c0_i32_0 = arith.constant 0 : i32
    return %arg0, %c0_i32 : i32, i32
  }
}

module attributes {stable_mosaic.version = 14 : i64} {
  func.func @_stat_body(%arg0: i32, %arg1: memref<1000x128xf32, #tpu.memory_space<vmem>>, %arg2: memref<1000x128xf32, #tpu.memory_space<vmem>>, %arg3: memref<1000x128xf32, #tpu.memory_space<vmem>>, %arg4: memref<1000x1xf32, #tpu.memory_space<vmem>>, %arg5: memref<1x128xf32, #tpu.memory_space<vmem>>, %arg6: memref<1000x128xf32, #tpu.memory_space<vmem>>, %arg7: memref<1x128xf32, #tpu.memory_space<vmem>>, %arg8: memref<1x128xf32, #tpu.memory_space<vmem>>) attributes {dimension_semantics = [#tpu.dimension_semantics<arbitrary>], iteration_bounds = array<i64: 10>, scalar_prefetch = 0 : i64, scratch_operands = 0 : i64, tpu.core_type = #tpu.core_type<tc>, window_params = [{transform_indices = @transform_0, window_bounds = array<i64: 1000, 128>}, {transform_indices = @transform_1, window_bounds = array<i64: 1000, 128>}, {transform_indices = @transform_2, window_bounds = array<i64: 1000, 128>}, {transform_indices = @transform_3, window_bounds = array<i64: 1000, 1>}, {pipeline_mode = #tpu.pipeline_mode<synchronous>, transform_indices = @transform_4, window_bounds = array<i64: 1, 128>}, {transform_indices = @transform_5, window_bounds = array<i64: 1000, 128>}, {pipeline_mode = #tpu.pipeline_mode<synchronous>, transform_indices = @transform_6, window_bounds = array<i64: 1, 128>}, {pipeline_mode = #tpu.pipeline_mode<synchronous>, transform_indices = @transform_7, window_bounds = array<i64: 1, 128>}]} {
    %get3A = arith.constant 0 : index
    %get3A_0 = arith.constant 0 : index
    %get3A_1 = vector.load %arg1[%get3A, %get3A_0] : memref<1000x128xf32, #tpu.memory_space<vmem>>, vector<1000x128xf32>
    %get3A_2 = arith.constant 0 : index
    %get3A_3 = arith.constant 0 : index
    %get3A_4 = vector.load %arg2[%get3A_2, %get3A_3] : memref<1000x128xf32, #tpu.memory_space<vmem>>, vector<1000x128xf32>
    %add3A = arith.addf %get3A_1, %get3A_4 : vector<1000x128xf32>
    %get3A_5 = arith.constant 0 : index
    %get3A_6 = arith.constant 0 : index
    %get3A_7 = vector.load %arg3[%get3A_5, %get3A_6] : memref<1000x128xf32, #tpu.memory_space<vmem>>, vector<1000x128xf32>
    %add3A_8 = arith.addf %add3A, %get3A_7 : vector<1000x128xf32>
    %get3A_9 = arith.constant 0 : index
    %get3A_10 = arith.constant 0 : index
    %get3A_11 = vector.load %arg4[%get3A_9, %get3A_10] : memref<1000x1xf32, #tpu.memory_space<vmem>>, vector<1000x1xf32>
    %mul3A = vector.broadcast %get3A_11 : vector<1000x1xf32> to vector<1000x128xf32>
    %mul3A_12 = arith.mulf %add3A_8, %mul3A : vector<1000x128xf32>
    %get3A_13 = arith.constant 0 : index
    %get3A_14 = arith.constant 0 : index
    %get3A_15 = vector.load %arg5[%get3A_13, %get3A_14] : memref<1x128xf32, #tpu.memory_space<vmem>>, vector<1x128xf32>
    %add3A_16 = vector.broadcast %get3A_15 : vector<1x128xf32> to vector<1000x128xf32>
    %add3A_17 = arith.addf %mul3A_12, %add3A_16 : vector<1000x128xf32>
    %swap3A = arith.constant 0 : index
    %swap3A_18 = arith.constant 0 : index
    %swap3A_19 = vector.load %arg6[%swap3A, %swap3A_18] : memref<1000x128xf32, #tpu.memory_space<vmem>>, vector<1000x128xf32>
    tpu.vector_store %arg6[%swap3A, %swap3A_18], %add3A_17 {strides = array<i32>} : memref<1000x128xf32, #tpu.memory_space<vmem>>, vector<1000x128xf32>,
    %eq3A = arith.constant 0 : i32
    %eq3A_20 = arith.cmpi eq, %arg0, %eq3A : i32
    %convert_element_type3A = arith.extui %eq3A_20 : i1 to i32
    %cond3A = arith.constant 0 : i32
    %cond3A_21 = arith.cmpi ne, %convert_element_type3A, %cond3A : i32
    scf.if %cond3A_21 {
      %broadcast_in_dim3A_41 = arith.constant 0.000000e+00 : f32
      %broadcast_in_dim3A_42 = vector.broadcast %broadcast_in_dim3A_41 : f32 to vector<1x128xf32>
      %swap3A_43 = arith.constant 0 : index
      %swap3A_44 = arith.constant 0 : index
      %swap3A_45 = vector.load %arg7[%swap3A_43, %swap3A_44] : memref<1x128xf32, #tpu.memory_space<vmem>>, vector<1x128xf32>
      tpu.vector_store %arg7[%swap3A_43, %swap3A_44], %broadcast_in_dim3A_42 {strides = array<i32>} : memref<1x128xf32, #tpu.memory_space<vmem>>, vector<1x128xf32>,
      %broadcast_in_dim3A_46 = arith.constant 0.000000e+00 : f32
      %broadcast_in_dim3A_47 = vector.broadcast %broadcast_in_dim3A_46 : f32 to vector<1x128xf32>
      %swap3A_48 = arith.constant 0 : index
      %swap3A_49 = arith.constant 0 : index
      %swap3A_50 = vector.load %arg8[%swap3A_48, %swap3A_49] : memref<1x128xf32, #tpu.memory_space<vmem>>, vector<1x128xf32>
      tpu.vector_store %arg8[%swap3A_48, %swap3A_49], %broadcast_in_dim3A_47 {strides = array<i32>} : memref<1x128xf32, #tpu.memory_space<vmem>>, vector<1x128xf32>,
    } else {
    }
    %get3A_22 = arith.constant 0 : index
    %get3A_23 = arith.constant 0 : index
    %get3A_24 = vector.load %arg7[%get3A_22, %get3A_23] : memref<1x128xf32, #tpu.memory_space<vmem>>, vector<1x128xf32>
    %reduce_sum3A = arith.constant dense<0.000000e+00> : vector<128xf32>
    %reduce_sum3A_25 = vector.multi_reduction <add>, %add3A_17, %reduce_sum3A [0] : vector<1000x128xf32> to vector<128xf32>
    %broadcast_in_dim3A = vector.shape_cast %reduce_sum3A_25 : vector<128xf32> to vector<1x128xf32>
    %add3A_26 = arith.addf %get3A_24, %broadcast_in_dim3A : vector<1x128xf32>
    %swap3A_27 = arith.constant 0 : index
    %swap3A_28 = arith.constant 0 : index
    %swap3A_29 = vector.load %arg7[%swap3A_27, %swap3A_28] : memref<1x128xf32, #tpu.memory_space<vmem>>, vector<1x128xf32>
    tpu.vector_store %arg7[%swap3A_27, %swap3A_28], %add3A_26 {strides = array<i32>} : memref<1x128xf32, #tpu.memory_space<vmem>>, vector<1x128xf32>,
    %get3A_30 = arith.constant 0 : index
    %get3A_31 = arith.constant 0 : index
    %get3A_32 = vector.load %arg8[%get3A_30, %get3A_31] : memref<1x128xf32, #tpu.memory_space<vmem>>, vector<1x128xf32>
    %mul3A_33 = arith.mulf %add3A_17, %add3A_17 : vector<1000x128xf32>
    %reduce_sum3A_34 = arith.constant dense<0.000000e+00> : vector<128xf32>
    %reduce_sum3A_35 = vector.multi_reduction <add>, %mul3A_33, %reduce_sum3A_34 [0] : vector<1000x128xf32> to vector<128xf32>
    %broadcast_in_dim3A_36 = vector.shape_cast %reduce_sum3A_35 : vector<128xf32> to vector<1x128xf32>
    %add3A_37 = arith.addf %get3A_32, %broadcast_in_dim3A_36 : vector<1x128xf32>
    %swap3A_38 = arith.constant 0 : index
    %swap3A_39 = arith.constant 0 : index
    %swap3A_40 = vector.load %arg8[%swap3A_38, %swap3A_39] : memref<1x128xf32, #tpu.memory_space<vmem>>, vector<1x128xf32>
    tpu.vector_store %arg8[%swap3A_38, %swap3A_39], %add3A_37 {strides = array<i32>} : memref<1x128xf32, #tpu.memory_space<vmem>>, vector<1x128xf32>,
    return
  }
  func.func @transform_0(%arg0: i32) -> (i32, i32) {
    %c0_i32 = arith.constant 0 : i32
    %c0_i32_0 = arith.constant 0 : i32
    return %arg0, %c0_i32 : i32, i32
  }
  func.func @transform_1(%arg0: i32) -> (i32, i32) {
    %c0_i32 = arith.constant 0 : i32
    %c0_i32_0 = arith.constant 0 : i32
    return %arg0, %c0_i32 : i32, i32
  }
  func.func @transform_2(%arg0: i32) -> (i32, i32) {
    %c0_i32 = arith.constant 0 : i32
    %c0_i32_0 = arith.constant 0 : i32
    return %arg0, %c0_i32 : i32, i32
  }
  func.func @transform_3(%arg0: i32) -> (i32, i32) {
    %c0_i32 = arith.constant 0 : i32
    %c0_i32_0 = arith.constant 0 : i32
    return %arg0, %c0_i32 : i32, i32
  }
  func.func @transform_4(%arg0: i32) -> (i32, i32) {
    %c0_i32 = arith.constant 0 : i32
    %c0_i32_0 = arith.constant 0 : i32
    %c0_i32_1 = arith.constant 0 : i32
    return %c0_i32, %c0_i32_0 : i32, i32
  }
  func.func @transform_5(%arg0: i32) -> (i32, i32) {
    %c0_i32 = arith.constant 0 : i32
    %c0_i32_0 = arith.constant 0 : i32
    return %arg0, %c0_i32 : i32, i32
  }
  func.func @transform_6(%arg0: i32) -> (i32, i32) {
    %c0_i32 = arith.constant 0 : i32
    %c0_i32_0 = arith.constant 0 : i32
    %c0_i32_1 = arith.constant 0 : i32
    return %c0_i32, %c0_i32_0 : i32, i32
  }
  func.func @transform_7(%arg0: i32) -> (i32, i32) {
    %c0_i32 = arith.constant 0 : i32
    %c0_i32_0 = arith.constant 0 : i32
    %c0_i32_1 = arith.constant 0 : i32
    return %c0_i32, %c0_i32_0 : i32, i32
  }
}

module attributes {stable_mosaic.version = 14 : i64} {
  func.func @_norm_body(%arg0: i32, %arg1: memref<1000x128xf32, #tpu.memory_space<vmem>>, %arg2: memref<1x128xf32, #tpu.memory_space<vmem>>, %arg3: memref<1x128xf32, #tpu.memory_space<vmem>>, %arg4: memref<1x128xf32, #tpu.memory_space<vmem>>, %arg5: memref<1x128xf32, #tpu.memory_space<vmem>>, %arg6: memref<1000x128xf32, #tpu.memory_space<vmem>>) attributes {dimension_semantics = [#tpu.dimension_semantics<arbitrary>], iteration_bounds = array<i64: 10>, scalar_prefetch = 0 : i64, scratch_operands = 0 : i64, tpu.core_type = #tpu.core_type<tc>, window_params = [{transform_indices = @transform_0, window_bounds = array<i64: 1000, 128>}, {pipeline_mode = #tpu.pipeline_mode<synchronous>, transform_indices = @transform_1, window_bounds = array<i64: 1, 128>}, {pipeline_mode = #tpu.pipeline_mode<synchronous>, transform_indices = @transform_2, window_bounds = array<i64: 1, 128>}, {pipeline_mode = #tpu.pipeline_mode<synchronous>, transform_indices = @transform_3, window_bounds = array<i64: 1, 128>}, {pipeline_mode = #tpu.pipeline_mode<synchronous>, transform_indices = @transform_4, window_bounds = array<i64: 1, 128>}, {transform_indices = @transform_5, window_bounds = array<i64: 1000, 128>}]} {
    %get3A = arith.constant 0 : index
    %get3A_0 = arith.constant 0 : index
    %get3A_1 = vector.load %arg2[%get3A, %get3A_0] : memref<1x128xf32, #tpu.memory_space<vmem>>, vector<1x128xf32>
    %mul3A = arith.constant 9.99999974E-5 : f32
    %mul3A_2 = vector.broadcast %mul3A : f32 to vector<1x128xf32>
    %mul3A_3 = arith.mulf %get3A_1, %mul3A_2 : vector<1x128xf32>
    %get3A_4 = arith.constant 0 : index
    %get3A_5 = arith.constant 0 : index
    %get3A_6 = vector.load %arg3[%get3A_4, %get3A_5] : memref<1x128xf32, #tpu.memory_space<vmem>>, vector<1x128xf32>
    %mul3A_7 = arith.constant 9.99999974E-5 : f32
    %mul3A_8 = vector.broadcast %mul3A_7 : f32 to vector<1x128xf32>
    %mul3A_9 = arith.mulf %get3A_6, %mul3A_8 : vector<1x128xf32>
    %mul3A_10 = arith.mulf %mul3A_3, %mul3A_3 : vector<1x128xf32>
    %sub3A = arith.subf %mul3A_9, %mul3A_10 : vector<1x128xf32>
    %add3A = arith.constant 9.99999974E-6 : f32
    %add3A_11 = vector.broadcast %add3A : f32 to vector<1x128xf32>
    %add3A_12 = arith.addf %sub3A, %add3A_11 : vector<1x128xf32>
    %rsqrt3A = math.rsqrt %add3A_12 : vector<1x128xf32>
    %get3A_13 = arith.constant 0 : index
    %get3A_14 = arith.constant 0 : index
    %get3A_15 = vector.load %arg1[%get3A_13, %get3A_14] : memref<1000x128xf32, #tpu.memory_space<vmem>>, vector<1000x128xf32>
    %sub3A_16 = vector.broadcast %mul3A_3 : vector<1x128xf32> to vector<1000x128xf32>
    %sub3A_17 = arith.subf %get3A_15, %sub3A_16 : vector<1000x128xf32>
    %get3A_18 = arith.constant 0 : index
    %get3A_19 = arith.constant 0 : index
    %get3A_20 = vector.load %arg4[%get3A_18, %get3A_19] : memref<1x128xf32, #tpu.memory_space<vmem>>, vector<1x128xf32>
    %mul3A_21 = arith.mulf %rsqrt3A, %get3A_20 : vector<1x128xf32>
    %mul3A_22 = vector.broadcast %mul3A_21 : vector<1x128xf32> to vector<1000x128xf32>
    %mul3A_23 = arith.mulf %sub3A_17, %mul3A_22 : vector<1000x128xf32>
    %get3A_24 = arith.constant 0 : index
    %get3A_25 = arith.constant 0 : index
    %get3A_26 = vector.load %arg5[%get3A_24, %get3A_25] : memref<1x128xf32, #tpu.memory_space<vmem>>, vector<1x128xf32>
    %add3A_27 = vector.broadcast %get3A_26 : vector<1x128xf32> to vector<1000x128xf32>
    %add3A_28 = arith.addf %mul3A_23, %add3A_27 : vector<1000x128xf32>
    %max3A = arith.constant 0.000000e+00 : f32
    %max3A_29 = vector.broadcast %max3A : f32 to vector<1000x128xf32>
    %max3A_30 = arith.maximumf %add3A_28, %max3A_29 : vector<1000x128xf32>
    %swap3A = arith.constant 0 : index
    %swap3A_31 = arith.constant 0 : index
    %swap3A_32 = vector.load %arg6[%swap3A, %swap3A_31] : memref<1000x128xf32, #tpu.memory_space<vmem>>, vector<1000x128xf32>
    tpu.vector_store %arg6[%swap3A, %swap3A_31], %max3A_30 {strides = array<i32>} : memref<1000x128xf32, #tpu.memory_space<vmem>>, vector<1000x128xf32>,
    return
  }
  func.func @transform_0(%arg0: i32) -> (i32, i32) {
    %c0_i32 = arith.constant 0 : i32
    %c0_i32_0 = arith.constant 0 : i32
    return %arg0, %c0_i32 : i32, i32
  }
  func.func @transform_1(%arg0: i32) -> (i32, i32) {
    %c0_i32 = arith.constant 0 : i32
    %c0_i32_0 = arith.constant 0 : i32
    %c0_i32_1 = arith.constant 0 : i32
    return %c0_i32, %c0_i32_0 : i32, i32
  }
  func.func @transform_2(%arg0: i32) -> (i32, i32) {
    %c0_i32 = arith.constant 0 : i32
    %c0_i32_0 = arith.constant 0 : i32
    %c0_i32_1 = arith.constant 0 : i32
    return %c0_i32, %c0_i32_0 : i32, i32
  }
  func.func @transform_3(%arg0: i32) -> (i32, i32) {
    %c0_i32 = arith.constant 0 : i32
    %c0_i32_0 = arith.constant 0 : i32
    %c0_i32_1 = arith.constant 0 : i32
    return %c0_i32, %c0_i32_0 : i32, i32
  }
  func.func @transform_4(%arg0: i32) -> (i32, i32) {
    %c0_i32 = arith.constant 0 : i32
    %c0_i32_0 = arith.constant 0 : i32
    %c0_i32_1 = arith.constant 0 : i32
    return %c0_i32, %c0_i32_0 : i32, i32
  }
  func.func @transform_5(%arg0: i32) -> (i32, i32) {
    %c0_i32 = arith.constant 0 : i32
    %c0_i32_0 = arith.constant 0 : i32
    return %arg0, %c0_i32 : i32, i32
  }
}

</mosaic_0001>

<sc_bundles>
// kernel: kernel.11.cloned.1.call-start
scs
__scs_entry_jumppad:
0x0: {  	(pc) =	sbr.rel $0x88, $3  }
0x1: {  	(tag) =	ssettag $0x0;
	lr =	simm.s32 $0x1  }
0x2: {  	[smem:$0x3F9B] =	sst lr;
	_ =	strace $0xD0000000  }
0x3: {  	_ = 	snop  }
0x4: {  	_ = 	snop  }
0x5: {  	_ = 	snop  }
0x6: {  	_ = 	snop  }
0x7: {  	_ = 	snop  }
__scs_overlays_trampoline_lowered:
0x8: {  	[smem:$0x3FAA] =	sst s0  }
0x9: {  	[smem:$0x3FAB] =	sst s1  }
0xa: {  	[smem:$0x3FAC] =	sst s2  }
0xb: {  	[smem:$0x3FAD] =	sst s3  }
0xc: {  	[smem:$0x3FAE] =	sst s4  }
0xd: {  	[smem:$0x3FAF] =	sst s5  }
0xe: {  	[smem:$0x3FB0] =	sst s6  }
0xf: {  	[smem:$0x3FB1] =	sst s7  }
0x10: {  	[smem:$0x3FB2] =	sst s8  }
0x11: {  	[smem:$0x3FB3] =	sst s9;
	s0 =	simm.s32 @!p0 $0x0  }
0x12: {  	s1 =	sld [smem:$0x3F99];
	s0 =	simm.s32 @p0 $0x1  }
0x13: {  	[smem:$0x3FB4] =	sst s0;
	s0 =	simm.s32 @!p1 $0x0  }
0x14: {  	s2 =	sld [smem:$0x3F98];
	s0 =	simm.s32 @p1 $0x1  }
0x15: {  	[smem:$0x3FB5] =	sst s0;
	s0 =	simm.s32 @!p2 $0x0  }
0x16: {  	s3 =	sld [smem:$0x3FDB];
	s0 =	simm.s32 @p2 $0x1  }
0x17: {  	s4 =	simm.s32 $0x1BF5;
	[smem:$0x3FB7] =	sst s0  }
0x18: {  	s0 =	sld [smem:$0x3F9A];
	_ =	swait.ge [sflag:s4], $0x0  }
0x19: {  	s7 =	sld [smem:$0x3F9B]  }
0x1a: {  	s8 =	sadd.s32 $0xFFFFE003, lr  }
0x1b: {  	s9 =	sadd.s32 $0xFFFFFEF7, lr;
	s5 =	simm.s32 $0xFFFFFFFF;
	p2 =	slt.u32 s8, $0xFFFFF086  }
0x1c: {  	p1 =	slt.u32 s9, $0xF7A;
	s5 =	simm.s32 @!p2 $0x0  }
0x1d: {  	s5 =	simm.s32 @p1 $0x1;
	p0 =	seq.s32 s7, s2  }
0x1e: {  	s7 =	smul.u32 @!p0 $0xF7A, s2;
	p2 =	seq.s32 @!p0 s5, $0x0  }
0x1f: {  	s9 =	smul.u32 $0xF7A, s1;
	s8 =	simm.s32 @!p0 $0x1BF5;
	p2 =	por !p2, p0  }
0x20: {  	[sflag:s8] =	ssyncset.s32 @!p0 $0xFFFFF086;
	s6 =	sadd.s32 @!p0 s3, s7;
	s7 =	simm.s32 @!p0 $0x108  }
0x21: {  	s3 =	sadd.s32 s3, s9;
	s6 =	sadd.s32 @!p0 $0x88, s6;
	s7 =	simm.s32 @p2 $0x1082  }
0x22: {  	[simem:s7], [sflag:s8] =	dma.local @!p0 [hbm:s6], $0xF7A  }
0x23: {  	s9 =	sor.u32 $0xD0000000, s2;
	s6 =	simm.s32 $0x108;
	_ =	swait.ge @!p0 [sflag:s8], $0x0  }
0x24: {  	s3 =	sadd.s32 $0x88, s3;
	s6 =	simm.s32 @!p1 $0x1082;
	[sflag:s4] =	ssyncset.s32 $0xFFFFF086  }
0x25: {  	[simem:s6], [sflag:s4] =	dma.local [hbm:s3], $0xF7A  }
0x26: {  	[smem:$0x3F9B] =	sst s1;
	(tag) =	ssettag s2;
	_ =	strace s9  }
0x27: {  	s1 =	sld [smem:$0x3FAB]  }
0x28: {  	s2 =	sld [smem:$0x3FAC]  }
0x29: {  	s4 =	sld [smem:$0x3FAE]  }
0x2a: {  	p0 =	seq.s32 s5, $0x0;
	s5 =	sld [smem:$0x3FAF]  }
0x2b: {  	s6 =	sld [smem:$0x3FB0]  }
0x2c: {  	s7 =	sld [smem:$0x3FB1]  }
0x2d: {  	s3 =	simm.s32 $0x108;
	s8 =	sld [smem:$0x3FB2]  }
0x2e: {  	s3 =	simm.s32 @!p0 $0x1082;
	s9 =	sld [smem:$0x3FB3]  }
0x2f: {  	lr =	sadd.s32 s0, s3;
	s0 =	sld [smem:$0x3FAA]  }
0x30: {  	s3 =	sld [smem:$0x3FAD]  }
0x31: {  	[smem:$0x3FB6] =	sst s10  }
0x32: {  	s10 =	sld [smem:$0x3FB4];
	_ =	sdelay $0x3  }
0x33: {  	p0 =	seq.s32 s10, $0x1;
	s10 =	sld [smem:$0x3FB6];
	_ =	sdelay $0x3  }
0x34: {  	[smem:$0x3FB6] =	sst s10  }
0x35: {  	s10 =	sld [smem:$0x3FB5];
	_ =	sdelay $0x3  }
0x36: {  	p1 =	seq.s32 s10, $0x1;
	s10 =	sld [smem:$0x3FB6];
	_ =	sdelay $0x3  }
0x37: {  	[smem:$0x3FB6] =	sst s10  }
0x38: {  	s10 =	sld [smem:$0x3FB7]  }
0x39: {  	_ = 	snop;
	(pc) =	sbr.ind lr, $3  }
0x3a: {  	_ = 	snop  }
0x3b: {  	_ = 	snop  }
0x3c: {  	p2 =	seq.s32 s10, $0x1;
	s10 =	sld [smem:$0x3FB6]  }
0x3d: {  	_ =	shalt  }
0x3e: {  	_ =	shalt  }
0x3f: {  	_ =	shalt  }
0x40: {  	_ =	shalt  }
0x41: {  	_ =	shalt  }
0x42: {  	_ =	shalt  }
0x43: {  	_ =	shalt  }
0x44: {  	_ =	shalt  }
0x45: {  	_ =	shalt  }
0x46: {  	_ =	shalt  }
0x47: {  	_ =	shalt  }
0x48: {  	_ =	shalt  }
0x49: {  	_ =	shalt  }
0x4a: {  	_ =	shalt  }
0x4b: {  	_ =	shalt  }
0x4c: {  	_ =	shalt  }
0x4d: {  	_ =	shalt  }
0x4e: {  	_ =	shalt  }
0x4f: {  	_ =	shalt  }
0x50: {  	_ =	shalt  }
0x51: {  	_ =	shalt  }
0x52: {  	_ =	shalt  }
0x53: {  	_ =	shalt  }
0x54: {  	_ =	shalt  }
0x55: {  	_ =	shalt  }
0x56: {  	_ =	shalt  }
0x57: {  	_ =	shalt  }
0x58: {  	_ =	shalt  }
0x59: {  	_ =	shalt  }
0x5a: {  	_ =	shalt  }
0x5b: {  	_ =	shalt  }
0x5c: {  	_ =	shalt  }
0x5d: {  	_ =	shalt  }
0x5e: {  	_ =	shalt  }
0x5f: {  	_ =	shalt  }
0x60: {  	_ =	shalt  }
0x61: {  	_ =	shalt  }
0x62: {  	_ =	shalt  }
0x63: {  	_ =	shalt  }
0x64: {  	_ =	shalt  }
0x65: {  	_ =	shalt  }
0x66: {  	_ =	shalt  }
0x67: {  	_ =	shalt  }
0x68: {  	_ =	shalt  }
0x69: {  	_ =	shalt  }
0x6a: {  	_ =	shalt  }
0x6b: {  	_ =	shalt  }
0x6c: {  	_ =	shalt  }
0x6d: {  	_ =	shalt  }
0x6e: {  	_ =	shalt  }
0x6f: {  	_ =	shalt  }
0x70: {  	_ =	shalt  }
0x71: {  	_ =	shalt  }
0x72: {  	_ =	shalt  }
0x73: {  	_ =	shalt  }
0x74: {  	_ =	shalt  }
0x75: {  	_ =	shalt  }
0x76: {  	_ =	shalt  }
0x77: {  	_ =	shalt  }
0x78: {  	_ =	shalt  }
0x79: {  	_ =	shalt  }
0x7a: {  	_ =	shalt  }
0x7b: {  	_ =	shalt  }
0x7c: {  	_ =	shalt  }
0x7d: {  	_ =	shalt  }
0x7e: {  	_ =	shalt  }
0x7f: {  	_ =	shalt  }
0x80: {  	_ =	shalt  }
0x81: {  	_ =	shalt  }
0x82: {  	_ =	shalt  }
0x83: {  	_ =	shalt  }
0x84: {  	_ =	shalt  }
0x85: {  	_ =	shalt  }
0x86: {  	_ =	shalt  }
0x87: {  	_ =	shalt  }
.Lfunc_end0:
.L_simem_size_0:
called_computation.1_lowered:
.L_overlay_start_0:
0x88: {  	s2 =	sld [smem:$0x3FD9]  }
0x89: {  	s3 =	sld [smem:$0x3FFE];
	_ =	sdelay $0x1  }
0x8a: {  	s1 =	srdreg.scid  }
0x8b: {  	s0 =	sand.u32 $0x1, s1  }
0x8c: {  	s16 =	sshll.u32 s0, $0xA;
	s2 =	sadd.s32 s3, s2  }
0x8d: {  	s2 =	sadd.s32 s2, s16  }
0x8e: {  	[smem:$0x3FC2] =	sst s2  }
0x8f: {  	_ = 	snop  }
0x90: {  	(tm) =	ssettm $0x1  }
0x91: {  	s17 =	sld [smem:$0x3FFB];
	_ =	sdelay $0x3  }
0x92: {  	_ =	strace s17  }
0x93: {  	s2 =	sld [smem:$0x3FFC];
	_ =	sdelay $0x3  }
0x94: {  	_ =	strace s2  }
0x95: {  	s2 =	sld [smem:$0x3FFD];
	_ =	sdelay $0x3  }
0x96: {  	_ =	strace s2  }
0x97: {  	_ =	strace $0x8FFFFFFF  }
0x98: {  	s18 =	sld [smem:$0x3FDB];
	_ =	sdelay $0x1  }
0x99: {  	s19 =	simm.s32 $_scs_section_size  }
0x9a: {  	s4 =	simm.s32 $_size__tile_overlayer_lowered;
	s5 =	simm.s32 $_tile_overlayer_lowered  }
0x9b: {  	s22 =	simm.s32 $0x1BFF;
	s21 =	sshll.u32 s5, $0x1;
	s2 =	sadd.s32 s19, s18  }
0x9c: {  	s6 =	simm.s32 $0x0;
	s20 =	sshll.u32 s4, $0x1;
	s4 =	sadd.s32 s21, s2  }
0x9d: {  	[timem:s6], [sflag:s22] =	dma.local [hbm:s4], s20  }
0x9e: {  	_ =	swait.ge [sflag:s22], s20  }
0x9f: {  	s3 =	ssub.s32 $0x0, s20;
	[sflag:s22] =	ssyncset.done $0x0  }
0xa0: {  	[sflag:s22] =	ssyncadd.s32 s3;
	_ =	sdelay $0x1  }
0xa1: {  	s23 =	simm.s32 $0x1B8B  }
0xa2: {  	_ =	swait.ge [sflag:s23], $0x1  }
0xa3: {  	[sflag:s23] =	ssyncset.done $0x0  }
0xa4: {  	s25 =	simm.s32 $0x1B8E;
	s24 =	sld [smem:$0x3FFE];
	[sflag:s23] =	ssyncadd.s32 $0xFFFFFFFF  }
0xa5: {  	s26 =	simm.s32 $execute0_lowered;
	[smem:$0x3FD2] =	sst s25  }
0xa6: {  	s4 =	sshll.u32 s26, $0x1;
	_ =	strace $0x80000049;
	[dreg:$0x1] =	wrdreg $0xFFFFFFFF  }
0xa7: {  	s28 =	simm.s32 $_size_execute0_lowered;
	s2 =	sadd.s32 s2, s4;
	[dreg:$0x0] =	wrdreg $0x0  }
0xa8: {  	s4 =	sshll.u32 s28, $0x1;
	[dreg:$0x2] =	wrdreg s2  }
0xa9: {  	[dreg:$0x3] =	wrdreg s4  }
0xaa: {  	[dreg:$0x4] =	wrdreg $0xC0  }
0xab: {  	_ =	task [dreg:s6], $0x5FFFF  }
0xac: {  	[dreg:$0x1] =	wrdreg $0xFFFFFFFF  }
0xad: {  	[dreg:$0x0] =	wrdreg $0x60  }
0xae: {  	[dreg:$0x2] =	wrdreg s24  }
0xaf: {  	[dreg:$0x3] =	wrdreg $0x0  }
0xb0: {  	[dreg:$0x4] =	wrdreg $0x9  }
0xb1: {  	_ =	task.clear_ibuf [dreg:s6], $0x5FFFF;
	_ =	strace $0x90000049  }
0xb2: {  	s29 =	simm.s32 $0x9;
	_ =	strace $0x8000004B  }
0xb3: {  	_ =	swait.ge [sflag:s29], $0x1  }
0xb4: {  	[sflag:s29] =	ssyncadd.s32 $0xFFFFFFFF  }
0xb5: {  	_ =	strace $0x9000004B  }
0xb6: {  	_ =	sfence  }
0xb7: {  	s30 =	sld [smem:$0x0];
	_ =	sdelay $0x2  }
0xb8: {  	s31 =	sshll.u32 s1, $0xD;
	s1 =	sshrl.u32 s1, $0x2  }
0xb9: {  	s3 =	sand.u32 $0x4000, s31;
	s1 =	sadd.s32 s1, s30  }
0xba: {  	s0 =	sor.u32 s3, s0;
	s1 =	sshll.u32 s1, $0x11  }
0xbb: {  	s0 =	sor.u32 s1, s0  }
0xbc: {  	s0 =	sadd.s32 $0x8F2B, s0  }
0xbd: {  	[sflag:s0] =	ssyncadd.remote.s32 $0x1  }
0xbe: {  	_ =	sfence.sel $0xFFFF  }
0xbf: {  	[dreg:$0x0] =	wrdreg $0xFFFFFFFF;
	(pc) =	sbr.abs _section_cstart, $3  }
0xc0: {  	[dreg:$0x1] =	wrdreg $0xFFFFFFFF  }
0xc1: {  	_ =	task.clear_ibuf [dreg:s6], $0x2FFFF;
	_ =	strace $0x9FFFFFFF  }
0xc2: {  	(tm) =	ssettm $0x7FFFFFFF  }
0xc3: {  	_ =	shalt  }
tec
execute0_lowered:
.L_overlay_start_1:
0x0: {  	(tag) =	ssettag $0x1  }
0x1: {  	s0 =	rddreg [dreg:$0x0]  }
0x2: {  	s1 =	rddreg [dreg:$0x1];
	s2 =	srdreg.scid  }
0x3: {  	s3 =	simm.s32 $0x0;
	s6 =	stileid.u32;
	s31 =	simm.s32 $0x16800  }
0x4: {  	s2 =	sand.u32 $0x1, s2;
	[smem:$0x7FF] =	sst s3;
	s5 =	smul.u32 $0x14000, s6  }
0x5: {  	s11 =	sadd.s32 $0xC400, s0;
	s14 =	smul.u32 $0x50000, s6;
	s6 =	sshll.u32 s6, $0x1  }
0x6: {  	s4 =	smul.u32 $0x140000, s2;
	s15 =	ssub.s32 $0x2, s2;
	s2 =	sor.u32 s2, s6  }
0x7: {  	s12 =	sadd.s32 $0x1E00, s0;
	s13 =	sadd.s32 $0xBE00, s0;
	s2 =	smul.u32 $0x2800, s2  }
0x8: {  	_ =	strace $0x8000004A;
	[dreg:$0x3] =	wrdreg s13;
	s7 =	sshrl.u32 s15, $0x1  }
0x9: {  	s4 =	sadd.s32 s5, s4;
	s5 =	sshrl.u32 s14, $0x2;
	s2 =	sshrl.u32 s2, $0x3  }
0xa: {  	s14 =	simm.s32 $0x1A800;
	s4 =	sshrl.u32 s4, $0x3;
	s13 =	sadd.s32 s11, s2  }
0xb: {  	s16 =	sadd.s32 s12, s2;
	s2 =	sadd.s32 $0x280, s2;
	[dreg:$0x4] =	wrdreg s13  }
0xc: {  	s5 =	sadd.s32 s5, s1;
	[dreg:$0x5] =	wrdreg s16;
	s11 =	sadd.s32 s11, s2  }
0xd: {  	s0 =	sadd.s32 s4, s0;
	s2 =	sadd.s32 s12, s2;
	[dreg:$0x6] =	wrdreg s11  }
0xe: {  	s4 =	ssub.s32 s15, s7;
	s17 =	sadd.s32 $0x3D600, s0;
	[dreg:$0x7] =	wrdreg s2  }
0xf: {  	s6 =	sadd.s32 $0x2000, s5;
	s18 =	sadd.s32 $0x3DA00, s0;
	[dreg:$0x8] =	wrdreg s17  }
0x10: {  	s7 =	sadd.s32 $0x4000, s5;
	s19 =	sadd.s32 $0x3DE00, s0;
	[dreg:$0x9] =	wrdreg s18  }
0x11: {  	s8 =	sadd.s32 $0x6000, s5;
	s20 =	sadd.s32 $0x3E200, s0;
	[dreg:$0xa] =	wrdreg s19  }
0x12: {  	s9 =	sadd.s32 $0x8000, s5;
	s21 =	sadd.s32 $0x3E600, s0;
	[dreg:$0xb] =	wrdreg s20  }
0x13: {  	s10 =	sadd.s32 $0xA000, s5;
	s22 =	sadd.s32 $0x3EA00, s0;
	[dreg:$0xc] =	wrdreg s21  }
0x14: {  	s28 =	sadd.s32 $0xE000, s5;
	s23 =	sadd.s32 $0x3EE00, s0;
	[dreg:$0xd] =	wrdreg s22  }
0x15: {  	s29 =	sadd.s32 $0x10000, s5;
	s24 =	sadd.s32 $0x3F200, s0;
	[dreg:$0xe] =	wrdreg s23  }
0x16: {  	s30 =	sadd.s32 $0x12000, s5;
	s25 =	sadd.s32 $0x3F600, s0;
	[dreg:$0xf] =	wrdreg s24  }
0x17: {  	s15 =	simm.s32 $0x1C800;
	s0 =	sadd.s32 $0x3FA00, s0;
	[dreg:$0x10] =	wrdreg s25  }
0x18: {  	s26 =	smax.u32 s4, $0x1;
	s13 =	simm.s32 $0x18800;
	[dreg:$0x11] =	wrdreg s0  }
0x19: {  	s16 =	simm.s32 $0x1;
	[dreg:$0x12] =	wrdreg s26;
	s26 =	sadd.s32 $0xC000, s5  }
0x1a: {  	s0 =	simm.s32 $0x5;
	s2 =	simm.s32 $0x14000;
	s11 =	simm.s32 $0x40  }
0x1b: {  	s17 =	simm.s32 $0x3;
	s18 =	simm.s32 $0x80;
	s19 =	simm.s32 $0x2  }
0x1c: {  	s20 =	simm.s32 $0x4;
	s24 =	simm.s32 $0x16780;
	s25 =	simm.s32 $0x0  }
.LBB2_1:
0x1d: {  	s4 =	rddreg [dreg:$0x3]  }
0x1e: {  	[tilespmem:s31], [sflag:$0x5] =	stream.linear.gather [hbm4b:s4+s3], $0x2000, $0x38;
	[tilespmem:$0x1E800] =	vst v63  }
0x1f: {  	_ =	swait.ge [sflag:s0], $0x2000  }
0x20: {  	[sflag:s0] =	ssyncset.done $0x0  }
0x21: {  	[sflag:s0] =	ssyncadd.s32 $0xFFFFE000  }
0x22: {  	[spmem:s5] =	stream.linear.scatter [tilespmem:s31], [sflag:$0x5], $0x2000, $0x38;
	[tilespmem:$0x1E800] =	vst v63  }
0x23: {  	_ =	swait.ge [sflag:s0], $0x2000  }
0x24: {  	[sflag:s0] =	ssyncset.done $0x0  }
0x25: {  	[sflag:s0] =	ssyncadd.s32 $0xFFFFE000  }
0x26: {  	[spmem:s6] =	stream.linear.scatter [tilespmem:s31], [sflag:$0x5], $0x2000, $0x38;
	[tilespmem:$0x1E800] =	vst v63  }
0x27: {  	_ =	swait.ge [sflag:s0], $0x2000  }
0x28: {  	[sflag:s0] =	ssyncset.done $0x0  }
0x29: {  	[sflag:s0] =	ssyncadd.s32 $0xFFFFE000  }
0x2a: {  	[spmem:s7] =	stream.linear.scatter [tilespmem:s31], [sflag:$0x5], $0x2000, $0x38;
	[tilespmem:$0x1E800] =	vst v63  }
0x2b: {  	_ =	swait.ge [sflag:s0], $0x2000  }
0x2c: {  	[sflag:s0] =	ssyncset.done $0x0  }
0x2d: {  	[sflag:s0] =	ssyncadd.s32 $0xFFFFE000  }
0x2e: {  	[spmem:s8] =	stream.linear.scatter [tilespmem:s31], [sflag:$0x5], $0x2000, $0x38;
	[tilespmem:$0x1E800] =	vst v63  }
0x2f: {  	_ =	swait.ge [sflag:s0], $0x2000  }
0x30: {  	[sflag:s0] =	ssyncset.done $0x0  }
0x31: {  	[sflag:s0] =	ssyncadd.s32 $0xFFFFE000  }
0x32: {  	[spmem:s9] =	stream.linear.scatter [tilespmem:s31], [sflag:$0x5], $0x2000, $0x38;
	[tilespmem:$0x1E800] =	vst v63  }
0x33: {  	_ =	swait.ge [sflag:s0], $0x2000  }
0x34: {  	[sflag:s0] =	ssyncset.done $0x0  }
0x35: {  	[sflag:s0] =	ssyncadd.s32 $0xFFFFE000  }
0x36: {  	[spmem:s10] =	stream.linear.scatter [tilespmem:s31], [sflag:$0x5], $0x2000, $0x38;
	[tilespmem:$0x1E800] =	vst v63  }
0x37: {  	_ =	swait.ge [sflag:s0], $0x2000  }
0x38: {  	[sflag:s0] =	ssyncset.done $0x0  }
0x39: {  	[sflag:s0] =	ssyncadd.s32 $0xFFFFE000  }
0x3a: {  	[spmem:s26] =	stream.linear.scatter [tilespmem:s31], [sflag:$0x5], $0x2000, $0x38;
	[tilespmem:$0x1E800] =	vst v63  }
0x3b: {  	_ =	swait.ge [sflag:s0], $0x2000  }
0x3c: {  	[sflag:s0] =	ssyncset.done $0x0  }
0x3d: {  	[sflag:s0] =	ssyncadd.s32 $0xFFFFE000  }
0x3e: {  	[spmem:s28] =	stream.linear.scatter [tilespmem:s31], [sflag:$0x5], $0x2000, $0x38;
	[tilespmem:$0x1E800] =	vst v63  }
0x3f: {  	_ =	swait.ge [sflag:s0], $0x2000  }
0x40: {  	[sflag:s0] =	ssyncset.done $0x0  }
0x41: {  	[sflag:s0] =	ssyncadd.s32 $0xFFFFE000  }
0x42: {  	[spmem:s29] =	stream.linear.scatter [tilespmem:s31], [sflag:$0x5], $0x2000, $0x38;
	[tilespmem:$0x1E800] =	vst v63  }
0x43: {  	_ =	swait.ge [sflag:s0], $0x2000  }
0x44: {  	[sflag:s0] =	ssyncset.done $0x0  }
0x45: {  	[sflag:s0] =	ssyncadd.s32 $0xFFFFE000  }
0x46: {  	[spmem:s30] =	stream.linear.scatter [tilespmem:s31], [sflag:$0x5], $0x2000, $0x38;
	[tilespmem:$0x1E800] =	vst v63  }
0x47: {  	_ =	swait.ge [sflag:s0], $0x2000  }
0x48: {  	[sflag:s0] =	ssyncset.done $0x0  }
0x49: {  	[sflag:s0] =	ssyncadd.s32 $0xFFFFE000  }
0x4a: {  	[bflag:$0x0] =	sbarrier.arrive $0xFFFF  }
0x4b: {  	s22 =	rddreg [dreg:$0x4]  }
0x4c: {  	[tilespmem:s2], [sflag:$0x5] =	stream.linear.gather [hbm4b:s22+s3], $0x1400, $0x38;
	[tilespmem:$0x1E800] =	vst v63  }
0x4d: {  	_ =	swait.ge [sflag:s0], $0x1400  }
0x4e: {  	[sflag:s0] =	ssyncset.done $0x0  }
0x4f: {  	s12 =	simm.s32 $0x15400;
	s23 =	rddreg [dreg:$0x5];
	[sflag:s0] =	ssyncadd.s32 $0xFFFFEC00  }
0x50: {  	[tilespmem:s12], [sflag:$0x5] =	stream.linear.gather [hbm4b:s23+s3], $0x1400, $0x38;
	[tilespmem:$0x1E800] =	vst v63  }
0x51: {  	_ =	swait.ge [sflag:s0], $0x1400  }
0x52: {  	[sflag:s0] =	ssyncset.done $0x0  }
0x53: {  	[sflag:s0] =	ssyncadd.s32 $0xFFFFEC00  }
0x54: {  	[tilespmem:s31], [sflag:$0x1] =	stream.indirect.gather [spmem:s1], $0x80, s2, s11, $0xb8;
	[tilespmem:$0x1E800] =	vst v63  }
0x55: {  	s21 =	simm.s32 $0x14040  }
0x56: {  	[tilespmem:s13], [sflag:$0x3] =	stream.indirect.gather [spmem:s1], $0x80, s21, s11, $0xb8;
	[tilespmem:$0x1E800] =	vst v63  }
0x57: {  	s22 =	simm.s32 $0x14080  }
0x58: {  	[tilespmem:s14], [sflag:$0x2] =	stream.indirect.gather [spmem:s1], $0x80, s22, s11, $0xb8;
	[tilespmem:$0x1E800] =	vst v63  }
0x59: {  	s23 =	simm.s32 $0x140C0  }
0x5a: {  	[tilespmem:s15], [sflag:$0x4] =	stream.indirect.gather [spmem:s1], $0x80, s23, s11, $0xb8;
	[tilespmem:$0x1E800] =	vst v63  }
0x5b: {  	_ =	swait.ge [sflag:s16], $0x2000  }
0x5c: {  	[sflag:s16] =	ssyncset.done $0x0  }
0x5d: {  	[sflag:s16] =	ssyncadd.s32 $0xFFFFE000  }
0x5e: {  	_ =	swait.ge [sflag:s17], $0x2000  }
0x5f: {  	[sflag:s17] =	ssyncset.done $0x0  }
0x60: {  	s12 =	simm.s32 $0x15400;
	[sflag:s17] =	ssyncadd.s32 $0xFFFFE000  }
0x61: {  	[spmem:s1] =	stream.indirect.scatter.add.f32 [tilespmem:s31], [sflag:$0x5], $0x80, s12, s18, $0xb8;
	[tilespmem:$0x1E800] =	vst v63  }
0x62: {  	_ =	swait.ge [sflag:s0], $0x4000  }
0x63: {  	[sflag:s0] =	ssyncset.done $0x0  }
0x64: {  	s21 =	simm.s32 $0x14100;
	[sflag:s0] =	ssyncadd.s32 $0xFFFFC000  }
0x65: {  	[tilespmem:s31], [sflag:$0x1] =	stream.indirect.gather [spmem:s1], $0x80, s21, s11, $0xb8;
	[tilespmem:$0x1E800] =	vst v63  }
0x66: {  	s22 =	simm.s32 $0x14140  }
0x67: {  	[tilespmem:s13], [sflag:$0x3] =	stream.indirect.gather [spmem:s1], $0x80, s22, s11, $0xb8;
	[tilespmem:$0x1E800] =	vst v63  }
0x68: {  	_ =	swait.ge [sflag:s19], $0x2000  }
0x69: {  	[sflag:s19] =	ssyncset.done $0x0  }
0x6a: {  	[sflag:s19] =	ssyncadd.s32 $0xFFFFE000  }
0x6b: {  	_ =	swait.ge [sflag:s20], $0x2000  }
0x6c: {  	[sflag:s20] =	ssyncset.done $0x0  }
0x6d: {  	s23 =	simm.s32 $0x15480;
	[sflag:s20] =	ssyncadd.s32 $0xFFFFE000  }
0x6e: {  	[spmem:s1] =	stream.indirect.scatter.add.f32 [tilespmem:s14], [sflag:$0x5], $0x80, s23, s18, $0xb8;
	[tilespmem:$0x1E800] =	vst v63  }
0x6f: {  	_ =	swait.ge [sflag:s0], $0x4000  }
0x70: {  	s4 =	simm.s32 $0x100;
	s12 =	simm.s32 $0x800;
	[sflag:s0] =	ssyncset.done $0x0  }
.LBB2_2:
0x71: {  	s21 =	sadd.s32 $0x14080, s4  }
0x72: {  	[sflag:s0] =	ssyncadd.s32 $0xFFFFC000;
	s22 =	smov.u32 s12;
	s23 =	sadd.s32 $0x400, s12  }
0x73: {  	[tilespmem:s14], [sflag:$0x2] =	stream.indirect.gather [spmem:s1], $0x80, s21, s11, $0xb8;
	[tilespmem:$0x1E800] =	vst v63  }
0x74: {  	p0 =	sne.s32 s12, $0x4800;
	s12 =	sadd.s32 $0x140C0, s4  }
0x75: {  	[tilespmem:s15], [sflag:$0x4] =	stream.indirect.gather [spmem:s1], $0x80, s12, s11, $0xb8;
	[tilespmem:$0x1E800] =	vst v63  }
0x76: {  	_ =	swait.ge [sflag:s16], $0x2000  }
0x77: {  	[sflag:s16] =	ssyncset.done $0x0  }
0x78: {  	[sflag:s16] =	ssyncadd.s32 $0xFFFFE000  }
0x79: {  	_ =	swait.ge [sflag:s17], $0x2000  }
0x7a: {  	[sflag:s17] =	ssyncset.done $0x0  }
0x7b: {  	s12 =	sadd.s32 $0x15400, s4;
	[sflag:s17] =	ssyncadd.s32 $0xFFFFE000  }
0x7c: {  	[spmem:s1] =	stream.indirect.scatter.add.f32 [tilespmem:s31], [sflag:$0x5], $0x80, s12, s18, $0xb8;
	[tilespmem:$0x1E800] =	vst v63  }
0x7d: {  	_ =	swait.ge [sflag:s0], $0x4000  }
0x7e: {  	[sflag:s0] =	ssyncset.done $0x0  }
0x7f: {  	s12 =	sadd.s32 $0x14100, s4;
	[sflag:s0] =	ssyncadd.s32 $0xFFFFC000  }
0x80: {  	[tilespmem:s31], [sflag:$0x1] =	stream.indirect.gather [spmem:s1], $0x80, s12, s11, $0xb8;
	[tilespmem:$0x1E800] =	vst v63  }
0x81: {  	s12 =	sadd.s32 $0x14140, s4  }
0x82: {  	[tilespmem:s13], [sflag:$0x3] =	stream.indirect.gather [spmem:s1], $0x80, s12, s11, $0xb8;
	[tilespmem:$0x1E800] =	vst v63  }
0x83: {  	_ =	swait.ge [sflag:s19], $0x2000  }
0x84: {  	[sflag:s19] =	ssyncset.done $0x0  }
0x85: {  	[sflag:s19] =	ssyncadd.s32 $0xFFFFE000  }
0x86: {  	_ =	swait.ge [sflag:s20], $0x2000  }
.Ltmp0:
0x87: {  	[sflag:s20] =	ssyncset.done $0x0;
	(pc) =	sbr.rel @p0 .LBB2_2-.Ltmp0, $4  }
0x88: {  	s4 =	sadd.s32 $0x15480, s4;
	[sflag:s20] =	ssyncadd.s32 $0xFFFFE000  }
0x89: {  	[spmem:s1] =	stream.indirect.scatter.add.f32 [tilespmem:s14], [sflag:$0x5], $0x80, s4, s18, $0xb8;
	[tilespmem:$0x1E800] =	vst v63  }
0x8a: {  	_ =	swait.ge [sflag:s0], $0x4000  }
0x8b: {  	s12 =	smov.u32 s23;
	s4 =	sshra.s32 s22, $0x2;
	[sflag:s0] =	ssyncset.done $0x0  }
0x8c: {  	s12 =	sadd.s32 $0x14080, s4;
	[sflag:s0] =	ssyncadd.s32 $0xFFFFC000  }
0x8d: {  	[tilespmem:s14], [sflag:$0x2] =	stream.indirect.gather [spmem:s1], $0x80, s12, s11, $0xb8;
	[tilespmem:$0x1E800] =	vst v63  }
0x8e: {  	s21 =	sadd.s32 $0x140C0, s4  }
0x8f: {  	[tilespmem:s15], [sflag:$0x4] =	stream.indirect.gather [spmem:s1], $0x80, s21, s11, $0xb8;
	[tilespmem:$0x1E800] =	vst v63  }
0x90: {  	_ =	swait.ge [sflag:s16], $0x2000  }
0x91: {  	[sflag:s16] =	ssyncset.done $0x0  }
0x92: {  	[sflag:s16] =	ssyncadd.s32 $0xFFFFE000  }
0x93: {  	_ =	swait.ge [sflag:s17], $0x2000  }
0x94: {  	[sflag:s17] =	ssyncset.done $0x0  }
0x95: {  	s22 =	sadd.s32 $0x15400, s4;
	[sflag:s17] =	ssyncadd.s32 $0xFFFFE000  }
0x96: {  	[spmem:s1] =	stream.indirect.scatter.add.f32 [tilespmem:s31], [sflag:$0x5], $0x80, s22, s18, $0xb8;
	[tilespmem:$0x1E800] =	vst v63  }
0x97: {  	_ =	swait.ge [sflag:s0], $0x4000  }
0x98: {  	[sflag:s0] =	ssyncset.done $0x0  }
0x99: {  	s23 =	sadd.s32 $0x14100, s4;
	[sflag:s0] =	ssyncadd.s32 $0xFFFFC000  }
0x9a: {  	[tilespmem:s31], [sflag:$0x1] =	stream.indirect.gather [spmem:s1], $0x80, s23, s11, $0xb8;
	[tilespmem:$0x1E800] =	vst v63  }
0x9b: {  	s21 =	sadd.s32 $0x14140, s4  }
0x9c: {  	[tilespmem:s13], [sflag:$0x3] =	stream.indirect.gather [spmem:s1], $0x80, s21, s11, $0xb8;
	[tilespmem:$0x1E800] =	vst v63  }
0x9d: {  	_ =	swait.ge [sflag:s19], $0x2000  }
0x9e: {  	[sflag:s19] =	ssyncset.done $0x0  }
0x9f: {  	[sflag:s19] =	ssyncadd.s32 $0xFFFFE000  }
0xa0: {  	_ =	swait.ge [sflag:s20], $0x2000  }
0xa1: {  	[sflag:s20] =	ssyncset.done $0x0  }
0xa2: {  	s22 =	sadd.s32 $0x15480, s4;
	[sflag:s20] =	ssyncadd.s32 $0xFFFFE000  }
0xa3: {  	[spmem:s1] =	stream.indirect.scatter.add.f32 [tilespmem:s14], [sflag:$0x5], $0x80, s22, s18, $0xb8;
	[tilespmem:$0x1E800] =	vst v63  }
0xa4: {  	_ =	swait.ge [sflag:s0], $0x4000  }
0xa5: {  	[sflag:s0] =	ssyncset.done $0x0  }
0xa6: {  	s23 =	simm.s32 $0x15380;
	[sflag:s0] =	ssyncadd.s32 $0xFFFFC000  }
0xa7: {  	[tilespmem:s14], [sflag:$0x2] =	stream.indirect.gather [spmem:s1], $0x80, s23, s11, $0xb8;
	[tilespmem:$0x1E800] =	vst v63  }
0xa8: {  	s12 =	simm.s32 $0x153C0  }
0xa9: {  	[tilespmem:s15], [sflag:$0x4] =	stream.indirect.gather [spmem:s1], $0x80, s12, s11, $0xb8;
	[tilespmem:$0x1E800] =	vst v63  }
0xaa: {  	_ =	swait.ge [sflag:s16], $0x2000  }
0xab: {  	[sflag:s16] =	ssyncset.done $0x0  }
0xac: {  	[sflag:s16] =	ssyncadd.s32 $0xFFFFE000  }
0xad: {  	_ =	swait.ge [sflag:s17], $0x2000  }
0xae: {  	[sflag:s17] =	ssyncset.done $0x0  }
0xaf: {  	s21 =	simm.s32 $0x16700;
	[sflag:s17] =	ssyncadd.s32 $0xFFFFE000  }
0xb0: {  	[spmem:s1] =	stream.indirect.scatter.add.f32 [tilespmem:s31], [sflag:$0x5], $0x80, s21, s18, $0xb8;
	[tilespmem:$0x1E800] =	vst v63  }
0xb1: {  	_ =	swait.ge [sflag:s0], $0x4000  }
0xb2: {  	[sflag:s0] =	ssyncset.done $0x0  }
0xb3: {  	[sflag:s0] =	ssyncadd.s32 $0xFFFFC000  }
0xb4: {  	_ =	swait.ge [sflag:s19], $0x2000  }
0xb5: {  	[sflag:s19] =	ssyncset.done $0x0  }
0xb6: {  	[sflag:s19] =	ssyncadd.s32 $0xFFFFE000  }
0xb7: {  	_ =	swait.ge [sflag:s20], $0x2000  }
0xb8: {  	[sflag:s20] =	ssyncset.done $0x0  }
0xb9: {  	[sflag:s20] =	ssyncadd.s32 $0xFFFFE000  }
0xba: {  	[spmem:s1] =	stream.indirect.scatter.add.f32 [tilespmem:s14], [sflag:$0x5], $0x80, s24, s18, $0xb8;
	[tilespmem:$0x1E800] =	vst v63  }
0xbb: {  	_ =	swait.ge [sflag:s0], $0x4000  }
0xbc: {  	[sflag:s0] =	ssyncset.done $0x0  }
0xbd: {  	s4 =	simm.s32 $0x0;
	s22 =	rddreg [dreg:$0x6];
	[sflag:s0] =	ssyncadd.s32 $0xFFFFC000  }
0xbe: {  	[tilespmem:s2], [sflag:$0x5] =	stream.linear.gather [hbm4b:s22+s4], $0x1400, $0x38;
	[tilespmem:$0x1E800] =	vst v63  }
0xbf: {  	_ =	swait.ge [sflag:s0], $0x1400  }
0xc0: {  	[sflag:s0] =	ssyncset.done $0x0  }
0xc1: {  	s21 =	simm.s32 $0x15400;
	s23 =	rddreg [dreg:$0x7];
	[sflag:s0] =	ssyncadd.s32 $0xFFFFEC00  }
0xc2: {  	[tilespmem:s21], [sflag:$0x5] =	stream.linear.gather [hbm4b:s23+s4], $0x1400, $0x38;
	[tilespmem:$0x1E800] =	vst v63  }
0xc3: {  	_ =	swait.ge [sflag:s0], $0x1400  }
0xc4: {  	[sflag:s0] =	ssyncset.done $0x0  }
0xc5: {  	[sflag:s0] =	ssyncadd.s32 $0xFFFFEC00  }
0xc6: {  	[tilespmem:s31], [sflag:$0x1] =	stream.indirect.gather [spmem:s1], $0x80, s2, s11, $0xb8;
	[tilespmem:$0x1E800] =	vst v63  }
0xc7: {  	s21 =	simm.s32 $0x14040  }
0xc8: {  	[tilespmem:s13], [sflag:$0x3] =	stream.indirect.gather [spmem:s1], $0x80, s21, s11, $0xb8;
	[tilespmem:$0x1E800] =	vst v63  }
0xc9: {  	s22 =	simm.s32 $0x14080  }
0xca: {  	[tilespmem:s14], [sflag:$0x2] =	stream.indirect.gather [spmem:s1], $0x80, s22, s11, $0xb8;
	[tilespmem:$0x1E800] =	vst v63  }
0xcb: {  	s23 =	simm.s32 $0x140C0  }
0xcc: {  	[tilespmem:s15], [sflag:$0x4] =	stream.indirect.gather [spmem:s1], $0x80, s23, s11, $0xb8;
	[tilespmem:$0x1E800] =	vst v63  }
0xcd: {  	_ =	swait.ge [sflag:s16], $0x2000  }
0xce: {  	[sflag:s16] =	ssyncset.done $0x0  }
0xcf: {  	[sflag:s16] =	ssyncadd.s32 $0xFFFFE000  }
0xd0: {  	_ =	swait.ge [sflag:s17], $0x2000  }
0xd1: {  	[sflag:s17] =	ssyncset.done $0x0  }
0xd2: {  	s12 =	simm.s32 $0x15400;
	[sflag:s17] =	ssyncadd.s32 $0xFFFFE000  }
0xd3: {  	[spmem:s1] =	stream.indirect.scatter.add.f32 [tilespmem:s31], [sflag:$0x5], $0x80, s12, s18, $0xb8;
	[tilespmem:$0x1E800] =	vst v63  }
0xd4: {  	_ =	swait.ge [sflag:s0], $0x4000  }
0xd5: {  	[sflag:s0] =	ssyncset.done $0x0  }
0xd6: {  	s21 =	simm.s32 $0x14100;
	[sflag:s0] =	ssyncadd.s32 $0xFFFFC000  }
0xd7: {  	[tilespmem:s31], [sflag:$0x1] =	stream.indirect.gather [spmem:s1], $0x80, s21, s11, $0xb8;
	[tilespmem:$0x1E800] =	vst v63  }
0xd8: {  	s22 =	simm.s32 $0x14140  }
0xd9: {  	[tilespmem:s13], [sflag:$0x3] =	stream.indirect.gather [spmem:s1], $0x80, s22, s11, $0xb8;
	[tilespmem:$0x1E800] =	vst v63  }
0xda: {  	_ =	swait.ge [sflag:s19], $0x2000  }
0xdb: {  	[sflag:s19] =	ssyncset.done $0x0  }
0xdc: {  	[sflag:s19] =	ssyncadd.s32 $0xFFFFE000  }
0xdd: {  	_ =	swait.ge [sflag:s20], $0x2000  }
0xde: {  	[sflag:s20] =	ssyncset.done $0x0  }
0xdf: {  	s23 =	simm.s32 $0x15480;
	[sflag:s20] =	ssyncadd.s32 $0xFFFFE000  }
0xe0: {  	[spmem:s1] =	stream.indirect.scatter.add.f32 [tilespmem:s14], [sflag:$0x5], $0x80, s23, s18, $0xb8;
	[tilespmem:$0x1E800] =	vst v63  }
0xe1: {  	_ =	swait.ge [sflag:s0], $0x4000  }
0xe2: {  	s4 =	simm.s32 $0x100;
	s12 =	simm.s32 $0x800;
	[sflag:s0] =	ssyncset.done $0x0  }
.LBB2_4:
0xe3: {  	s21 =	sadd.s32 $0x14080, s4  }
0xe4: {  	[sflag:s0] =	ssyncadd.s32 $0xFFFFC000;
	s22 =	smov.u32 s12;
	s23 =	sadd.s32 $0x400, s12  }
0xe5: {  	[tilespmem:s14], [sflag:$0x2] =	stream.indirect.gather [spmem:s1], $0x80, s21, s11, $0xb8;
	[tilespmem:$0x1E800] =	vst v63  }
0xe6: {  	p0 =	sne.s32 s12, $0x4800;
	s12 =	sadd.s32 $0x140C0, s4  }
0xe7: {  	[tilespmem:s15], [sflag:$0x4] =	stream.indirect.gather [spmem:s1], $0x80, s12, s11, $0xb8;
	[tilespmem:$0x1E800] =	vst v63  }
0xe8: {  	_ =	swait.ge [sflag:s16], $0x2000  }
0xe9: {  	[sflag:s16] =	ssyncset.done $0x0  }
0xea: {  	[sflag:s16] =	ssyncadd.s32 $0xFFFFE000  }
0xeb: {  	_ =	swait.ge [sflag:s17], $0x2000  }
0xec: {  	[sflag:s17] =	ssyncset.done $0x0  }
0xed: {  	s12 =	sadd.s32 $0x15400, s4;
	[sflag:s17] =	ssyncadd.s32 $0xFFFFE000  }
0xee: {  	[spmem:s1] =	stream.indirect.scatter.add.f32 [tilespmem:s31], [sflag:$0x5], $0x80, s12, s18, $0xb8;
	[tilespmem:$0x1E800] =	vst v63  }
0xef: {  	_ =	swait.ge [sflag:s0], $0x4000  }
0xf0: {  	[sflag:s0] =	ssyncset.done $0x0  }
0xf1: {  	s12 =	sadd.s32 $0x14100, s4;
	[sflag:s0] =	ssyncadd.s32 $0xFFFFC000  }
0xf2: {  	[tilespmem:s31], [sflag:$0x1] =	stream.indirect.gather [spmem:s1], $0x80, s12, s11, $0xb8;
	[tilespmem:$0x1E800] =	vst v63  }
0xf3: {  	s12 =	sadd.s32 $0x14140, s4  }
0xf4: {  	[tilespmem:s13], [sflag:$0x3] =	stream.indirect.gather [spmem:s1], $0x80, s12, s11, $0xb8;
	[tilespmem:$0x1E800] =	vst v63  }
0xf5: {  	_ =	swait.ge [sflag:s19], $0x2000  }
0xf6: {  	[sflag:s19] =	ssyncset.done $0x0  }
0xf7: {  	[sflag:s19] =	ssyncadd.s32 $0xFFFFE000  }
0xf8: {  	_ =	swait.ge [sflag:s20], $0x2000  }
.Ltmp1:
0xf9: {  	[sflag:s20] =	ssyncset.done $0x0;
	(pc) =	sbr.rel @p0 .LBB2_4-.Ltmp1, $4  }
0xfa: {  	s4 =	sadd.s32 $0x15480, s4;
	[sflag:s20] =	ssyncadd.s32 $0xFFFFE000  }
0xfb: {  	[spmem:s1] =	stream.indirect.scatter.add.f32 [tilespmem:s14], [sflag:$0x5], $0x80, s4, s18, $0xb8;
	[tilespmem:$0x1E800] =	vst v63  }
0xfc: {  	_ =	swait.ge [sflag:s0], $0x4000  }
0xfd: {  	s12 =	smov.u32 s23;
	s4 =	sshra.s32 s22, $0x2;
	[sflag:s0] =	ssyncset.done $0x0  }
0xfe: {  	s12 =	sadd.s32 $0x14080, s4;
	[sflag:s0] =	ssyncadd.s32 $0xFFFFC000  }
0xff: {  	[tilespmem:s14], [sflag:$0x2] =	stream.indirect.gather [spmem:s1], $0x80, s12, s11, $0xb8;
	[tilespmem:$0x1E800] =	vst v63  }
0x100: {  	s23 =	sadd.s32 $0x140C0, s4  }
0x101: {  	[tilespmem:s15], [sflag:$0x4] =	stream.indirect.gather [spmem:s1], $0x80, s23, s11, $0xb8;
	[tilespmem:$0x1E800] =	vst v63  }
0x102: {  	_ =	swait.ge [sflag:s16], $0x2000  }
0x103: {  	[sflag:s16] =	ssyncset.done $0x0  }
0x104: {  	[sflag:s16] =	ssyncadd.s32 $0xFFFFE000  }
0x105: {  	_ =	swait.ge [sflag:s17], $0x2000  }
0x106: {  	[sflag:s17] =	ssyncset.done $0x0  }
0x107: {  	s21 =	sadd.s32 $0x15400, s4;
	[sflag:s17] =	ssyncadd.s32 $0xFFFFE000  }
0x108: {  	[spmem:s1] =	stream.indirect.scatter.add.f32 [tilespmem:s31], [sflag:$0x5], $0x80, s21, s18, $0xb8;
	[tilespmem:$0x1E800] =	vst v63  }
0x109: {  	_ =	swait.ge [sflag:s0], $0x4000  }
0x10a: {  	[sflag:s0] =	ssyncset.done $0x0  }
0x10b: {  	s22 =	sadd.s32 $0x14100, s4;
	[sflag:s0] =	ssyncadd.s32 $0xFFFFC000  }
0x10c: {  	[tilespmem:s31], [sflag:$0x1] =	stream.indirect.gather [spmem:s1], $0x80, s22, s11, $0xb8;
	[tilespmem:$0x1E800] =	vst v63  }
0x10d: {  	s23 =	sadd.s32 $0x14140, s4  }
0x10e: {  	[tilespmem:s13], [sflag:$0x3] =	stream.indirect.gather [spmem:s1], $0x80, s23, s11, $0xb8;
	[tilespmem:$0x1E800] =	vst v63  }
0x10f: {  	_ =	swait.ge [sflag:s19], $0x2000  }
0x110: {  	[sflag:s19] =	ssyncset.done $0x0  }
0x111: {  	[sflag:s19] =	ssyncadd.s32 $0xFFFFE000  }
0x112: {  	_ =	swait.ge [sflag:s20], $0x2000  }
0x113: {  	[sflag:s20] =	ssyncset.done $0x0  }
0x114: {  	s21 =	sadd.s32 $0x15480, s4;
	[sflag:s20] =	ssyncadd.s32 $0xFFFFE000  }
0x115: {  	[spmem:s1] =	stream.indirect.scatter.add.f32 [tilespmem:s14], [sflag:$0x5], $0x80, s21, s18, $0xb8;
	[tilespmem:$0x1E800] =	vst v63  }
0x116: {  	_ =	swait.ge [sflag:s0], $0x4000  }
0x117: {  	[sflag:s0] =	ssyncset.done $0x0  }
0x118: {  	s22 =	simm.s32 $0x15380;
	[sflag:s0] =	ssyncadd.s32 $0xFFFFC000  }
0x119: {  	[tilespmem:s14], [sflag:$0x2] =	stream.indirect.gather [spmem:s1], $0x80, s22, s11, $0xb8;
	[tilespmem:$0x1E800] =	vst v63  }
0x11a: {  	s23 =	simm.s32 $0x153C0  }
0x11b: {  	[tilespmem:s15], [sflag:$0x4] =	stream.indirect.gather [spmem:s1], $0x80, s23, s11, $0xb8;
	[tilespmem:$0x1E800] =	vst v63  }
0x11c: {  	_ =	swait.ge [sflag:s16], $0x2000  }
0x11d: {  	[sflag:s16] =	ssyncset.done $0x0  }
0x11e: {  	[sflag:s16] =	ssyncadd.s32 $0xFFFFE000  }
0x11f: {  	_ =	swait.ge [sflag:s17], $0x2000  }
0x120: {  	[sflag:s17] =	ssyncset.done $0x0  }
0x121: {  	s12 =	simm.s32 $0x16700;
	[sflag:s17] =	ssyncadd.s32 $0xFFFFE000  }
0x122: {  	[spmem:s1] =	stream.indirect.scatter.add.f32 [tilespmem:s31], [sflag:$0x5], $0x80, s12, s18, $0xb8;
	[tilespmem:$0x1E800] =	vst v63  }
0x123: {  	_ =	swait.ge [sflag:s0], $0x4000  }
0x124: {  	[sflag:s0] =	ssyncset.done $0x0  }
0x125: {  	[sflag:s0] =	ssyncadd.s32 $0xFFFFC000  }
0x126: {  	_ =	swait.ge [sflag:s19], $0x2000  }
0x127: {  	[sflag:s19] =	ssyncset.done $0x0  }
0x128: {  	[sflag:s19] =	ssyncadd.s32 $0xFFFFE000  }
0x129: {  	_ =	swait.ge [sflag:s20], $0x2000  }
0x12a: {  	[sflag:s20] =	ssyncset.done $0x0  }
0x12b: {  	[sflag:s20] =	ssyncadd.s32 $0xFFFFE000  }
0x12c: {  	[spmem:s1] =	stream.indirect.scatter.add.f32 [tilespmem:s14], [sflag:$0x5], $0x80, s24, s18, $0xb8;
	[tilespmem:$0x1E800] =	vst v63  }
0x12d: {  	_ =	swait.ge [sflag:s0], $0x4000  }
0x12e: {  	[sflag:s0] =	ssyncset.done $0x0  }
0x12f: {  	[sflag:s0] =	ssyncadd.s32 $0xFFFFC000  }
0x130: {  	[bflag:$0x0] =	sbarrier.arrive $0xFFFF  }
0x131: {  	[tilespmem:s31], [sflag:$0x5] =	stream.linear.gather [spmem:s5], $0x2000, $0x38;
	[tilespmem:$0x1E800] =	vst v63  }
0x132: {  	_ =	swait.ge [sflag:s0], $0x2000  }
0x133: {  	[sflag:s0] =	ssyncset.done $0x0  }
0x134: {  	s21 =	rddreg [dreg:$0x8];
	[sflag:s0] =	ssyncadd.s32 $0xFFFFE000  }
0x135: {  	[hbm4b:s21+s3] =	stream.linear.scatter [tilespmem:s31], [sflag:$0x5], $0x2000, $0x38;
	[tilespmem:$0x1E800] =	vst v63  }
0x136: {  	_ =	swait.ge [sflag:s0], $0x2000  }
0x137: {  	[sflag:s0] =	ssyncset.done $0x0  }
0x138: {  	[sflag:s0] =	ssyncadd.s32 $0xFFFFE000  }
0x139: {  	[tilespmem:s31], [sflag:$0x5] =	stream.linear.gather [spmem:s6], $0x2000, $0x38;
	[tilespmem:$0x1E800] =	vst v63  }
0x13a: {  	_ =	swait.ge [sflag:s0], $0x2000  }
0x13b: {  	[sflag:s0] =	ssyncset.done $0x0  }
0x13c: {  	s22 =	rddreg [dreg:$0x9];
	[sflag:s0] =	ssyncadd.s32 $0xFFFFE000  }
0x13d: {  	[hbm4b:s22+s3] =	stream.linear.scatter [tilespmem:s31], [sflag:$0x5], $0x2000, $0x38;
	[tilespmem:$0x1E800] =	vst v63  }
0x13e: {  	_ =	swait.ge [sflag:s0], $0x2000  }
0x13f: {  	[sflag:s0] =	ssyncset.done $0x0  }
0x140: {  	[sflag:s0] =	ssyncadd.s32 $0xFFFFE000  }
0x141: {  	[tilespmem:s31], [sflag:$0x5] =	stream.linear.gather [spmem:s7], $0x2000, $0x38;
	[tilespmem:$0x1E800] =	vst v63  }
0x142: {  	_ =	swait.ge [sflag:s0], $0x2000  }
0x143: {  	[sflag:s0] =	ssyncset.done $0x0  }
0x144: {  	s23 =	rddreg [dreg:$0xa];
	[sflag:s0] =	ssyncadd.s32 $0xFFFFE000  }
0x145: {  	[hbm4b:s23+s3] =	stream.linear.scatter [tilespmem:s31], [sflag:$0x5], $0x2000, $0x38;
	[tilespmem:$0x1E800] =	vst v63  }
0x146: {  	_ =	swait.ge [sflag:s0], $0x2000  }
0x147: {  	[sflag:s0] =	ssyncset.done $0x0  }
0x148: {  	[sflag:s0] =	ssyncadd.s32 $0xFFFFE000  }
0x149: {  	[tilespmem:s31], [sflag:$0x5] =	stream.linear.gather [spmem:s8], $0x2000, $0x38;
	[tilespmem:$0x1E800] =	vst v63  }
0x14a: {  	_ =	swait.ge [sflag:s0], $0x2000  }
0x14b: {  	[sflag:s0] =	ssyncset.done $0x0  }
0x14c: {  	s12 =	rddreg [dreg:$0xb];
	[sflag:s0] =	ssyncadd.s32 $0xFFFFE000  }
0x14d: {  	[hbm4b:s12+s3] =	stream.linear.scatter [tilespmem:s31], [sflag:$0x5], $0x2000, $0x38;
	[tilespmem:$0x1E800] =	vst v63  }
0x14e: {  	_ =	swait.ge [sflag:s0], $0x2000  }
0x14f: {  	[sflag:s0] =	ssyncset.done $0x0  }
0x150: {  	[sflag:s0] =	ssyncadd.s32 $0xFFFFE000  }
0x151: {  	[tilespmem:s31], [sflag:$0x5] =	stream.linear.gather [spmem:s9], $0x2000, $0x38;
	[tilespmem:$0x1E800] =	vst v63  }
0x152: {  	_ =	swait.ge [sflag:s0], $0x2000  }
0x153: {  	[sflag:s0] =	ssyncset.done $0x0  }
0x154: {  	s21 =	rddreg [dreg:$0xc];
	[sflag:s0] =	ssyncadd.s32 $0xFFFFE000  }
0x155: {  	[hbm4b:s21+s3] =	stream.linear.scatter [tilespmem:s31], [sflag:$0x5], $0x2000, $0x38;
	[tilespmem:$0x1E800] =	vst v63  }
0x156: {  	_ =	swait.ge [sflag:s0], $0x2000  }
0x157: {  	[sflag:s0] =	ssyncset.done $0x0  }
0x158: {  	[sflag:s0] =	ssyncadd.s32 $0xFFFFE000  }
0x159: {  	[tilespmem:s31], [sflag:$0x5] =	stream.linear.gather [spmem:s10], $0x2000, $0x38;
	[tilespmem:$0x1E800] =	vst v63  }
0x15a: {  	_ =	swait.ge [sflag:s0], $0x2000  }
0x15b: {  	[sflag:s0] =	ssyncset.done $0x0  }
0x15c: {  	s22 =	rddreg [dreg:$0xd];
	[sflag:s0] =	ssyncadd.s32 $0xFFFFE000  }
0x15d: {  	[hbm4b:s22+s3] =	stream.linear.scatter [tilespmem:s31], [sflag:$0x5], $0x2000, $0x38;
	[tilespmem:$0x1E800] =	vst v63  }
0x15e: {  	_ =	swait.ge [sflag:s0], $0x2000  }
0x15f: {  	[sflag:s0] =	ssyncset.done $0x0  }
0x160: {  	[sflag:s0] =	ssyncadd.s32 $0xFFFFE000  }
0x161: {  	[tilespmem:s31], [sflag:$0x5] =	stream.linear.gather [spmem:s26], $0x2000, $0x38;
	[tilespmem:$0x1E800] =	vst v63  }
0x162: {  	_ =	swait.ge [sflag:s0], $0x2000  }
0x163: {  	[sflag:s0] =	ssyncset.done $0x0  }
0x164: {  	s23 =	rddreg [dreg:$0xe];
	[sflag:s0] =	ssyncadd.s32 $0xFFFFE000  }
0x165: {  	[hbm4b:s23+s3] =	stream.linear.scatter [tilespmem:s31], [sflag:$0x5], $0x2000, $0x38;
	[tilespmem:$0x1E800] =	vst v63  }
0x166: {  	_ =	swait.ge [sflag:s0], $0x2000  }
0x167: {  	[sflag:s0] =	ssyncset.done $0x0  }
0x168: {  	[sflag:s0] =	ssyncadd.s32 $0xFFFFE000  }
0x169: {  	[tilespmem:s31], [sflag:$0x5] =	stream.linear.gather [spmem:s28], $0x2000, $0x38;
	[tilespmem:$0x1E800] =	vst v63  }
0x16a: {  	_ =	swait.ge [sflag:s0], $0x2000  }
0x16b: {  	[sflag:s0] =	ssyncset.done $0x0  }
0x16c: {  	s12 =	rddreg [dreg:$0xf];
	[sflag:s0] =	ssyncadd.s32 $0xFFFFE000  }
0x16d: {  	[hbm4b:s12+s3] =	stream.linear.scatter [tilespmem:s31], [sflag:$0x5], $0x2000, $0x38;
	[tilespmem:$0x1E800] =	vst v63  }
0x16e: {  	_ =	swait.ge [sflag:s0], $0x2000  }
0x16f: {  	[sflag:s0] =	ssyncset.done $0x0  }
0x170: {  	[sflag:s0] =	ssyncadd.s32 $0xFFFFE000  }
0x171: {  	[tilespmem:s31], [sflag:$0x5] =	stream.linear.gather [spmem:s29], $0x2000, $0x38;
	[tilespmem:$0x1E800] =	vst v63  }
0x172: {  	_ =	swait.ge [sflag:s0], $0x2000  }
0x173: {  	[sflag:s0] =	ssyncset.done $0x0  }
0x174: {  	s21 =	rddreg [dreg:$0x10];
	[sflag:s0] =	ssyncadd.s32 $0xFFFFE000  }
0x175: {  	[hbm4b:s21+s3] =	stream.linear.scatter [tilespmem:s31], [sflag:$0x5], $0x2000, $0x38;
	[tilespmem:$0x1E800] =	vst v63  }
0x176: {  	_ =	swait.ge [sflag:s0], $0x2000  }
0x177: {  	[sflag:s0] =	ssyncset.done $0x0  }
0x178: {  	[sflag:s0] =	ssyncadd.s32 $0xFFFFE000  }
0x179: {  	[tilespmem:s31], [sflag:$0x5] =	stream.linear.gather [spmem:s30], $0x2000, $0x38;
	[tilespmem:$0x1E800] =	vst v63  }
0x17a: {  	_ =	swait.ge [sflag:s0], $0x2000  }
0x17b: {  	[sflag:s0] =	ssyncset.done $0x0  }
0x17c: {  	s22 =	rddreg [dreg:$0x11];
	[sflag:s0] =	ssyncadd.s32 $0xFFFFE000  }
0x17d: {  	[hbm4b:s22+s3] =	stream.linear.scatter [tilespmem:s31], [sflag:$0x5], $0x2000, $0x38;
	[tilespmem:$0x1E800] =	vst v63  }
0x17e: {  	_ =	swait.ge [sflag:s0], $0x2000  }
0x17f: {  	s25 =	sadd.s32 $0x1, s25;
	s23 =	rddreg [dreg:$0x12]  }
0x180: {  	p0 =	sne.s32 s25, s23  }
.Ltmp2:
0x181: {  	_ = 	snop;
	(pc) =	sbr.rel @p0 .LBB2_1-.Ltmp2, $3  }
0x182: {  	_ =	sdelay $0x1  }
0x183: {  	[sflag:s0] =	ssyncset.done $0x0  }
0x184: {  	[sflag:s0] =	ssyncadd.s32 $0xFFFFE000  }
0x185: {  	_ =	sfence.sel $0x180000  }
0x186: {  	[bflag:$0x0] =	sbarrier.arrive $0xFFFF  }
0x187: {  	_ =	strace $0x9000004A  }
0x188: {  	s0 =	stileid.u32;
	[bflag:$0x2] =	sbarrier.arrive $0xFFFF  }
0x189: {  	p0 =	sne.s32 s0, $0x0;
	s0 =	rddreg [dreg:$0x2]  }
0x18a: {  	s0 =	sadd.s32 @!p0 $0x100000, s0  }
0x18b: {  	[sflag:s0] =	ssyncadd.tile.s32 @!p0 $0x1;
	_ =	shalt  }
.Lfunc_end2:
_tile_overlayer_lowered:
.L_overlay_start_2:
0x18c: {  	(tag) =	ssettag $0x2  }
0x18d: {  	s0 =	rddreg [dreg:$0x0];
	s2 =	stileid.u32  }
0x18e: {  	s1 =	rddreg [dreg:$0x1];
	p0 =	sne.s32 s2, $0x0  }
0x18f: {  	s3 =	rddreg [dreg:$0x2];
	[bflag:$0x3] =	sbarrier.arrive $0xFFFF;
	s2 =	simm.s32 @!p0 $0x1C05  }
0x190: {  	[timem:s3], [sflag:s2] =	dma.local @!p0 [hbm:s0], s1  }
0x191: {  	s0 =	simm.s32 @!p0 $0x5  }
0x192: {  	_ =	swait.ge @!p0 [sflag:s0], s1  }
0x193: {  	s1 =	ssub.s32 @!p0 $0x0, s1;
	[sflag:s0] =	ssyncset.done @!p0 $0x0  }
0x194: {  	[sflag:s0] =	ssyncadd.s32 @!p0 s1  }
0x195: {  	[bflag:$0x3] =	sbarrier.arrive $0xFFFF  }
0x196: {  	_ =	shalt  }

// kernel: kernel.8.cloned.1.call-start
scs
__scs_entry_jumppad:
0x0: {  	(pc) =	sbr.rel $0x88, $3  }
0x1: {  	(tag) =	ssettag $0x0;
	lr =	simm.s32 $0x1  }
0x2: {  	[smem:$0x3F9B] =	sst lr;
	_ =	strace $0xD0000000  }
0x3: {  	_ = 	snop  }
0x4: {  	_ = 	snop  }
0x5: {  	_ = 	snop  }
0x6: {  	_ = 	snop  }
0x7: {  	_ = 	snop  }
__scs_overlays_trampoline_lowered:
0x8: {  	[smem:$0x3FAA] =	sst s0  }
0x9: {  	[smem:$0x3FAB] =	sst s1  }
0xa: {  	[smem:$0x3FAC] =	sst s2  }
0xb: {  	[smem:$0x3FAD] =	sst s3  }
0xc: {  	[smem:$0x3FAE] =	sst s4  }
0xd: {  	[smem:$0x3FAF] =	sst s5  }
0xe: {  	[smem:$0x3FB0] =	sst s6  }
0xf: {  	[smem:$0x3FB1] =	sst s7  }
0x10: {  	[smem:$0x3FB2] =	sst s8  }
0x11: {  	[smem:$0x3FB3] =	sst s9;
	s0 =	simm.s32 @!p0 $0x0  }
0x12: {  	s1 =	sld [smem:$0x3F99];
	s0 =	simm.s32 @p0 $0x1  }
0x13: {  	[smem:$0x3FB4] =	sst s0;
	s0 =	simm.s32 @!p1 $0x0  }
0x14: {  	s2 =	sld [smem:$0x3F98];
	s0 =	simm.s32 @p1 $0x1  }
0x15: {  	[smem:$0x3FB5] =	sst s0;
	s0 =	simm.s32 @!p2 $0x0  }
0x16: {  	s3 =	sld [smem:$0x3FDB];
	s0 =	simm.s32 @p2 $0x1  }
0x17: {  	s4 =	simm.s32 $0x1BF5;
	[smem:$0x3FB7] =	sst s0  }
0x18: {  	s0 =	sld [smem:$0x3F9A];
	_ =	swait.ge [sflag:s4], $0x0  }
0x19: {  	s7 =	sld [smem:$0x3F9B]  }
0x1a: {  	s8 =	sadd.s32 $0xFFFFE003, lr  }
0x1b: {  	s9 =	sadd.s32 $0xFFFFFEF7, lr;
	s5 =	simm.s32 $0xFFFFFFFF;
	p2 =	slt.u32 s8, $0xFFFFF086  }
0x1c: {  	p1 =	slt.u32 s9, $0xF7A;
	s5 =	simm.s32 @!p2 $0x0  }
0x1d: {  	s5 =	simm.s32 @p1 $0x1;
	p0 =	seq.s32 s7, s2  }
0x1e: {  	s7 =	smul.u32 @!p0 $0xF7A, s2;
	p2 =	seq.s32 @!p0 s5, $0x0  }
0x1f: {  	s9 =	smul.u32 $0xF7A, s1;
	s8 =	simm.s32 @!p0 $0x1BF5;
	p2 =	por !p2, p0  }
0x20: {  	[sflag:s8] =	ssyncset.s32 @!p0 $0xFFFFF086;
	s6 =	sadd.s32 @!p0 s3, s7;
	s7 =	simm.s32 @!p0 $0x108  }
0x21: {  	s3 =	sadd.s32 s3, s9;
	s6 =	sadd.s32 @!p0 $0x88, s6;
	s7 =	simm.s32 @p2 $0x1082  }
0x22: {  	[simem:s7], [sflag:s8] =	dma.local @!p0 [hbm:s6], $0xF7A  }
0x23: {  	s9 =	sor.u32 $0xD0000000, s2;
	s6 =	simm.s32 $0x108;
	_ =	swait.ge @!p0 [sflag:s8], $0x0  }
0x24: {  	s3 =	sadd.s32 $0x88, s3;
	s6 =	simm.s32 @!p1 $0x1082;
	[sflag:s4] =	ssyncset.s32 $0xFFFFF086  }
0x25: {  	[simem:s6], [sflag:s4] =	dma.local [hbm:s3], $0xF7A  }
0x26: {  	[smem:$0x3F9B] =	sst s1;
	(tag) =	ssettag s2;
	_ =	strace s9  }
0x27: {  	s1 =	sld [smem:$0x3FAB]  }
0x28: {  	s2 =	sld [smem:$0x3FAC]  }
0x29: {  	s4 =	sld [smem:$0x3FAE]  }
0x2a: {  	p0 =	seq.s32 s5, $0x0;
	s5 =	sld [smem:$0x3FAF]  }
0x2b: {  	s6 =	sld [smem:$0x3FB0]  }
0x2c: {  	s7 =	sld [smem:$0x3FB1]  }
0x2d: {  	s3 =	simm.s32 $0x108;
	s8 =	sld [smem:$0x3FB2]  }
0x2e: {  	s3 =	simm.s32 @!p0 $0x1082;
	s9 =	sld [smem:$0x3FB3]  }
0x2f: {  	lr =	sadd.s32 s0, s3;
	s0 =	sld [smem:$0x3FAA]  }
0x30: {  	s3 =	sld [smem:$0x3FAD]  }
0x31: {  	[smem:$0x3FB6] =	sst s10  }
0x32: {  	s10 =	sld [smem:$0x3FB4];
	_ =	sdelay $0x3  }
0x33: {  	p0 =	seq.s32 s10, $0x1;
	s10 =	sld [smem:$0x3FB6];
	_ =	sdelay $0x3  }
0x34: {  	[smem:$0x3FB6] =	sst s10  }
0x35: {  	s10 =	sld [smem:$0x3FB5];
	_ =	sdelay $0x3  }
0x36: {  	p1 =	seq.s32 s10, $0x1;
	s10 =	sld [smem:$0x3FB6];
	_ =	sdelay $0x3  }
0x37: {  	[smem:$0x3FB6] =	sst s10  }
0x38: {  	s10 =	sld [smem:$0x3FB7]  }
0x39: {  	_ = 	snop;
	(pc) =	sbr.ind lr, $3  }
0x3a: {  	_ = 	snop  }
0x3b: {  	_ = 	snop  }
0x3c: {  	p2 =	seq.s32 s10, $0x1;
	s10 =	sld [smem:$0x3FB6]  }
0x3d: {  	_ =	shalt  }
0x3e: {  	_ =	shalt  }
0x3f: {  	_ =	shalt  }
0x40: {  	_ =	shalt  }
0x41: {  	_ =	shalt  }
0x42: {  	_ =	shalt  }
0x43: {  	_ =	shalt  }
0x44: {  	_ =	shalt  }
0x45: {  	_ =	shalt  }
0x46: {  	_ =	shalt  }
0x47: {  	_ =	shalt  }
0x48: {  	_ =	shalt  }
0x49: {  	_ =	shalt  }
0x4a: {  	_ =	shalt  }
0x4b: {  	_ =	shalt  }
0x4c: {  	_ =	shalt  }
0x4d: {  	_ =	shalt  }
0x4e: {  	_ =	shalt  }
0x4f: {  	_ =	shalt  }
0x50: {  	_ =	shalt  }
0x51: {  	_ =	shalt  }
0x52: {  	_ =	shalt  }
0x53: {  	_ =	shalt  }
0x54: {  	_ =	shalt  }
0x55: {  	_ =	shalt  }
0x56: {  	_ =	shalt  }
0x57: {  	_ =	shalt  }
0x58: {  	_ =	shalt  }
0x59: {  	_ =	shalt  }
0x5a: {  	_ =	shalt  }
0x5b: {  	_ =	shalt  }
0x5c: {  	_ =	shalt  }
0x5d: {  	_ =	shalt  }
0x5e: {  	_ =	shalt  }
0x5f: {  	_ =	shalt  }
0x60: {  	_ =	shalt  }
0x61: {  	_ =	shalt  }
0x62: {  	_ =	shalt  }
0x63: {  	_ =	shalt  }
0x64: {  	_ =	shalt  }
0x65: {  	_ =	shalt  }
0x66: {  	_ =	shalt  }
0x67: {  	_ =	shalt  }
0x68: {  	_ =	shalt  }
0x69: {  	_ =	shalt  }
0x6a: {  	_ =	shalt  }
0x6b: {  	_ =	shalt  }
0x6c: {  	_ =	shalt  }
0x6d: {  	_ =	shalt  }
0x6e: {  	_ =	shalt  }
0x6f: {  	_ =	shalt  }
0x70: {  	_ =	shalt  }
0x71: {  	_ =	shalt  }
0x72: {  	_ =	shalt  }
0x73: {  	_ =	shalt  }
0x74: {  	_ =	shalt  }
0x75: {  	_ =	shalt  }
0x76: {  	_ =	shalt  }
0x77: {  	_ =	shalt  }
0x78: {  	_ =	shalt  }
0x79: {  	_ =	shalt  }
0x7a: {  	_ =	shalt  }
0x7b: {  	_ =	shalt  }
0x7c: {  	_ =	shalt  }
0x7d: {  	_ =	shalt  }
0x7e: {  	_ =	shalt  }
0x7f: {  	_ =	shalt  }
0x80: {  	_ =	shalt  }
0x81: {  	_ =	shalt  }
0x82: {  	_ =	shalt  }
0x83: {  	_ =	shalt  }
0x84: {  	_ =	shalt  }
0x85: {  	_ =	shalt  }
0x86: {  	_ =	shalt  }
0x87: {  	_ =	shalt  }
.Lfunc_end0:
.L_simem_size_0:
called_computation_lowered:
.L_overlay_start_0:
0x88: {  	s2 =	sld [smem:$0x3FD9]  }
0x89: {  	s3 =	sld [smem:$0x3FFE];
	_ =	sdelay $0x1  }
0x8a: {  	s1 =	srdreg.scid  }
0x8b: {  	s0 =	sand.u32 $0x1, s1  }
0x8c: {  	s17 =	sshll.u32 s0, $0xA;
	s2 =	sadd.s32 s3, s2  }
0x8d: {  	s2 =	sadd.s32 s2, s17  }
0x8e: {  	[smem:$0x3FC2] =	sst s2  }
0x8f: {  	_ = 	snop  }
0x90: {  	s2 =	sld [smem:$0x3FD0];
	(tm) =	ssettm $0x1  }
0x91: {  	s18 =	sld [smem:$0x3FFB];
	_ =	sdelay $0x3  }
0x92: {  	_ =	strace s18  }
0x93: {  	s3 =	sld [smem:$0x3FFC];
	_ =	sdelay $0x3  }
0x94: {  	_ =	strace s3  }
0x95: {  	s3 =	sld [smem:$0x3FFD];
	_ =	sdelay $0x3  }
0x96: {  	_ =	strace s3  }
0x97: {  	_ =	strace $0x8FFFFFFF  }
0x98: {  	s19 =	sld [smem:$0x3FDB];
	_ =	sdelay $0x1  }
0x99: {  	s4 =	simm.s32 $_scs_section_size  }
0x9a: {  	s5 =	simm.s32 $_size__tile_overlayer_lowered;
	s6 =	simm.s32 $_tile_overlayer_lowered  }
0x9b: {  	s22 =	simm.s32 $0x1BFF;
	s21 =	sshll.u32 s6, $0x1;
	s3 =	sadd.s32 s4, s19  }
0x9c: {  	s7 =	simm.s32 $0x0;
	s20 =	sshll.u32 s5, $0x1;
	s5 =	sadd.s32 s21, s3  }
0x9d: {  	[timem:s7], [sflag:s22] =	dma.local [hbm:s5], s20  }
0x9e: {  	_ =	swait.ge [sflag:s22], s20  }
0x9f: {  	s4 =	ssub.s32 $0x0, s20;
	[sflag:s22] =	ssyncset.done $0x0  }
0xa0: {  	[sflag:s22] =	ssyncadd.s32 s4;
	_ =	sdelay $0x1  }
0xa1: {  	s23 =	simm.s32 $0x1B8B  }
0xa2: {  	_ =	swait.ge [sflag:s23], $0x1  }
0xa3: {  	[sflag:s23] =	ssyncset.done $0x0  }
0xa4: {  	s25 =	simm.s32 $0x1B8E;
	s24 =	sld [smem:$0x3FFE];
	[sflag:s23] =	ssyncadd.s32 $0xFFFFFFFF  }
0xa5: {  	s26 =	simm.s32 $execute0_lowered;
	[smem:$0x3FD2] =	sst s25  }
0xa6: {  	s5 =	sshll.u32 s26, $0x1;
	_ =	strace $0x80000046;
	[dreg:$0x1] =	wrdreg $0xFFFFFFFF  }
0xa7: {  	s28 =	simm.s32 $_size_execute0_lowered;
	s3 =	sadd.s32 s3, s5;
	[dreg:$0x0] =	wrdreg $0x0  }
0xa8: {  	s5 =	sshll.u32 s28, $0x1;
	[dreg:$0x2] =	wrdreg s3  }
0xa9: {  	[dreg:$0x3] =	wrdreg s5  }
0xaa: {  	[dreg:$0x4] =	wrdreg $0xC0  }
0xab: {  	_ =	task [dreg:s7], $0x5FFFF  }
0xac: {  	[dreg:$0x1] =	wrdreg $0xFFFFFFFF  }
0xad: {  	[dreg:$0x0] =	wrdreg $0x60  }
0xae: {  	[dreg:$0x2] =	wrdreg s24  }
0xaf: {  	[dreg:$0x3] =	wrdreg s2  }
0xb0: {  	[dreg:$0x4] =	wrdreg $0x9  }
0xb1: {  	_ =	task.clear_ibuf [dreg:s7], $0x5FFFF;
	_ =	strace $0x90000046  }
0xb2: {  	s29 =	simm.s32 $0x9;
	_ =	strace $0x80000048  }
0xb3: {  	_ =	swait.ge [sflag:s29], $0x1  }
0xb4: {  	[sflag:s29] =	ssyncadd.s32 $0xFFFFFFFF  }
0xb5: {  	_ =	strace $0x90000048  }
0xb6: {  	_ =	sfence  }
0xb7: {  	s30 =	sld [smem:$0x0];
	_ =	sdelay $0x2  }
0xb8: {  	s31 =	sshll.u32 s1, $0xD;
	s1 =	sshrl.u32 s1, $0x2  }
0xb9: {  	s3 =	sand.u32 $0x4000, s31;
	s1 =	sadd.s32 s1, s30  }
0xba: {  	s0 =	sor.u32 s3, s0;
	s1 =	sshll.u32 s1, $0x11  }
0xbb: {  	s0 =	sor.u32 s1, s0  }
0xbc: {  	s0 =	sadd.s32 $0x8F2B, s0  }
0xbd: {  	[sflag:s0] =	ssyncadd.remote.s32 $0x1  }
0xbe: {  	_ =	sfence.sel $0xFFFF  }
0xbf: {  	[dreg:$0x0] =	wrdreg $0xFFFFFFFF;
	(pc) =	sbr.abs _section_cstart, $3  }
0xc0: {  	[dreg:$0x1] =	wrdreg $0xFFFFFFFF  }
0xc1: {  	_ =	task.clear_ibuf [dreg:s7], $0x2FFFF;
	_ =	strace $0x9FFFFFFF  }
0xc2: {  	(tm) =	ssettm $0x7FFFFFFF  }
0xc3: {  	_ =	shalt  }
tec
execute0_lowered:
.L_overlay_start_1:
0x0: {  	(tag) =	ssettag $0x1  }
0x1: {  	s1 =	srdreg.scid;
	s0 =	stileid.u32  }
0x2: {  	s3 =	rddreg [dreg:$0x0];
	s4 =	sand.u32 $0x1, s1;
	s6 =	sshll.u32 s0, $0x1  }
0x3: {  	s5 =	rddreg [dreg:$0x1];
	s2 =	simm.s32 $0x0;
	s6 =	sor.u32 s4, s6  }
0x4: {  	s1 =	rddreg [dreg:$0x2];
	s4 =	ssub.s32 $0x2, s4;
	s6 =	smul.u32 $0x500, s6  }
0x5: {  	s9 =	simm.s32 $0x0;
	[smem:$0x7FF] =	sst s2;
	s7 =	sshrl.u32 s4, $0x1  }
0x6: {  	_ =	strace $0x80000047;
	s7 =	ssub.s32 s4, s7;
	s8 =	sadd.s32 s6, s3  }
0x7: {  	s3 =	sadd.s32 $0xBE00, s3;
	s5 =	sadd.s32 s5, s6;
	s6 =	smax.u32 s7, $0x1  }
0x8: {  	v0 =	vimm.f32 $1.000000000e+00;
	s7 =	simm.s32 $0x1;
	s4 =	sadd.s32 $0x1E00, s8;
	s8 =	simm.s32 $0x2800  }
.LBB2_1:
0x9: {  	[tilespmem:s2], [sflag:$0x1] =	stream.linear.gather [hbm4b:s3+s2], $0x2800, $0x38;
	[tilespmem:$0x5000] =	vst v63  }
0xa: {  	_ =	swait.ge [sflag:s7], $0x2800  }
0xb: {  	[sflag:s7] =	ssyncset.done $0x0  }
0xc: {  	[sflag:s7] =	ssyncadd.s32 $0xFFFFD800  }
0xd: {  	[tilespmem:s8], [sflag:$0x1] =	stream.linear.gather [hbm4b:s4+s2], $0x2800, $0x38;
	[tilespmem:$0x5000] =	vst v63  }
0xe: {  	_ =	swait.ge [sflag:s7], $0x2800  }
0xf: {  	[sflag:s7] =	ssyncset.done $0x0  }
0x10: {  	s10 =	simm.s32 $0x0;
	[sflag:s7] =	ssyncadd.s32 $0xFFFFD800  }
.LBB2_2:
0x11: {  	s11 =	sshra.s32 s10, $0x2  }
0x12: {  	v1 =	vld [tilespmem:s11+$0x2800];
	_ =	sdelay $0x7  }
0x13: {  	[tilespmem:v1+s2+$0x0] =	vst.idx.add.f32.msk $0xffff, v0  }
0x14: {  	v1 =	vld [tilespmem:s11+$0x2810];
	_ =	sdelay $0x7  }
0x15: {  	[tilespmem:v1+s2+$0x0] =	vst.idx.add.f32.msk $0xffff, v0  }
0x16: {  	v1 =	vld [tilespmem:s11+$0x2820];
	_ =	sdelay $0x7  }
0x17: {  	[tilespmem:v1+s2+$0x0] =	vst.idx.add.f32.msk $0xffff, v0  }
0x18: {  	v1 =	vld [tilespmem:s11+$0x2830];
	_ =	sdelay $0x7  }
0x19: {  	[tilespmem:v1+s2+$0x0] =	vst.idx.add.f32.msk $0xffff, v0  }
0x1a: {  	v1 =	vld [tilespmem:s11+$0x2840];
	_ =	sdelay $0x7  }
0x1b: {  	[tilespmem:v1+s2+$0x0] =	vst.idx.add.f32.msk $0xffff, v0  }
0x1c: {  	v1 =	vld [tilespmem:s11+$0x2850];
	_ =	sdelay $0x7  }
0x1d: {  	[tilespmem:v1+s2+$0x0] =	vst.idx.add.f32.msk $0xffff, v0  }
0x1e: {  	v1 =	vld [tilespmem:s11+$0x2860];
	_ =	sdelay $0x7  }
0x1f: {  	[tilespmem:v1+s2+$0x0] =	vst.idx.add.f32.msk $0xffff, v0  }
0x20: {  	v1 =	vld [tilespmem:s11+$0x2870];
	_ =	sdelay $0x2  }
0x21: {  	p0 =	sne.s32 s10, $0x9E00  }
.Ltmp0:
0x22: {  	_ = 	snop;
	(pc) =	sbr.rel @p0 .LBB2_2-.Ltmp0, $2  }
0x23: {  	_ =	sdelay $0x2  }
0x24: {  	s10 =	sadd.s32 $0x200, s10;
	[tilespmem:v1+s2+$0x0] =	vst.idx.add.f32.msk $0xffff, v0  }
0x25: {  	s9 =	sadd.s32 $0x1, s9  }
0x26: {  	p0 =	sne.s32 s9, s6  }
.Ltmp1:
0x27: {  	_ = 	snop;
	(pc) =	sbr.rel @p0 .LBB2_1-.Ltmp1, $4  }
0x28: {  	[hbm4b:s5+s2] =	stream.linear.scatter [tilespmem:s2], [sflag:$0x1], $0x2800, $0x38;
	[tilespmem:$0x5000] =	vst v63  }
0x29: {  	_ =	swait.ge [sflag:s7], $0x2800  }
0x2a: {  	[sflag:s7] =	ssyncset.done $0x0  }
0x2b: {  	[sflag:s7] =	ssyncadd.s32 $0xFFFFD800  }
0x2c: {  	_ =	sfence.sel $0x180000  }
0x2d: {  	[bflag:$0x0] =	sbarrier.arrive $0xFFFF  }
0x2e: {  	p0 =	sne.s32 s0, $0x0;
	_ =	strace $0x90000047  }
0x2f: {  	s0 =	sadd.s32 @!p0 $0x100000, s1;
	[bflag:$0x2] =	sbarrier.arrive $0xFFFF  }
0x30: {  	[sflag:s0] =	ssyncadd.tile.s32 @!p0 $0x1;
	_ =	shalt  }
.Lfunc_end2:
_tile_overlayer_lowered:
.L_overlay_start_2:
0x31: {  	(tag) =	ssettag $0x2  }
0x32: {  	s0 =	rddreg [dreg:$0x0];
	s2 =	stileid.u32  }
0x33: {  	s1 =	rddreg [dreg:$0x1];
	p0 =	sne.s32 s2, $0x0  }
0x34: {  	s3 =	rddreg [dreg:$0x2];
	[bflag:$0x3] =	sbarrier.arrive $0xFFFF;
	s2 =	simm.s32 @!p0 $0x1C01  }
0x35: {  	[timem:s3], [sflag:s2] =	dma.local @!p0 [hbm:s0], s1  }
0x36: {  	s0 =	simm.s32 @!p0 $0x1  }
0x37: {  	_ =	swait.ge @!p0 [sflag:s0], s1  }
0x38: {  	s1 =	ssub.s32 @!p0 $0x0, s1;
	[sflag:s0] =	ssyncset.done @!p0 $0x0  }
0x39: {  	[sflag:s0] =	ssyncadd.s32 @!p0 s1  }
0x3a: {  	[bflag:$0x3] =	sbarrier.arrive $0xFFFF  }
0x3b: {  	_ =	shalt  }

</sc_bundles>
